<compile_context>
chip_gen: v7x
topology: tpu7x:2x2x1
jax: 0.10.2.dev20260603
libtpu: 0.0.44.dev20260713+nightly
codegen_flags: <defaults>
</compile_context>

<pallas_src>
import functools

import jax
import jax.numpy as jnp
from jax import lax
from jax.experimental import pallas as pl
from jax.experimental.pallas import tpu as pltpu
from jax.experimental.pallas import tpu_sc as plsc

D = 128
LANES = 16
CHUNK = 128


@functools.partial(jax.jit, static_argnums=(4,))
def _embed(typ, val, rule_table, token_table, n_workers):
    n = typ.shape[0]
    per_w = n // n_workers
    mesh = plsc.VectorSubcoreMesh(core_axis_name="c", subcore_axis_name="s")
    num_cores = mesh.num_cores
    nrows = (per_w + CHUNK) // CHUNK
    sel_cap = nrows * CHUNK + LANES

    @functools.partial(
        pl.kernel,
        out_type=jax.ShapeDtypeStruct((n, D), jnp.float32),
        mesh=mesh,
        scratch_types=[
            pltpu.VMEM((per_w,), jnp.int32),
            pltpu.VMEM((per_w,), jnp.int32),
            pltpu.VMEM((sel_cap,), jnp.int32),
            pltpu.VMEM((nrows, CHUNK), jnp.int32),
            pltpu.VMEM((sel_cap,), jnp.int32),
            pltpu.VMEM((nrows, CHUNK), jnp.int32),
            pltpu.VMEM((CHUNK, D), jnp.float32),
            pltpu.VMEM((CHUNK, D), jnp.float32),
            pltpu.VMEM((CHUNK, D), jnp.float32),
            pltpu.VMEM((CHUNK, D), jnp.float32),
            pltpu.SemaphoreType.DMA,
            pltpu.SemaphoreType.DMA,
            pltpu.SemaphoreType.DMA,
            pltpu.SemaphoreType.DMA,
            pltpu.SemaphoreType.DMA,
            pltpu.SemaphoreType.DMA,
            pltpu.SemaphoreType.DMA,
            pltpu.SemaphoreType.DMA,
        ],
        compiler_params=pltpu.CompilerParams(needs_layout_passes=False),
    )
    def body(typ_hbm, val_hbm, rule_hbm, token_hbm, out_hbm,
             typ_v, val_v, selr, posr, selt, post,
             rows0, rows1, rows2, rows3, gsem0, gsem1, gsem2, gsem3,
             ssem0, ssem1, ssem2, ssem3):
        wid = lax.axis_index("s") * num_cores + lax.axis_index("c")
        base = wid * per_w
        c0 = pltpu.async_copy(typ_hbm.at[pl.ds(base, per_w)], typ_v, gsem0)
        c1 = pltpu.async_copy(val_hbm.at[pl.ds(base, per_w)], val_v, gsem1)
        c0.wait()
        c1.wait()

        lanes = lax.iota(jnp.int32, LANES)
        zero = jnp.zeros((LANES,), jnp.int32)
        full = jnp.full((LANES,), LANES, jnp.int32)
        chunkv = jnp.full((LANES,), CHUNK, jnp.int32)

        def _splat(x):
            return jnp.full((LANES,), x, jnp.int32)

        dnums = lax.GatherDimensionNumbers(
            offset_dims=(), collapsed_slice_dims=(0,), start_index_map=(0,))
        gather16 = functools.partial(
            lax.gather, dimension_numbers=dnums, slice_sizes=(1,),
            mode=lax.GatherScatterMode.PROMISE_IN_BOUNDS)

        def part_body(i, carry):
            r, t = carry
            ty = typ_v[pl.ds(i * LANES, LANES)]
            v = val_v[pl.ds(i * LANES, LANES)]
            pos = _splat(base + i * LANES) + lanes
            mr = ty == zero
            cr = plsc.all_reduce_population_count(mr)
            _, v_s = plsc.sort_key_val(ty, v)
            _, p_s = plsc.sort_key_val(ty, pos)
            is_rule = lanes < cr
            is_tok = lanes >= cr
            destr = r + lanes
            destt = t + lanes - cr
            plsc.store_scatter(selr, [destr], v_s, mask=is_rule)
            plsc.store_scatter(posr, [destr // chunkv, destr % chunkv],
                               p_s, mask=is_rule)
            plsc.store_scatter(selt, [destt], v_s, mask=is_tok)
            plsc.store_scatter(post, [destt // chunkv, destt % chunkv],
                               p_s, mask=is_tok)
            return r + cr, t + (full - cr)

        r_fin, t_fin = lax.fori_loop(
            0, per_w // LANES, part_body, (zero, zero))
        n_rule = r_fin[0]
        n_tok = per_w - n_rule

        def pad_tail(sel, pos2, cnt):
            @pl.when(cnt > 0)
            def _():
                last = cnt - 1
                w = (last // LANES) * LANES
                lane = _splat(last - w)
                s_last = gather16(sel[pl.ds(w, LANES)], lane[:, None])
                pvec = pos2[w // CHUNK, pl.ds(w % CHUNK, LANES)]
                p_last = gather16(pvec, lane[:, None])
                always = lanes >= zero
                for j in range(CHUNK // LANES):
                    sel[pl.ds(cnt + j * LANES, LANES)] = s_last
                    flat = _splat(cnt + j * LANES) + lanes
                    plsc.store_scatter(
                        pos2, [flat // chunkv, flat % chunkv],
                        p_last, mask=always)

        pad_tail(selr, posr, n_rule)
        pad_tail(selt, post, n_tok)

        bufs = (rows0, rows1, rows2, rows3)
        gsems = (gsem0, gsem1, gsem2, gsem3)
        ssems = (ssem0, ssem1, ssem2, ssem3)

        def sweep(table_hbm, sel, pos2, cnt):
            nch = (cnt + CHUNK - 1) // CHUNK
            dummy = table_hbm.at[pl.ds(0, CHUNK)]

            def gath(c, b):
                pltpu.async_copy(
                    table_hbm.at[sel.at[pl.ds(c * CHUNK, CHUNK)]],
                    bufs[b], gsems[b])

            def drain_gather(b):
                pltpu.make_async_copy(dummy, bufs[b], gsems[b]).wait()

            def scat(c, b):
                pltpu.async_copy(bufs[b], out_hbm.at[pos2.at[c]], ssems[b])

            def drain_scat(b):
                pltpu.make_async_copy(dummy, bufs[b], ssems[b]).wait()

            @pl.when(nch > 0)
            def _():
                gath(0, 0)

            @pl.when(nch > 1)
            def _():
                gath(1, 1)

            def chunk_body(i, carry):
                m = lax.rem(i, 4)
                issue_next = i + 2 < nch

                for b in range(4):
                    sel_b = jnp.logical_and(issue_next, m == (b + 2) % 4)

                    @pl.when(jnp.logical_and(sel_b, i > 1))
                    def _(b=b):
                        drain_scat(b)

                    @pl.when(sel_b)
                    def _(b=b):
                        gath(i + 2, b)

                for b in range(4):
                    @pl.when(m == b)
                    def _(b=b):
                        drain_gather(b)
                        scat(i, b)

                return carry

            lax.fori_loop(0, nch, chunk_body, 0)

            for b in range(4):
                @pl.when(nch > b)
                def _(b=b):
                    drain_scat(b)

        sweep(rule_hbm, selr, posr, n_rule)
        sweep(token_hbm, selt, post, n_tok)

    return body(typ, val, rule_table, token_table)


def kernel(action_type, action_value, rule_table, token_table):
    b, l = action_value.shape
    typ = action_type.reshape(-1).astype(jnp.int32)
    val = action_value.reshape(-1).astype(jnp.int32)
    info = plsc.get_sparse_core_info()
    n_workers = info.num_cores * info.num_subcores
    out = _embed(typ, val, rule_table, token_table, n_workers)
    return out.reshape(b, l, D)

# --- scband reference (transcript-rebuilt; emitter-appended) ---
"""Pipeline reference for scband-action-embed-7524782702663 (READ-ONLY COPY).

The authoritative reference and input builder live on the scoring server;
editing this copy changes nothing except your own understanding.
"""

import jax, jax.numpy as jnp
import numpy as np

ACTION_EMBEDDING_SIZE = 128
RULE_VOCAB = 100000
TOKEN_VOCAB = 100000
B, L = 1024, 200


def setup_inputs(seed: int = 0) -> dict:
    key = jax.random.key(seed)
    k1, k2, k3, k4 = jax.random.split(key, 4)
    action_type = jax.random.randint(k1, (B, L, 1), 0, 2, dtype=jnp.int64 if jax.config.read('jax_enable_x64') else jnp.int32).astype(jnp.int32)
    action_value = jax.random.randint(k2, (B, L), 0, min(RULE_VOCAB, TOKEN_VOCAB), dtype=jnp.int32)
    # learned parameters: rule embedding table (normal stddev=1.0 per flax init) and token embedding table
    rule_table = jax.random.normal(k3, (RULE_VOCAB, ACTION_EMBEDDING_SIZE), dtype=jnp.float32) * 1.0
    token_table = jax.random.normal(k4, (TOKEN_VOCAB, ACTION_EMBEDDING_SIZE), dtype=jnp.float32) * 0.02
    return {
        'action_type': action_type,
        'action_value': action_value,
        'rule_table': rule_table,
        'token_table': token_table,
    }


def reference(action_type, action_value, rule_table, token_table):
    # rule_embedding lookup
    rule_emb = jnp.take(rule_table, action_value, axis=0)   # [B, L, 128]
    # token_embedding lookup (the passed-in token_embedding module applied to action_value)
    token_emb = jnp.take(token_table, action_value, axis=0)  # [B, L, 128]
    # select per action_type: 0 -> rule embedding, 1 -> token embedding
    action_emb = jnp.equal(action_type, jnp.array(0)) * rule_emb + jnp.equal(action_type, jnp.array(1)) * token_emb
    return action_emb

if __name__ == "__main__":
    import jax
    _d = setup_inputs()
    print(jax.jit(kernel)(*tuple(_d.values())))

</pallas_src>

<mosaic_0001>
#map = affine_map<(d0, d1) -> (0)>
#map1 = affine_map<(d0, d1) -> (0, 0)>
module attributes {stable_mosaic.version = 14 : i64} {
  func.func @body(%arg0: i32, %arg1: i32, %arg2: memref<204800xi32, #tpu.memory_space<hbm>>, %arg3: memref<204800xi32, #tpu.memory_space<hbm>>, %arg4: memref<100000x128xf32, #tpu.memory_space<hbm>>, %arg5: memref<100000x128xf32, #tpu.memory_space<hbm>>, %arg6: memref<204800x128xf32, #tpu.memory_space<hbm>>, %arg7: memref<6400xi32, #tpu.memory_space<vmem>>, %arg8: memref<6400xi32, #tpu.memory_space<vmem>>, %arg9: memref<6544xi32, #tpu.memory_space<vmem>>, %arg10: memref<51x128xi32, #tpu.memory_space<vmem>>, %arg11: memref<6544xi32, #tpu.memory_space<vmem>>, %arg12: memref<51x128xi32, #tpu.memory_space<vmem>>, %arg13: memref<128x128xf32, #tpu.memory_space<vmem>>, %arg14: memref<128x128xf32, #tpu.memory_space<vmem>>, %arg15: memref<128x128xf32, #tpu.memory_space<vmem>>, %arg16: memref<128x128xf32, #tpu.memory_space<vmem>>, %arg17: memref<!tpu.dma_semaphore, #tpu.memory_space<semaphore_mem>>, %arg18: memref<!tpu.dma_semaphore, #tpu.memory_space<semaphore_mem>>, %arg19: memref<!tpu.dma_semaphore, #tpu.memory_space<semaphore_mem>>, %arg20: memref<!tpu.dma_semaphore, #tpu.memory_space<semaphore_mem>>, %arg21: memref<!tpu.dma_semaphore, #tpu.memory_space<semaphore_mem>>, %arg22: memref<!tpu.dma_semaphore, #tpu.memory_space<semaphore_mem>>, %arg23: memref<!tpu.dma_semaphore, #tpu.memory_space<semaphore_mem>>, %arg24: memref<!tpu.dma_semaphore, #tpu.memory_space<semaphore_mem>>) attributes {dimension_semantics = [#tpu.dimension_semantics<core_parallel>, #tpu.dimension_semantics<subcore_parallel>], iteration_bounds = array<i64: 2, 16>, scalar_prefetch = 0 : i64, scratch_operands = 18 : i64, tpu.core_type = #tpu.core_type<sc_vector_subcore>, window_params = [{transform_indices = #map}, {transform_indices = #map}, {transform_indices = #map1}, {transform_indices = #map1}, {transform_indices = #map1}]} {
    %mul3A = arith.constant 2 : i32
    %mul3A_0 = arith.muli %arg1, %mul3A : i32
    %add3A = arith.addi %mul3A_0, %arg0 : i32
    %mul3A_1 = arith.constant 6400 : i32
    %mul3A_2 = arith.muli %add3A, %mul3A_1 : i32
    %dma_start3A = tpu.memref_slice %arg2[%mul3A_2] : memref<204800xi32, #tpu.memory_space<hbm>> -> memref<6400xi32, #tpu.memory_space<hbm>>
    %dma_start3A_3 = tpu.memref_slice %arg2[%mul3A_2] : memref<204800xi32, #tpu.memory_space<hbm>> -> memref<6400xi32, #tpu.memory_space<hbm>>
    tpu.enqueue_dma source(%dma_start3A_3 : memref<6400xi32, #tpu.memory_space<hbm>>) target(%arg7 : memref<6400xi32, #tpu.memory_space<vmem>>) target_semaphore(%arg17 : memref<!tpu.dma_semaphore, #tpu.memory_space<semaphore_mem>>)
    %dma_start3A_4 = tpu.memref_slice %arg3[%mul3A_2] : memref<204800xi32, #tpu.memory_space<hbm>> -> memref<6400xi32, #tpu.memory_space<hbm>>
    %dma_start3A_5 = tpu.memref_slice %arg3[%mul3A_2] : memref<204800xi32, #tpu.memory_space<hbm>> -> memref<6400xi32, #tpu.memory_space<hbm>>
    tpu.enqueue_dma source(%dma_start3A_5 : memref<6400xi32, #tpu.memory_space<hbm>>) target(%arg8 : memref<6400xi32, #tpu.memory_space<vmem>>) target_semaphore(%arg18 : memref<!tpu.dma_semaphore, #tpu.memory_space<semaphore_mem>>)
    %dma_wait3A = tpu.memref_slice %arg2[%mul3A_2] : memref<204800xi32, #tpu.memory_space<hbm>> -> memref<6400xi32, #tpu.memory_space<hbm>>
    %dma_wait3A_6 = tpu.memref_slice %arg2[%mul3A_2] : memref<204800xi32, #tpu.memory_space<hbm>> -> memref<6400xi32, #tpu.memory_space<hbm>>
    tpu.wait_dma2 semaphore(%arg17 : memref<!tpu.dma_semaphore, #tpu.memory_space<semaphore_mem>>) src(%dma_wait3A_6 : memref<6400xi32, #tpu.memory_space<hbm>>) dst(%arg7 : memref<6400xi32, #tpu.memory_space<vmem>>)
    %dma_wait3A_7 = tpu.memref_slice %arg3[%mul3A_2] : memref<204800xi32, #tpu.memory_space<hbm>> -> memref<6400xi32, #tpu.memory_space<hbm>>
    %dma_wait3A_8 = tpu.memref_slice %arg3[%mul3A_2] : memref<204800xi32, #tpu.memory_space<hbm>> -> memref<6400xi32, #tpu.memory_space<hbm>>
    tpu.wait_dma2 semaphore(%arg18 : memref<!tpu.dma_semaphore, #tpu.memory_space<semaphore_mem>>) src(%dma_wait3A_8 : memref<6400xi32, #tpu.memory_space<hbm>>) dst(%arg8 : memref<6400xi32, #tpu.memory_space<vmem>>)
    %iota3A = tpu.iota {dimensions = array<i32: 0>} : vector<16xi32>
    %broadcast_in_dim3A = arith.constant 0 : i32
    %broadcast_in_dim3A_9 = vector.broadcast %broadcast_in_dim3A : i32 to vector<16xi32>
    %broadcast_in_dim3A_10 = arith.constant 16 : i32
    %broadcast_in_dim3A_11 = vector.broadcast %broadcast_in_dim3A_10 : i32 to vector<16xi32>
    %broadcast_in_dim3A_12 = arith.constant 128 : i32
    %broadcast_in_dim3A_13 = vector.broadcast %broadcast_in_dim3A_12 : i32 to vector<16xi32>
    %scan3A = arith.constant 0 : i32
    %scan3A_14 = arith.constant 400 : i32
    %scan3A_15 = arith.addi %scan3A, %scan3A_14 : i32
    %scan3A_16 = arith.constant 1 : i32
    %scan3A_17:2 = scf.for %scan3A_155 = %scan3A to %scan3A_15 step %scan3A_16 iter_args(%scan3A_156 = %broadcast_in_dim3A_9, %scan3A_157 = %broadcast_in_dim3A_9) -> (vector<16xi32>, vector<16xi32>)  : i32 {
      %mul3A_158 = arith.constant 16 : i32
      %mul3A_159 = arith.muli %scan3A_155, %mul3A_158 : i32
      %get3A = arith.index_cast %mul3A_159 : i32 to index
      %get3A_160 = tpu.vector_load %arg7[%get3A] {strides = array<i32>} : memref<6400xi32, #tpu.memory_space<vmem>>, vector<16xi32>,
      %mul3A_161 = arith.constant 16 : i32
      %mul3A_162 = arith.muli %scan3A_155, %mul3A_161 : i32
      %get3A_163 = arith.index_cast %mul3A_162 : i32 to index
      %get3A_164 = tpu.vector_load %arg8[%get3A_163] {strides = array<i32>} : memref<6400xi32, #tpu.memory_space<vmem>>, vector<16xi32>,
      %mul3A_165 = arith.constant 16 : i32
      %mul3A_166 = arith.muli %scan3A_155, %mul3A_165 : i32
      %add3A_167 = arith.addi %mul3A_2, %mul3A_166 : i32
      %broadcast_in_dim3A_168 = vector.broadcast %add3A_167 : i32 to vector<16xi32>
      %add3A_169 = arith.addi %broadcast_in_dim3A_168, %iota3A : vector<16xi32>
      %eq3A = arith.cmpi eq, %get3A_160, %broadcast_in_dim3A_9 : vector<16xi32>
      %all_reduce_population_count3A = tpu.all_reduce %eq3A {dim = 0 : i64, kind = #tpu.reduction_kind<sum>} : vector<16xi1> -> vector<16xi32>
      %masked_sort3A = arith.constant dense<true> : vector<16xi1>
      %masked_sort3A_170 = arith.constant -2147483648 : i32
      %masked_sort3A_171 = vector.broadcast %masked_sort3A_170 : i32 to vector<16xi32>
      %masked_sort3A_172 = arith.xori %get3A_160, %masked_sort3A_171 : vector<16xi32>
      %masked_sort3A_173, %masked_sort3A_174, %masked_sort3A_175 = tpu.sort %masked_sort3A_172, %get3A_164 masked %masked_sort3A : (vector<16xi32>, vector<16xi32>, vector<16xi1>) -> (vector<16xi1>, vector<16xi32>, vector<16xi32>)
      %masked_sort3A_176 = arith.xori %masked_sort3A_174, %masked_sort3A_171 : vector<16xi32>
      %masked_sort3A_177 = arith.constant dense<true> : vector<16xi1>
      %masked_sort3A_178 = arith.constant -2147483648 : i32
      %masked_sort3A_179 = vector.broadcast %masked_sort3A_178 : i32 to vector<16xi32>
      %masked_sort3A_180 = arith.xori %get3A_160, %masked_sort3A_179 : vector<16xi32>
      %masked_sort3A_181, %masked_sort3A_182, %masked_sort3A_183 = tpu.sort %masked_sort3A_180, %add3A_169 masked %masked_sort3A_177 : (vector<16xi32>, vector<16xi32>, vector<16xi1>) -> (vector<16xi1>, vector<16xi32>, vector<16xi32>)
      %masked_sort3A_184 = arith.xori %masked_sort3A_182, %masked_sort3A_179 : vector<16xi32>
      %lt3A = arith.cmpi slt, %iota3A, %all_reduce_population_count3A : vector<16xi32>
      %ge3A = arith.cmpi sge, %iota3A, %all_reduce_population_count3A : vector<16xi32>
      %add3A_185 = arith.addi %scan3A_156, %iota3A : vector<16xi32>
      %add3A_186 = arith.addi %scan3A_157, %iota3A : vector<16xi32>
      %sub3A_187 = arith.subi %add3A_186, %all_reduce_population_count3A : vector<16xi32>
      tpu.vector_store_idx %arg9[%add3A_185], %masked_sort3A_175 masked %lt3A : memref<6544xi32, #tpu.memory_space<vmem>>[vector<16xi32>], vector<16xi32>, vector<16xi1>
      %div3A_188 = arith.divsi %add3A_185, %broadcast_in_dim3A_13 : vector<16xi32>
      %sign3A_189 = arith.constant 0 : i32
      %sign3A_190 = vector.broadcast %sign3A_189 : i32 to vector<16xi32>
      %sign3A_191 = arith.cmpi sgt, %add3A_185, %sign3A_190 : vector<16xi32>
      %sign3A_192 = arith.extui %sign3A_191 : vector<16xi1> to vector<16xi32>
      %sign3A_193 = arith.constant 0 : i32
      %sign3A_194 = vector.broadcast %sign3A_193 : i32 to vector<16xi32>
      %sign3A_195 = arith.cmpi slt, %add3A_185, %sign3A_194 : vector<16xi32>
      %sign3A_196 = arith.extui %sign3A_195 : vector<16xi1> to vector<16xi32>
      %sign3A_197 = arith.subi %sign3A_192, %sign3A_196 : vector<16xi32>
      %sign3A_198 = arith.constant 0 : i32
      %sign3A_199 = vector.broadcast %sign3A_198 : i32 to vector<16xi32>
      %sign3A_200 = arith.cmpi sgt, %broadcast_in_dim3A_13, %sign3A_199 : vector<16xi32>
      %sign3A_201 = arith.extui %sign3A_200 : vector<16xi1> to vector<16xi32>
      %sign3A_202 = arith.constant 0 : i32
      %sign3A_203 = vector.broadcast %sign3A_202 : i32 to vector<16xi32>
      %sign3A_204 = arith.cmpi slt, %broadcast_in_dim3A_13, %sign3A_203 : vector<16xi32>
      %sign3A_205 = arith.extui %sign3A_204 : vector<16xi1> to vector<16xi32>
      %sign3A_206 = arith.subi %sign3A_201, %sign3A_205 : vector<16xi32>
      %ne3A_207 = arith.cmpi ne, %sign3A_197, %sign3A_206 : vector<16xi32>
      %rem3A_208 = arith.remsi %add3A_185, %broadcast_in_dim3A_13 : vector<16xi32>
      %ne3A_209 = arith.constant 0 : i32
      %ne3A_210 = vector.broadcast %ne3A_209 : i32 to vector<16xi32>
      %ne3A_211 = arith.cmpi ne, %rem3A_208, %ne3A_210 : vector<16xi32>
      %and3A_212 = arith.andi %ne3A_207, %ne3A_211 : vector<16xi1>
      %sub3A_213 = arith.constant 1 : i32
      %sub3A_214 = vector.broadcast %sub3A_213 : i32 to vector<16xi32>
      %sub3A_215 = arith.subi %div3A_188, %sub3A_214 : vector<16xi32>
      %select_n3A_216 = arith.select %and3A_212, %sub3A_215, %div3A_188 : vector<16xi1>, vector<16xi32>
      %eq3A_217 = arith.constant 0 : i32
      %eq3A_218 = vector.broadcast %eq3A_217 : i32 to vector<16xi32>
      %eq3A_219 = arith.cmpi eq, %broadcast_in_dim3A_13, %eq3A_218 : vector<16xi32>
      %broadcast_in_dim3A_220 = arith.constant 1 : i32
      %broadcast_in_dim3A_221 = vector.broadcast %broadcast_in_dim3A_220 : i32 to vector<16xi32>
      %select_n3A_222 = arith.select %eq3A_219, %broadcast_in_dim3A_221, %broadcast_in_dim3A_13 : vector<16xi1>, vector<16xi32>
      %rem3A_223 = arith.remsi %add3A_185, %select_n3A_222 : vector<16xi32>
      %ne3A_224 = arith.constant 0 : i32
      %ne3A_225 = vector.broadcast %ne3A_224 : i32 to vector<16xi32>
      %ne3A_226 = arith.cmpi ne, %rem3A_223, %ne3A_225 : vector<16xi32>
      %lt3A_227 = arith.constant 0 : i32
      %lt3A_228 = vector.broadcast %lt3A_227 : i32 to vector<16xi32>
      %lt3A_229 = arith.cmpi slt, %rem3A_223, %lt3A_228 : vector<16xi32>
      %lt3A_230 = arith.constant 0 : i32
      %lt3A_231 = vector.broadcast %lt3A_230 : i32 to vector<16xi32>
      %lt3A_232 = arith.cmpi slt, %select_n3A_222, %lt3A_231 : vector<16xi32>
      %ne3A_233 = arith.xori %lt3A_229, %lt3A_232 : vector<16xi1>
      %and3A_234 = arith.andi %ne3A_233, %ne3A_226 : vector<16xi1>
      %add3A_235 = arith.addi %rem3A_223, %select_n3A_222 : vector<16xi32>
      %select_n3A_236 = arith.select %and3A_234, %add3A_235, %rem3A_223 : vector<16xi1>, vector<16xi32>
      tpu.vector_store_idx %arg10[%select_n3A_216, %select_n3A_236], %masked_sort3A_183 masked %lt3A : memref<51x128xi32, #tpu.memory_space<vmem>>[vector<16xi32>, vector<16xi32>], vector<16xi32>, vector<16xi1>
      tpu.vector_store_idx %arg11[%sub3A_187], %masked_sort3A_175 masked %ge3A : memref<6544xi32, #tpu.memory_space<vmem>>[vector<16xi32>], vector<16xi32>, vector<16xi1>
      %div3A_237 = arith.divsi %sub3A_187, %broadcast_in_dim3A_13 : vector<16xi32>
      %sign3A_238 = arith.constant 0 : i32
      %sign3A_239 = vector.broadcast %sign3A_238 : i32 to vector<16xi32>
      %sign3A_240 = arith.cmpi sgt, %sub3A_187, %sign3A_239 : vector<16xi32>
      %sign3A_241 = arith.extui %sign3A_240 : vector<16xi1> to vector<16xi32>
      %sign3A_242 = arith.constant 0 : i32
      %sign3A_243 = vector.broadcast %sign3A_242 : i32 to vector<16xi32>
      %sign3A_244 = arith.cmpi slt, %sub3A_187, %sign3A_243 : vector<16xi32>
      %sign3A_245 = arith.extui %sign3A_244 : vector<16xi1> to vector<16xi32>
      %sign3A_246 = arith.subi %sign3A_241, %sign3A_245 : vector<16xi32>
      %sign3A_247 = arith.constant 0 : i32
      %sign3A_248 = vector.broadcast %sign3A_247 : i32 to vector<16xi32>
      %sign3A_249 = arith.cmpi sgt, %broadcast_in_dim3A_13, %sign3A_248 : vector<16xi32>
      %sign3A_250 = arith.extui %sign3A_249 : vector<16xi1> to vector<16xi32>
      %sign3A_251 = arith.constant 0 : i32
      %sign3A_252 = vector.broadcast %sign3A_251 : i32 to vector<16xi32>
      %sign3A_253 = arith.cmpi slt, %broadcast_in_dim3A_13, %sign3A_252 : vector<16xi32>
      %sign3A_254 = arith.extui %sign3A_253 : vector<16xi1> to vector<16xi32>
      %sign3A_255 = arith.subi %sign3A_250, %sign3A_254 : vector<16xi32>
      %ne3A_256 = arith.cmpi ne, %sign3A_246, %sign3A_255 : vector<16xi32>
      %rem3A_257 = arith.remsi %sub3A_187, %broadcast_in_dim3A_13 : vector<16xi32>
      %ne3A_258 = arith.constant 0 : i32
      %ne3A_259 = vector.broadcast %ne3A_258 : i32 to vector<16xi32>
      %ne3A_260 = arith.cmpi ne, %rem3A_257, %ne3A_259 : vector<16xi32>
      %and3A_261 = arith.andi %ne3A_256, %ne3A_260 : vector<16xi1>
      %sub3A_262 = arith.constant 1 : i32
      %sub3A_263 = vector.broadcast %sub3A_262 : i32 to vector<16xi32>
      %sub3A_264 = arith.subi %div3A_237, %sub3A_263 : vector<16xi32>
      %select_n3A_265 = arith.select %and3A_261, %sub3A_264, %div3A_237 : vector<16xi1>, vector<16xi32>
      %eq3A_266 = arith.constant 0 : i32
      %eq3A_267 = vector.broadcast %eq3A_266 : i32 to vector<16xi32>
      %eq3A_268 = arith.cmpi eq, %broadcast_in_dim3A_13, %eq3A_267 : vector<16xi32>
      %broadcast_in_dim3A_269 = arith.constant 1 : i32
      %broadcast_in_dim3A_270 = vector.broadcast %broadcast_in_dim3A_269 : i32 to vector<16xi32>
      %select_n3A_271 = arith.select %eq3A_268, %broadcast_in_dim3A_270, %broadcast_in_dim3A_13 : vector<16xi1>, vector<16xi32>
      %rem3A_272 = arith.remsi %sub3A_187, %select_n3A_271 : vector<16xi32>
      %ne3A_273 = arith.constant 0 : i32
      %ne3A_274 = vector.broadcast %ne3A_273 : i32 to vector<16xi32>
      %ne3A_275 = arith.cmpi ne, %rem3A_272, %ne3A_274 : vector<16xi32>
      %lt3A_276 = arith.constant 0 : i32
      %lt3A_277 = vector.broadcast %lt3A_276 : i32 to vector<16xi32>
      %lt3A_278 = arith.cmpi slt, %rem3A_272, %lt3A_277 : vector<16xi32>
      %lt3A_279 = arith.constant 0 : i32
      %lt3A_280 = vector.broadcast %lt3A_279 : i32 to vector<16xi32>
      %lt3A_281 = arith.cmpi slt, %select_n3A_271, %lt3A_280 : vector<16xi32>
      %ne3A_282 = arith.xori %lt3A_278, %lt3A_281 : vector<16xi1>
      %and3A_283 = arith.andi %ne3A_282, %ne3A_275 : vector<16xi1>
      %add3A_284 = arith.addi %rem3A_272, %select_n3A_271 : vector<16xi32>
      %select_n3A_285 = arith.select %and3A_283, %add3A_284, %rem3A_272 : vector<16xi1>, vector<16xi32>
      tpu.vector_store_idx %arg12[%select_n3A_265, %select_n3A_285], %masked_sort3A_183 masked %ge3A : memref<51x128xi32, #tpu.memory_space<vmem>>[vector<16xi32>, vector<16xi32>], vector<16xi32>, vector<16xi1>
      %add3A_286 = arith.addi %scan3A_156, %all_reduce_population_count3A : vector<16xi32>
      %sub3A_287 = arith.subi %broadcast_in_dim3A_11, %all_reduce_population_count3A : vector<16xi32>
      %add3A_288 = arith.addi %scan3A_157, %sub3A_287 : vector<16xi32>
      scf.yield %add3A_286, %add3A_288 : vector<16xi32>, vector<16xi32>
    }
    %scan3A_18 = arith.constant 400 : i32
    %slice3A = vector.extract_strided_slice %scan3A_17#0 {offsets = [0], sizes = [1], strides = [1]} : vector<16xi32> to vector<1xi32>
    %squeeze3A = vector.extract %slice3A[0] : i32 from vector<1xi32>
    %sub3A = arith.constant 6400 : i32
    %sub3A_19 = arith.subi %sub3A, %squeeze3A : i32
    %gt3A = arith.constant 0 : i32
    %gt3A_20 = arith.cmpi sgt, %squeeze3A, %gt3A : i32
    %convert_element_type3A = arith.extui %gt3A_20 : i1 to i32
    %cond3A = arith.constant 0 : i32
    %cond3A_21 = arith.cmpi ne, %convert_element_type3A, %cond3A : i32
    scf.if %cond3A_21 {
      %sub3A_155 = arith.constant 1 : i32
      %sub3A_156 = arith.subi %squeeze3A, %sub3A_155 : i32
      %jit3A_157 = arith.constant 16 : i32
      %div3A_158 = arith.divsi %sub3A_156, %jit3A_157 : i32
      %sign3A_159 = arith.constant 0 : i32
      %sign3A_160 = arith.cmpi sgt, %sub3A_156, %sign3A_159 : i32
      %sign3A_161 = arith.extui %sign3A_160 : i1 to i32
      %sign3A_162 = arith.constant 0 : i32
      %sign3A_163 = arith.cmpi slt, %sub3A_156, %sign3A_162 : i32
      %sign3A_164 = arith.extui %sign3A_163 : i1 to i32
      %sign3A_165 = arith.subi %sign3A_161, %sign3A_164 : i32
      %sign3A_166 = arith.constant 0 : i32
      %sign3A_167 = arith.cmpi sgt, %jit3A_157, %sign3A_166 : i32
      %sign3A_168 = arith.extui %sign3A_167 : i1 to i32
      %sign3A_169 = arith.constant 0 : i32
      %sign3A_170 = arith.cmpi slt, %jit3A_157, %sign3A_169 : i32
      %sign3A_171 = arith.extui %sign3A_170 : i1 to i32
      %sign3A_172 = arith.subi %sign3A_168, %sign3A_171 : i32
      %ne3A_173 = arith.cmpi ne, %sign3A_165, %sign3A_172 : i32
      %rem3A_174 = arith.remsi %sub3A_156, %jit3A_157 : i32
      %ne3A_175 = arith.constant 0 : i32
      %ne3A_176 = arith.cmpi ne, %rem3A_174, %ne3A_175 : i32
      %and3A_177 = arith.andi %ne3A_173, %ne3A_176 : i1
      %sub3A_178 = arith.constant 1 : i32
      %sub3A_179 = arith.subi %div3A_158, %sub3A_178 : i32
      %select_n3A_180 = arith.select %and3A_177, %sub3A_179, %div3A_158 : i32
      %mul3A_181 = arith.constant 16 : i32
      %mul3A_182 = arith.muli %select_n3A_180, %mul3A_181 : i32
      %sub3A_183 = arith.subi %sub3A_156, %mul3A_182 : i32
      %broadcast_in_dim3A_184 = vector.broadcast %sub3A_183 : i32 to vector<16xi32>
      %get3A = arith.index_cast %mul3A_182 : i32 to index
      %get3A_185 = tpu.vector_load %arg9[%get3A] {strides = array<i32>} : memref<6544xi32, #tpu.memory_space<vmem>>, vector<16xi32>,
      %broadcast_in_dim3A_186 = vector.shape_cast %broadcast_in_dim3A_184 : vector<16xi32> to vector<16x1xi32>
      %gather3A = vector.shape_cast %broadcast_in_dim3A_186 : vector<16x1xi32> to vector<16xi32>
      %gather3A_187 = tpu.dynamic_gather %get3A_185[%gather3A] in [0] : vector<16xi32>, vector<16xi32> -> vector<16xi32>
      %jit3A_188 = arith.constant 128 : i32
      %div3A_189 = arith.divsi %mul3A_182, %jit3A_188 : i32
      %sign3A_190 = arith.constant 0 : i32
      %sign3A_191 = arith.cmpi sgt, %mul3A_182, %sign3A_190 : i32
      %sign3A_192 = arith.extui %sign3A_191 : i1 to i32
      %sign3A_193 = arith.constant 0 : i32
      %sign3A_194 = arith.cmpi slt, %mul3A_182, %sign3A_193 : i32
      %sign3A_195 = arith.extui %sign3A_194 : i1 to i32
      %sign3A_196 = arith.subi %sign3A_192, %sign3A_195 : i32
      %sign3A_197 = arith.constant 0 : i32
      %sign3A_198 = arith.cmpi sgt, %jit3A_188, %sign3A_197 : i32
      %sign3A_199 = arith.extui %sign3A_198 : i1 to i32
      %sign3A_200 = arith.constant 0 : i32
      %sign3A_201 = arith.cmpi slt, %jit3A_188, %sign3A_200 : i32
      %sign3A_202 = arith.extui %sign3A_201 : i1 to i32
      %sign3A_203 = arith.subi %sign3A_199, %sign3A_202 : i32
      %ne3A_204 = arith.cmpi ne, %sign3A_196, %sign3A_203 : i32
      %rem3A_205 = arith.remsi %mul3A_182, %jit3A_188 : i32
      %ne3A_206 = arith.constant 0 : i32
      %ne3A_207 = arith.cmpi ne, %rem3A_205, %ne3A_206 : i32
      %and3A_208 = arith.andi %ne3A_204, %ne3A_207 : i1
      %sub3A_209 = arith.constant 1 : i32
      %sub3A_210 = arith.subi %div3A_189, %sub3A_209 : i32
      %select_n3A_211 = arith.select %and3A_208, %sub3A_210, %div3A_189 : i32
      %jit3A_212 = arith.constant 128 : i32
      %eq3A = arith.constant 0 : i32
      %eq3A_213 = arith.cmpi eq, %jit3A_212, %eq3A : i32
      %jit3A_214 = arith.constant 1 : i32
      %select_n3A_215 = arith.select %eq3A_213, %jit3A_214, %jit3A_212 : i32
      %rem3A_216 = arith.remsi %mul3A_182, %select_n3A_215 : i32
      %ne3A_217 = arith.constant 0 : i32
      %ne3A_218 = arith.cmpi ne, %rem3A_216, %ne3A_217 : i32
      %lt3A = arith.constant 0 : i32
      %lt3A_219 = arith.cmpi slt, %rem3A_216, %lt3A : i32
      %lt3A_220 = arith.constant 0 : i32
      %lt3A_221 = arith.cmpi slt, %select_n3A_215, %lt3A_220 : i32
      %ne3A_222 = arith.xori %lt3A_219, %lt3A_221 : i1
      %and3A_223 = arith.andi %ne3A_222, %ne3A_218 : i1
      %add3A_224 = arith.addi %rem3A_216, %select_n3A_215 : i32
      %select_n3A_225 = arith.select %and3A_223, %add3A_224, %rem3A_216 : i32
      %get3A_226 = arith.index_cast %select_n3A_211 : i32 to index
      %get3A_227 = arith.index_cast %select_n3A_225 : i32 to index
      %get3A_228 = tpu.vector_load %arg10[%get3A_226, %get3A_227] {strides = array<i32>} : memref<51x128xi32, #tpu.memory_space<vmem>>, vector<16xi32>,
      %broadcast_in_dim3A_229 = vector.shape_cast %broadcast_in_dim3A_184 : vector<16xi32> to vector<16x1xi32>
      %gather3A_230 = vector.shape_cast %broadcast_in_dim3A_229 : vector<16x1xi32> to vector<16xi32>
      %gather3A_231 = tpu.dynamic_gather %get3A_228[%gather3A_230] in [0] : vector<16xi32>, vector<16xi32> -> vector<16xi32>
      %ge3A = arith.cmpi sge, %iota3A, %broadcast_in_dim3A_9 : vector<16xi32>
      %add3A_232 = arith.constant 0 : i32
      %add3A_233 = arith.addi %squeeze3A, %add3A_232 : i32
      %swap3A = arith.index_cast %add3A_233 : i32 to index
      %swap3A_234 = tpu.vector_load %arg9[%swap3A] {strides = array<i32>} : memref<6544xi32, #tpu.memory_space<vmem>>, vector<16xi32>,
      tpu.vector_store %arg9[%swap3A], %gather3A_187 {strides = array<i32>} : memref<6544xi32, #tpu.memory_space<vmem>>, vector<16xi32>,
      %add3A_235 = arith.constant 0 : i32
      %add3A_236 = arith.addi %squeeze3A, %add3A_235 : i32
      %broadcast_in_dim3A_237 = vector.broadcast %add3A_236 : i32 to vector<16xi32>
      %add3A_238 = arith.addi %broadcast_in_dim3A_237, %iota3A : vector<16xi32>
      %div3A_239 = arith.divsi %add3A_238, %broadcast_in_dim3A_13 : vector<16xi32>
      %sign3A_240 = arith.constant 0 : i32
      %sign3A_241 = vector.broadcast %sign3A_240 : i32 to vector<16xi32>
      %sign3A_242 = arith.cmpi sgt, %add3A_238, %sign3A_241 : vector<16xi32>
      %sign3A_243 = arith.extui %sign3A_242 : vector<16xi1> to vector<16xi32>
      %sign3A_244 = arith.constant 0 : i32
      %sign3A_245 = vector.broadcast %sign3A_244 : i32 to vector<16xi32>
      %sign3A_246 = arith.cmpi slt, %add3A_238, %sign3A_245 : vector<16xi32>
      %sign3A_247 = arith.extui %sign3A_246 : vector<16xi1> to vector<16xi32>
      %sign3A_248 = arith.subi %sign3A_243, %sign3A_247 : vector<16xi32>
      %sign3A_249 = arith.constant 0 : i32
      %sign3A_250 = vector.broadcast %sign3A_249 : i32 to vector<16xi32>
      %sign3A_251 = arith.cmpi sgt, %broadcast_in_dim3A_13, %sign3A_250 : vector<16xi32>
      %sign3A_252 = arith.extui %sign3A_251 : vector<16xi1> to vector<16xi32>
      %sign3A_253 = arith.constant 0 : i32
      %sign3A_254 = vector.broadcast %sign3A_253 : i32 to vector<16xi32>
      %sign3A_255 = arith.cmpi slt, %broadcast_in_dim3A_13, %sign3A_254 : vector<16xi32>
      %sign3A_256 = arith.extui %sign3A_255 : vector<16xi1> to vector<16xi32>
      %sign3A_257 = arith.subi %sign3A_252, %sign3A_256 : vector<16xi32>
      %ne3A_258 = arith.cmpi ne, %sign3A_248, %sign3A_257 : vector<16xi32>
      %rem3A_259 = arith.remsi %add3A_238, %broadcast_in_dim3A_13 : vector<16xi32>
      %ne3A_260 = arith.constant 0 : i32
      %ne3A_261 = vector.broadcast %ne3A_260 : i32 to vector<16xi32>
      %ne3A_262 = arith.cmpi ne, %rem3A_259, %ne3A_261 : vector<16xi32>
      %and3A_263 = arith.andi %ne3A_258, %ne3A_262 : vector<16xi1>
      %sub3A_264 = arith.constant 1 : i32
      %sub3A_265 = vector.broadcast %sub3A_264 : i32 to vector<16xi32>
      %sub3A_266 = arith.subi %div3A_239, %sub3A_265 : vector<16xi32>
      %select_n3A_267 = arith.select %and3A_263, %sub3A_266, %div3A_239 : vector<16xi1>, vector<16xi32>
      %eq3A_268 = arith.constant 0 : i32
      %eq3A_269 = vector.broadcast %eq3A_268 : i32 to vector<16xi32>
      %eq3A_270 = arith.cmpi eq, %broadcast_in_dim3A_13, %eq3A_269 : vector<16xi32>
      %broadcast_in_dim3A_271 = arith.constant 1 : i32
      %broadcast_in_dim3A_272 = vector.broadcast %broadcast_in_dim3A_271 : i32 to vector<16xi32>
      %select_n3A_273 = arith.select %eq3A_270, %broadcast_in_dim3A_272, %broadcast_in_dim3A_13 : vector<16xi1>, vector<16xi32>
      %rem3A_274 = arith.remsi %add3A_238, %select_n3A_273 : vector<16xi32>
      %ne3A_275 = arith.constant 0 : i32
      %ne3A_276 = vector.broadcast %ne3A_275 : i32 to vector<16xi32>
      %ne3A_277 = arith.cmpi ne, %rem3A_274, %ne3A_276 : vector<16xi32>
      %lt3A_278 = arith.constant 0 : i32
      %lt3A_279 = vector.broadcast %lt3A_278 : i32 to vector<16xi32>
      %lt3A_280 = arith.cmpi slt, %rem3A_274, %lt3A_279 : vector<16xi32>
      %lt3A_281 = arith.constant 0 : i32
      %lt3A_282 = vector.broadcast %lt3A_281 : i32 to vector<16xi32>
      %lt3A_283 = arith.cmpi slt, %select_n3A_273, %lt3A_282 : vector<16xi32>
      %ne3A_284 = arith.xori %lt3A_280, %lt3A_283 : vector<16xi1>
      %and3A_285 = arith.andi %ne3A_284, %ne3A_277 : vector<16xi1>
      %add3A_286 = arith.addi %rem3A_274, %select_n3A_273 : vector<16xi32>
      %select_n3A_287 = arith.select %and3A_285, %add3A_286, %rem3A_274 : vector<16xi1>, vector<16xi32>
      tpu.vector_store_idx %arg10[%select_n3A_267, %select_n3A_287], %gather3A_231 masked %ge3A : memref<51x128xi32, #tpu.memory_space<vmem>>[vector<16xi32>, vector<16xi32>], vector<16xi32>, vector<16xi1>
      %add3A_288 = arith.constant 16 : i32
      %add3A_289 = arith.addi %squeeze3A, %add3A_288 : i32
      %swap3A_290 = arith.index_cast %add3A_289 : i32 to index
      %swap3A_291 = tpu.vector_load %arg9[%swap3A_290] {strides = array<i32>} : memref<6544xi32, #tpu.memory_space<vmem>>, vector<16xi32>,
      tpu.vector_store %arg9[%swap3A_290], %gather3A_187 {strides = array<i32>} : memref<6544xi32, #tpu.memory_space<vmem>>, vector<16xi32>,
      %add3A_292 = arith.constant 16 : i32
      %add3A_293 = arith.addi %squeeze3A, %add3A_292 : i32
      %broadcast_in_dim3A_294 = vector.broadcast %add3A_293 : i32 to vector<16xi32>
      %add3A_295 = arith.addi %broadcast_in_dim3A_294, %iota3A : vector<16xi32>
      %div3A_296 = arith.divsi %add3A_295, %broadcast_in_dim3A_13 : vector<16xi32>
      %sign3A_297 = arith.constant 0 : i32
      %sign3A_298 = vector.broadcast %sign3A_297 : i32 to vector<16xi32>
      %sign3A_299 = arith.cmpi sgt, %add3A_295, %sign3A_298 : vector<16xi32>
      %sign3A_300 = arith.extui %sign3A_299 : vector<16xi1> to vector<16xi32>
      %sign3A_301 = arith.constant 0 : i32
      %sign3A_302 = vector.broadcast %sign3A_301 : i32 to vector<16xi32>
      %sign3A_303 = arith.cmpi slt, %add3A_295, %sign3A_302 : vector<16xi32>
      %sign3A_304 = arith.extui %sign3A_303 : vector<16xi1> to vector<16xi32>
      %sign3A_305 = arith.subi %sign3A_300, %sign3A_304 : vector<16xi32>
      %sign3A_306 = arith.constant 0 : i32
      %sign3A_307 = vector.broadcast %sign3A_306 : i32 to vector<16xi32>
      %sign3A_308 = arith.cmpi sgt, %broadcast_in_dim3A_13, %sign3A_307 : vector<16xi32>
      %sign3A_309 = arith.extui %sign3A_308 : vector<16xi1> to vector<16xi32>
      %sign3A_310 = arith.constant 0 : i32
      %sign3A_311 = vector.broadcast %sign3A_310 : i32 to vector<16xi32>
      %sign3A_312 = arith.cmpi slt, %broadcast_in_dim3A_13, %sign3A_311 : vector<16xi32>
      %sign3A_313 = arith.extui %sign3A_312 : vector<16xi1> to vector<16xi32>
      %sign3A_314 = arith.subi %sign3A_309, %sign3A_313 : vector<16xi32>
      %ne3A_315 = arith.cmpi ne, %sign3A_305, %sign3A_314 : vector<16xi32>
      %rem3A_316 = arith.remsi %add3A_295, %broadcast_in_dim3A_13 : vector<16xi32>
      %ne3A_317 = arith.constant 0 : i32
      %ne3A_318 = vector.broadcast %ne3A_317 : i32 to vector<16xi32>
      %ne3A_319 = arith.cmpi ne, %rem3A_316, %ne3A_318 : vector<16xi32>
      %and3A_320 = arith.andi %ne3A_315, %ne3A_319 : vector<16xi1>
      %sub3A_321 = arith.constant 1 : i32
      %sub3A_322 = vector.broadcast %sub3A_321 : i32 to vector<16xi32>
      %sub3A_323 = arith.subi %div3A_296, %sub3A_322 : vector<16xi32>
      %select_n3A_324 = arith.select %and3A_320, %sub3A_323, %div3A_296 : vector<16xi1>, vector<16xi32>
      %eq3A_325 = arith.constant 0 : i32
      %eq3A_326 = vector.broadcast %eq3A_325 : i32 to vector<16xi32>
      %eq3A_327 = arith.cmpi eq, %broadcast_in_dim3A_13, %eq3A_326 : vector<16xi32>
      %broadcast_in_dim3A_328 = arith.constant 1 : i32
      %broadcast_in_dim3A_329 = vector.broadcast %broadcast_in_dim3A_328 : i32 to vector<16xi32>
      %select_n3A_330 = arith.select %eq3A_327, %broadcast_in_dim3A_329, %broadcast_in_dim3A_13 : vector<16xi1>, vector<16xi32>
      %rem3A_331 = arith.remsi %add3A_295, %select_n3A_330 : vector<16xi32>
      %ne3A_332 = arith.constant 0 : i32
      %ne3A_333 = vector.broadcast %ne3A_332 : i32 to vector<16xi32>
      %ne3A_334 = arith.cmpi ne, %rem3A_331, %ne3A_333 : vector<16xi32>
      %lt3A_335 = arith.constant 0 : i32
      %lt3A_336 = vector.broadcast %lt3A_335 : i32 to vector<16xi32>
      %lt3A_337 = arith.cmpi slt, %rem3A_331, %lt3A_336 : vector<16xi32>
      %lt3A_338 = arith.constant 0 : i32
      %lt3A_339 = vector.broadcast %lt3A_338 : i32 to vector<16xi32>
      %lt3A_340 = arith.cmpi slt, %select_n3A_330, %lt3A_339 : vector<16xi32>
      %ne3A_341 = arith.xori %lt3A_337, %lt3A_340 : vector<16xi1>
      %and3A_342 = arith.andi %ne3A_341, %ne3A_334 : vector<16xi1>
      %add3A_343 = arith.addi %rem3A_331, %select_n3A_330 : vector<16xi32>
      %select_n3A_344 = arith.select %and3A_342, %add3A_343, %rem3A_331 : vector<16xi1>, vector<16xi32>
      tpu.vector_store_idx %arg10[%select_n3A_324, %select_n3A_344], %gather3A_231 masked %ge3A : memref<51x128xi32, #tpu.memory_space<vmem>>[vector<16xi32>, vector<16xi32>], vector<16xi32>, vector<16xi1>
      %add3A_345 = arith.constant 32 : i32
      %add3A_346 = arith.addi %squeeze3A, %add3A_345 : i32
      %swap3A_347 = arith.index_cast %add3A_346 : i32 to index
      %swap3A_348 = tpu.vector_load %arg9[%swap3A_347] {strides = array<i32>} : memref<6544xi32, #tpu.memory_space<vmem>>, vector<16xi32>,
      tpu.vector_store %arg9[%swap3A_347], %gather3A_187 {strides = array<i32>} : memref<6544xi32, #tpu.memory_space<vmem>>, vector<16xi32>,
      %add3A_349 = arith.constant 32 : i32
      %add3A_350 = arith.addi %squeeze3A, %add3A_349 : i32
      %broadcast_in_dim3A_351 = vector.broadcast %add3A_350 : i32 to vector<16xi32>
      %add3A_352 = arith.addi %broadcast_in_dim3A_351, %iota3A : vector<16xi32>
      %div3A_353 = arith.divsi %add3A_352, %broadcast_in_dim3A_13 : vector<16xi32>
      %sign3A_354 = arith.constant 0 : i32
      %sign3A_355 = vector.broadcast %sign3A_354 : i32 to vector<16xi32>
      %sign3A_356 = arith.cmpi sgt, %add3A_352, %sign3A_355 : vector<16xi32>
      %sign3A_357 = arith.extui %sign3A_356 : vector<16xi1> to vector<16xi32>
      %sign3A_358 = arith.constant 0 : i32
      %sign3A_359 = vector.broadcast %sign3A_358 : i32 to vector<16xi32>
      %sign3A_360 = arith.cmpi slt, %add3A_352, %sign3A_359 : vector<16xi32>
      %sign3A_361 = arith.extui %sign3A_360 : vector<16xi1> to vector<16xi32>
      %sign3A_362 = arith.subi %sign3A_357, %sign3A_361 : vector<16xi32>
      %sign3A_363 = arith.constant 0 : i32
      %sign3A_364 = vector.broadcast %sign3A_363 : i32 to vector<16xi32>
      %sign3A_365 = arith.cmpi sgt, %broadcast_in_dim3A_13, %sign3A_364 : vector<16xi32>
      %sign3A_366 = arith.extui %sign3A_365 : vector<16xi1> to vector<16xi32>
      %sign3A_367 = arith.constant 0 : i32
      %sign3A_368 = vector.broadcast %sign3A_367 : i32 to vector<16xi32>
      %sign3A_369 = arith.cmpi slt, %broadcast_in_dim3A_13, %sign3A_368 : vector<16xi32>
      %sign3A_370 = arith.extui %sign3A_369 : vector<16xi1> to vector<16xi32>
      %sign3A_371 = arith.subi %sign3A_366, %sign3A_370 : vector<16xi32>
      %ne3A_372 = arith.cmpi ne, %sign3A_362, %sign3A_371 : vector<16xi32>
      %rem3A_373 = arith.remsi %add3A_352, %broadcast_in_dim3A_13 : vector<16xi32>
      %ne3A_374 = arith.constant 0 : i32
      %ne3A_375 = vector.broadcast %ne3A_374 : i32 to vector<16xi32>
      %ne3A_376 = arith.cmpi ne, %rem3A_373, %ne3A_375 : vector<16xi32>
      %and3A_377 = arith.andi %ne3A_372, %ne3A_376 : vector<16xi1>
      %sub3A_378 = arith.constant 1 : i32
      %sub3A_379 = vector.broadcast %sub3A_378 : i32 to vector<16xi32>
      %sub3A_380 = arith.subi %div3A_353, %sub3A_379 : vector<16xi32>
      %select_n3A_381 = arith.select %and3A_377, %sub3A_380, %div3A_353 : vector<16xi1>, vector<16xi32>
      %eq3A_382 = arith.constant 0 : i32
      %eq3A_383 = vector.broadcast %eq3A_382 : i32 to vector<16xi32>
      %eq3A_384 = arith.cmpi eq, %broadcast_in_dim3A_13, %eq3A_383 : vector<16xi32>
      %broadcast_in_dim3A_385 = arith.constant 1 : i32
      %broadcast_in_dim3A_386 = vector.broadcast %broadcast_in_dim3A_385 : i32 to vector<16xi32>
      %select_n3A_387 = arith.select %eq3A_384, %broadcast_in_dim3A_386, %broadcast_in_dim3A_13 : vector<16xi1>, vector<16xi32>
      %rem3A_388 = arith.remsi %add3A_352, %select_n3A_387 : vector<16xi32>
      %ne3A_389 = arith.constant 0 : i32
      %ne3A_390 = vector.broadcast %ne3A_389 : i32 to vector<16xi32>
      %ne3A_391 = arith.cmpi ne, %rem3A_388, %ne3A_390 : vector<16xi32>
      %lt3A_392 = arith.constant 0 : i32
      %lt3A_393 = vector.broadcast %lt3A_392 : i32 to vector<16xi32>
      %lt3A_394 = arith.cmpi slt, %rem3A_388, %lt3A_393 : vector<16xi32>
      %lt3A_395 = arith.constant 0 : i32
      %lt3A_396 = vector.broadcast %lt3A_395 : i32 to vector<16xi32>
      %lt3A_397 = arith.cmpi slt, %select_n3A_387, %lt3A_396 : vector<16xi32>
      %ne3A_398 = arith.xori %lt3A_394, %lt3A_397 : vector<16xi1>
      %and3A_399 = arith.andi %ne3A_398, %ne3A_391 : vector<16xi1>
      %add3A_400 = arith.addi %rem3A_388, %select_n3A_387 : vector<16xi32>
      %select_n3A_401 = arith.select %and3A_399, %add3A_400, %rem3A_388 : vector<16xi1>, vector<16xi32>
      tpu.vector_store_idx %arg10[%select_n3A_381, %select_n3A_401], %gather3A_231 masked %ge3A : memref<51x128xi32, #tpu.memory_space<vmem>>[vector<16xi32>, vector<16xi32>], vector<16xi32>, vector<16xi1>
      %add3A_402 = arith.constant 48 : i32
      %add3A_403 = arith.addi %squeeze3A, %add3A_402 : i32
      %swap3A_404 = arith.index_cast %add3A_403 : i32 to index
      %swap3A_405 = tpu.vector_load %arg9[%swap3A_404] {strides = array<i32>} : memref<6544xi32, #tpu.memory_space<vmem>>, vector<16xi32>,
      tpu.vector_store %arg9[%swap3A_404], %gather3A_187 {strides = array<i32>} : memref<6544xi32, #tpu.memory_space<vmem>>, vector<16xi32>,
      %add3A_406 = arith.constant 48 : i32
      %add3A_407 = arith.addi %squeeze3A, %add3A_406 : i32
      %broadcast_in_dim3A_408 = vector.broadcast %add3A_407 : i32 to vector<16xi32>
      %add3A_409 = arith.addi %broadcast_in_dim3A_408, %iota3A : vector<16xi32>
      %div3A_410 = arith.divsi %add3A_409, %broadcast_in_dim3A_13 : vector<16xi32>
      %sign3A_411 = arith.constant 0 : i32
      %sign3A_412 = vector.broadcast %sign3A_411 : i32 to vector<16xi32>
      %sign3A_413 = arith.cmpi sgt, %add3A_409, %sign3A_412 : vector<16xi32>
      %sign3A_414 = arith.extui %sign3A_413 : vector<16xi1> to vector<16xi32>
      %sign3A_415 = arith.constant 0 : i32
      %sign3A_416 = vector.broadcast %sign3A_415 : i32 to vector<16xi32>
      %sign3A_417 = arith.cmpi slt, %add3A_409, %sign3A_416 : vector<16xi32>
      %sign3A_418 = arith.extui %sign3A_417 : vector<16xi1> to vector<16xi32>
      %sign3A_419 = arith.subi %sign3A_414, %sign3A_418 : vector<16xi32>
      %sign3A_420 = arith.constant 0 : i32
      %sign3A_421 = vector.broadcast %sign3A_420 : i32 to vector<16xi32>
      %sign3A_422 = arith.cmpi sgt, %broadcast_in_dim3A_13, %sign3A_421 : vector<16xi32>
      %sign3A_423 = arith.extui %sign3A_422 : vector<16xi1> to vector<16xi32>
      %sign3A_424 = arith.constant 0 : i32
      %sign3A_425 = vector.broadcast %sign3A_424 : i32 to vector<16xi32>
      %sign3A_426 = arith.cmpi slt, %broadcast_in_dim3A_13, %sign3A_425 : vector<16xi32>
      %sign3A_427 = arith.extui %sign3A_426 : vector<16xi1> to vector<16xi32>
      %sign3A_428 = arith.subi %sign3A_423, %sign3A_427 : vector<16xi32>
      %ne3A_429 = arith.cmpi ne, %sign3A_419, %sign3A_428 : vector<16xi32>
      %rem3A_430 = arith.remsi %add3A_409, %broadcast_in_dim3A_13 : vector<16xi32>
      %ne3A_431 = arith.constant 0 : i32
      %ne3A_432 = vector.broadcast %ne3A_431 : i32 to vector<16xi32>
      %ne3A_433 = arith.cmpi ne, %rem3A_430, %ne3A_432 : vector<16xi32>
      %and3A_434 = arith.andi %ne3A_429, %ne3A_433 : vector<16xi1>
      %sub3A_435 = arith.constant 1 : i32
      %sub3A_436 = vector.broadcast %sub3A_435 : i32 to vector<16xi32>
      %sub3A_437 = arith.subi %div3A_410, %sub3A_436 : vector<16xi32>
      %select_n3A_438 = arith.select %and3A_434, %sub3A_437, %div3A_410 : vector<16xi1>, vector<16xi32>
      %eq3A_439 = arith.constant 0 : i32
      %eq3A_440 = vector.broadcast %eq3A_439 : i32 to vector<16xi32>
      %eq3A_441 = arith.cmpi eq, %broadcast_in_dim3A_13, %eq3A_440 : vector<16xi32>
      %broadcast_in_dim3A_442 = arith.constant 1 : i32
      %broadcast_in_dim3A_443 = vector.broadcast %broadcast_in_dim3A_442 : i32 to vector<16xi32>
      %select_n3A_444 = arith.select %eq3A_441, %broadcast_in_dim3A_443, %broadcast_in_dim3A_13 : vector<16xi1>, vector<16xi32>
      %rem3A_445 = arith.remsi %add3A_409, %select_n3A_444 : vector<16xi32>
      %ne3A_446 = arith.constant 0 : i32
      %ne3A_447 = vector.broadcast %ne3A_446 : i32 to vector<16xi32>
      %ne3A_448 = arith.cmpi ne, %rem3A_445, %ne3A_447 : vector<16xi32>
      %lt3A_449 = arith.constant 0 : i32
      %lt3A_450 = vector.broadcast %lt3A_449 : i32 to vector<16xi32>
      %lt3A_451 = arith.cmpi slt, %rem3A_445, %lt3A_450 : vector<16xi32>
      %lt3A_452 = arith.constant 0 : i32
      %lt3A_453 = vector.broadcast %lt3A_452 : i32 to vector<16xi32>
      %lt3A_454 = arith.cmpi slt, %select_n3A_444, %lt3A_453 : vector<16xi32>
      %ne3A_455 = arith.xori %lt3A_451, %lt3A_454 : vector<16xi1>
      %and3A_456 = arith.andi %ne3A_455, %ne3A_448 : vector<16xi1>
      %add3A_457 = arith.addi %rem3A_445, %select_n3A_444 : vector<16xi32>
      %select_n3A_458 = arith.select %and3A_456, %add3A_457, %rem3A_445 : vector<16xi1>, vector<16xi32>
      tpu.vector_store_idx %arg10[%select_n3A_438, %select_n3A_458], %gather3A_231 masked %ge3A : memref<51x128xi32, #tpu.memory_space<vmem>>[vector<16xi32>, vector<16xi32>], vector<16xi32>, vector<16xi1>
      %add3A_459 = arith.constant 64 : i32
      %add3A_460 = arith.addi %squeeze3A, %add3A_459 : i32
      %swap3A_461 = arith.index_cast %add3A_460 : i32 to index
      %swap3A_462 = tpu.vector_load %arg9[%swap3A_461] {strides = array<i32>} : memref<6544xi32, #tpu.memory_space<vmem>>, vector<16xi32>,
      tpu.vector_store %arg9[%swap3A_461], %gather3A_187 {strides = array<i32>} : memref<6544xi32, #tpu.memory_space<vmem>>, vector<16xi32>,
      %add3A_463 = arith.constant 64 : i32
      %add3A_464 = arith.addi %squeeze3A, %add3A_463 : i32
      %broadcast_in_dim3A_465 = vector.broadcast %add3A_464 : i32 to vector<16xi32>
      %add3A_466 = arith.addi %broadcast_in_dim3A_465, %iota3A : vector<16xi32>
      %div3A_467 = arith.divsi %add3A_466, %broadcast_in_dim3A_13 : vector<16xi32>
      %sign3A_468 = arith.constant 0 : i32
      %sign3A_469 = vector.broadcast %sign3A_468 : i32 to vector<16xi32>
      %sign3A_470 = arith.cmpi sgt, %add3A_466, %sign3A_469 : vector<16xi32>
      %sign3A_471 = arith.extui %sign3A_470 : vector<16xi1> to vector<16xi32>
      %sign3A_472 = arith.constant 0 : i32
      %sign3A_473 = vector.broadcast %sign3A_472 : i32 to vector<16xi32>
      %sign3A_474 = arith.cmpi slt, %add3A_466, %sign3A_473 : vector<16xi32>
      %sign3A_475 = arith.extui %sign3A_474 : vector<16xi1> to vector<16xi32>
      %sign3A_476 = arith.subi %sign3A_471, %sign3A_475 : vector<16xi32>
      %sign3A_477 = arith.constant 0 : i32
      %sign3A_478 = vector.broadcast %sign3A_477 : i32 to vector<16xi32>
      %sign3A_479 = arith.cmpi sgt, %broadcast_in_dim3A_13, %sign3A_478 : vector<16xi32>
      %sign3A_480 = arith.extui %sign3A_479 : vector<16xi1> to vector<16xi32>
      %sign3A_481 = arith.constant 0 : i32
      %sign3A_482 = vector.broadcast %sign3A_481 : i32 to vector<16xi32>
      %sign3A_483 = arith.cmpi slt, %broadcast_in_dim3A_13, %sign3A_482 : vector<16xi32>
      %sign3A_484 = arith.extui %sign3A_483 : vector<16xi1> to vector<16xi32>
      %sign3A_485 = arith.subi %sign3A_480, %sign3A_484 : vector<16xi32>
      %ne3A_486 = arith.cmpi ne, %sign3A_476, %sign3A_485 : vector<16xi32>
      %rem3A_487 = arith.remsi %add3A_466, %broadcast_in_dim3A_13 : vector<16xi32>
      %ne3A_488 = arith.constant 0 : i32
      %ne3A_489 = vector.broadcast %ne3A_488 : i32 to vector<16xi32>
      %ne3A_490 = arith.cmpi ne, %rem3A_487, %ne3A_489 : vector<16xi32>
      %and3A_491 = arith.andi %ne3A_486, %ne3A_490 : vector<16xi1>
      %sub3A_492 = arith.constant 1 : i32
      %sub3A_493 = vector.broadcast %sub3A_492 : i32 to vector<16xi32>
      %sub3A_494 = arith.subi %div3A_467, %sub3A_493 : vector<16xi32>
      %select_n3A_495 = arith.select %and3A_491, %sub3A_494, %div3A_467 : vector<16xi1>, vector<16xi32>
      %eq3A_496 = arith.constant 0 : i32
      %eq3A_497 = vector.broadcast %eq3A_496 : i32 to vector<16xi32>
      %eq3A_498 = arith.cmpi eq, %broadcast_in_dim3A_13, %eq3A_497 : vector<16xi32>
      %broadcast_in_dim3A_499 = arith.constant 1 : i32
      %broadcast_in_dim3A_500 = vector.broadcast %broadcast_in_dim3A_499 : i32 to vector<16xi32>
      %select_n3A_501 = arith.select %eq3A_498, %broadcast_in_dim3A_500, %broadcast_in_dim3A_13 : vector<16xi1>, vector<16xi32>
      %rem3A_502 = arith.remsi %add3A_466, %select_n3A_501 : vector<16xi32>
      %ne3A_503 = arith.constant 0 : i32
      %ne3A_504 = vector.broadcast %ne3A_503 : i32 to vector<16xi32>
      %ne3A_505 = arith.cmpi ne, %rem3A_502, %ne3A_504 : vector<16xi32>
      %lt3A_506 = arith.constant 0 : i32
      %lt3A_507 = vector.broadcast %lt3A_506 : i32 to vector<16xi32>
      %lt3A_508 = arith.cmpi slt, %rem3A_502, %lt3A_507 : vector<16xi32>
      %lt3A_509 = arith.constant 0 : i32
      %lt3A_510 = vector.broadcast %lt3A_509 : i32 to vector<16xi32>
      %lt3A_511 = arith.cmpi slt, %select_n3A_501, %lt3A_510 : vector<16xi32>
      %ne3A_512 = arith.xori %lt3A_508, %lt3A_511 : vector<16xi1>
      %and3A_513 = arith.andi %ne3A_512, %ne3A_505 : vector<16xi1>
      %add3A_514 = arith.addi %rem3A_502, %select_n3A_501 : vector<16xi32>
      %select_n3A_515 = arith.select %and3A_513, %add3A_514, %rem3A_502 : vector<16xi1>, vector<16xi32>
      tpu.vector_store_idx %arg10[%select_n3A_495, %select_n3A_515], %gather3A_231 masked %ge3A : memref<51x128xi32, #tpu.memory_space<vmem>>[vector<16xi32>, vector<16xi32>], vector<16xi32>, vector<16xi1>
      %add3A_516 = arith.constant 80 : i32
      %add3A_517 = arith.addi %squeeze3A, %add3A_516 : i32
      %swap3A_518 = arith.index_cast %add3A_517 : i32 to index
      %swap3A_519 = tpu.vector_load %arg9[%swap3A_518] {strides = array<i32>} : memref<6544xi32, #tpu.memory_space<vmem>>, vector<16xi32>,
      tpu.vector_store %arg9[%swap3A_518], %gather3A_187 {strides = array<i32>} : memref<6544xi32, #tpu.memory_space<vmem>>, vector<16xi32>,
      %add3A_520 = arith.constant 80 : i32
      %add3A_521 = arith.addi %squeeze3A, %add3A_520 : i32
      %broadcast_in_dim3A_522 = vector.broadcast %add3A_521 : i32 to vector<16xi32>
      %add3A_523 = arith.addi %broadcast_in_dim3A_522, %iota3A : vector<16xi32>
      %div3A_524 = arith.divsi %add3A_523, %broadcast_in_dim3A_13 : vector<16xi32>
      %sign3A_525 = arith.constant 0 : i32
      %sign3A_526 = vector.broadcast %sign3A_525 : i32 to vector<16xi32>
      %sign3A_527 = arith.cmpi sgt, %add3A_523, %sign3A_526 : vector<16xi32>
      %sign3A_528 = arith.extui %sign3A_527 : vector<16xi1> to vector<16xi32>
      %sign3A_529 = arith.constant 0 : i32
      %sign3A_530 = vector.broadcast %sign3A_529 : i32 to vector<16xi32>
      %sign3A_531 = arith.cmpi slt, %add3A_523, %sign3A_530 : vector<16xi32>
      %sign3A_532 = arith.extui %sign3A_531 : vector<16xi1> to vector<16xi32>
      %sign3A_533 = arith.subi %sign3A_528, %sign3A_532 : vector<16xi32>
      %sign3A_534 = arith.constant 0 : i32
      %sign3A_535 = vector.broadcast %sign3A_534 : i32 to vector<16xi32>
      %sign3A_536 = arith.cmpi sgt, %broadcast_in_dim3A_13, %sign3A_535 : vector<16xi32>
      %sign3A_537 = arith.extui %sign3A_536 : vector<16xi1> to vector<16xi32>
      %sign3A_538 = arith.constant 0 : i32
      %sign3A_539 = vector.broadcast %sign3A_538 : i32 to vector<16xi32>
      %sign3A_540 = arith.cmpi slt, %broadcast_in_dim3A_13, %sign3A_539 : vector<16xi32>
      %sign3A_541 = arith.extui %sign3A_540 : vector<16xi1> to vector<16xi32>
      %sign3A_542 = arith.subi %sign3A_537, %sign3A_541 : vector<16xi32>
      %ne3A_543 = arith.cmpi ne, %sign3A_533, %sign3A_542 : vector<16xi32>
      %rem3A_544 = arith.remsi %add3A_523, %broadcast_in_dim3A_13 : vector<16xi32>
      %ne3A_545 = arith.constant 0 : i32
      %ne3A_546 = vector.broadcast %ne3A_545 : i32 to vector<16xi32>
      %ne3A_547 = arith.cmpi ne, %rem3A_544, %ne3A_546 : vector<16xi32>
      %and3A_548 = arith.andi %ne3A_543, %ne3A_547 : vector<16xi1>
      %sub3A_549 = arith.constant 1 : i32
      %sub3A_550 = vector.broadcast %sub3A_549 : i32 to vector<16xi32>
      %sub3A_551 = arith.subi %div3A_524, %sub3A_550 : vector<16xi32>
      %select_n3A_552 = arith.select %and3A_548, %sub3A_551, %div3A_524 : vector<16xi1>, vector<16xi32>
      %eq3A_553 = arith.constant 0 : i32
      %eq3A_554 = vector.broadcast %eq3A_553 : i32 to vector<16xi32>
      %eq3A_555 = arith.cmpi eq, %broadcast_in_dim3A_13, %eq3A_554 : vector<16xi32>
      %broadcast_in_dim3A_556 = arith.constant 1 : i32
      %broadcast_in_dim3A_557 = vector.broadcast %broadcast_in_dim3A_556 : i32 to vector<16xi32>
      %select_n3A_558 = arith.select %eq3A_555, %broadcast_in_dim3A_557, %broadcast_in_dim3A_13 : vector<16xi1>, vector<16xi32>
      %rem3A_559 = arith.remsi %add3A_523, %select_n3A_558 : vector<16xi32>
      %ne3A_560 = arith.constant 0 : i32
      %ne3A_561 = vector.broadcast %ne3A_560 : i32 to vector<16xi32>
      %ne3A_562 = arith.cmpi ne, %rem3A_559, %ne3A_561 : vector<16xi32>
      %lt3A_563 = arith.constant 0 : i32
      %lt3A_564 = vector.broadcast %lt3A_563 : i32 to vector<16xi32>
      %lt3A_565 = arith.cmpi slt, %rem3A_559, %lt3A_564 : vector<16xi32>
      %lt3A_566 = arith.constant 0 : i32
      %lt3A_567 = vector.broadcast %lt3A_566 : i32 to vector<16xi32>
      %lt3A_568 = arith.cmpi slt, %select_n3A_558, %lt3A_567 : vector<16xi32>
      %ne3A_569 = arith.xori %lt3A_565, %lt3A_568 : vector<16xi1>
      %and3A_570 = arith.andi %ne3A_569, %ne3A_562 : vector<16xi1>
      %add3A_571 = arith.addi %rem3A_559, %select_n3A_558 : vector<16xi32>
      %select_n3A_572 = arith.select %and3A_570, %add3A_571, %rem3A_559 : vector<16xi1>, vector<16xi32>
      tpu.vector_store_idx %arg10[%select_n3A_552, %select_n3A_572], %gather3A_231 masked %ge3A : memref<51x128xi32, #tpu.memory_space<vmem>>[vector<16xi32>, vector<16xi32>], vector<16xi32>, vector<16xi1>
      %add3A_573 = arith.constant 96 : i32
      %add3A_574 = arith.addi %squeeze3A, %add3A_573 : i32
      %swap3A_575 = arith.index_cast %add3A_574 : i32 to index
      %swap3A_576 = tpu.vector_load %arg9[%swap3A_575] {strides = array<i32>} : memref<6544xi32, #tpu.memory_space<vmem>>, vector<16xi32>,
      tpu.vector_store %arg9[%swap3A_575], %gather3A_187 {strides = array<i32>} : memref<6544xi32, #tpu.memory_space<vmem>>, vector<16xi32>,
      %add3A_577 = arith.constant 96 : i32
      %add3A_578 = arith.addi %squeeze3A, %add3A_577 : i32
      %broadcast_in_dim3A_579 = vector.broadcast %add3A_578 : i32 to vector<16xi32>
      %add3A_580 = arith.addi %broadcast_in_dim3A_579, %iota3A : vector<16xi32>
      %div3A_581 = arith.divsi %add3A_580, %broadcast_in_dim3A_13 : vector<16xi32>
      %sign3A_582 = arith.constant 0 : i32
      %sign3A_583 = vector.broadcast %sign3A_582 : i32 to vector<16xi32>
      %sign3A_584 = arith.cmpi sgt, %add3A_580, %sign3A_583 : vector<16xi32>
      %sign3A_585 = arith.extui %sign3A_584 : vector<16xi1> to vector<16xi32>
      %sign3A_586 = arith.constant 0 : i32
      %sign3A_587 = vector.broadcast %sign3A_586 : i32 to vector<16xi32>
      %sign3A_588 = arith.cmpi slt, %add3A_580, %sign3A_587 : vector<16xi32>
      %sign3A_589 = arith.extui %sign3A_588 : vector<16xi1> to vector<16xi32>
      %sign3A_590 = arith.subi %sign3A_585, %sign3A_589 : vector<16xi32>
      %sign3A_591 = arith.constant 0 : i32
      %sign3A_592 = vector.broadcast %sign3A_591 : i32 to vector<16xi32>
      %sign3A_593 = arith.cmpi sgt, %broadcast_in_dim3A_13, %sign3A_592 : vector<16xi32>
      %sign3A_594 = arith.extui %sign3A_593 : vector<16xi1> to vector<16xi32>
      %sign3A_595 = arith.constant 0 : i32
      %sign3A_596 = vector.broadcast %sign3A_595 : i32 to vector<16xi32>
      %sign3A_597 = arith.cmpi slt, %broadcast_in_dim3A_13, %sign3A_596 : vector<16xi32>
      %sign3A_598 = arith.extui %sign3A_597 : vector<16xi1> to vector<16xi32>
      %sign3A_599 = arith.subi %sign3A_594, %sign3A_598 : vector<16xi32>
      %ne3A_600 = arith.cmpi ne, %sign3A_590, %sign3A_599 : vector<16xi32>
      %rem3A_601 = arith.remsi %add3A_580, %broadcast_in_dim3A_13 : vector<16xi32>
      %ne3A_602 = arith.constant 0 : i32
      %ne3A_603 = vector.broadcast %ne3A_602 : i32 to vector<16xi32>
      %ne3A_604 = arith.cmpi ne, %rem3A_601, %ne3A_603 : vector<16xi32>
      %and3A_605 = arith.andi %ne3A_600, %ne3A_604 : vector<16xi1>
      %sub3A_606 = arith.constant 1 : i32
      %sub3A_607 = vector.broadcast %sub3A_606 : i32 to vector<16xi32>
      %sub3A_608 = arith.subi %div3A_581, %sub3A_607 : vector<16xi32>
      %select_n3A_609 = arith.select %and3A_605, %sub3A_608, %div3A_581 : vector<16xi1>, vector<16xi32>
      %eq3A_610 = arith.constant 0 : i32
      %eq3A_611 = vector.broadcast %eq3A_610 : i32 to vector<16xi32>
      %eq3A_612 = arith.cmpi eq, %broadcast_in_dim3A_13, %eq3A_611 : vector<16xi32>
      %broadcast_in_dim3A_613 = arith.constant 1 : i32
      %broadcast_in_dim3A_614 = vector.broadcast %broadcast_in_dim3A_613 : i32 to vector<16xi32>
      %select_n3A_615 = arith.select %eq3A_612, %broadcast_in_dim3A_614, %broadcast_in_dim3A_13 : vector<16xi1>, vector<16xi32>
      %rem3A_616 = arith.remsi %add3A_580, %select_n3A_615 : vector<16xi32>
      %ne3A_617 = arith.constant 0 : i32
      %ne3A_618 = vector.broadcast %ne3A_617 : i32 to vector<16xi32>
      %ne3A_619 = arith.cmpi ne, %rem3A_616, %ne3A_618 : vector<16xi32>
      %lt3A_620 = arith.constant 0 : i32
      %lt3A_621 = vector.broadcast %lt3A_620 : i32 to vector<16xi32>
      %lt3A_622 = arith.cmpi slt, %rem3A_616, %lt3A_621 : vector<16xi32>
      %lt3A_623 = arith.constant 0 : i32
      %lt3A_624 = vector.broadcast %lt3A_623 : i32 to vector<16xi32>
      %lt3A_625 = arith.cmpi slt, %select_n3A_615, %lt3A_624 : vector<16xi32>
      %ne3A_626 = arith.xori %lt3A_622, %lt3A_625 : vector<16xi1>
      %and3A_627 = arith.andi %ne3A_626, %ne3A_619 : vector<16xi1>
      %add3A_628 = arith.addi %rem3A_616, %select_n3A_615 : vector<16xi32>
      %select_n3A_629 = arith.select %and3A_627, %add3A_628, %rem3A_616 : vector<16xi1>, vector<16xi32>
      tpu.vector_store_idx %arg10[%select_n3A_609, %select_n3A_629], %gather3A_231 masked %ge3A : memref<51x128xi32, #tpu.memory_space<vmem>>[vector<16xi32>, vector<16xi32>], vector<16xi32>, vector<16xi1>
      %add3A_630 = arith.constant 112 : i32
      %add3A_631 = arith.addi %squeeze3A, %add3A_630 : i32
      %swap3A_632 = arith.index_cast %add3A_631 : i32 to index
      %swap3A_633 = tpu.vector_load %arg9[%swap3A_632] {strides = array<i32>} : memref<6544xi32, #tpu.memory_space<vmem>>, vector<16xi32>,
      tpu.vector_store %arg9[%swap3A_632], %gather3A_187 {strides = array<i32>} : memref<6544xi32, #tpu.memory_space<vmem>>, vector<16xi32>,
      %add3A_634 = arith.constant 112 : i32
      %add3A_635 = arith.addi %squeeze3A, %add3A_634 : i32
      %broadcast_in_dim3A_636 = vector.broadcast %add3A_635 : i32 to vector<16xi32>
      %add3A_637 = arith.addi %broadcast_in_dim3A_636, %iota3A : vector<16xi32>
      %div3A_638 = arith.divsi %add3A_637, %broadcast_in_dim3A_13 : vector<16xi32>
      %sign3A_639 = arith.constant 0 : i32
      %sign3A_640 = vector.broadcast %sign3A_639 : i32 to vector<16xi32>
      %sign3A_641 = arith.cmpi sgt, %add3A_637, %sign3A_640 : vector<16xi32>
      %sign3A_642 = arith.extui %sign3A_641 : vector<16xi1> to vector<16xi32>
      %sign3A_643 = arith.constant 0 : i32
      %sign3A_644 = vector.broadcast %sign3A_643 : i32 to vector<16xi32>
      %sign3A_645 = arith.cmpi slt, %add3A_637, %sign3A_644 : vector<16xi32>
      %sign3A_646 = arith.extui %sign3A_645 : vector<16xi1> to vector<16xi32>
      %sign3A_647 = arith.subi %sign3A_642, %sign3A_646 : vector<16xi32>
      %sign3A_648 = arith.constant 0 : i32
      %sign3A_649 = vector.broadcast %sign3A_648 : i32 to vector<16xi32>
      %sign3A_650 = arith.cmpi sgt, %broadcast_in_dim3A_13, %sign3A_649 : vector<16xi32>
      %sign3A_651 = arith.extui %sign3A_650 : vector<16xi1> to vector<16xi32>
      %sign3A_652 = arith.constant 0 : i32
      %sign3A_653 = vector.broadcast %sign3A_652 : i32 to vector<16xi32>
      %sign3A_654 = arith.cmpi slt, %broadcast_in_dim3A_13, %sign3A_653 : vector<16xi32>
      %sign3A_655 = arith.extui %sign3A_654 : vector<16xi1> to vector<16xi32>
      %sign3A_656 = arith.subi %sign3A_651, %sign3A_655 : vector<16xi32>
      %ne3A_657 = arith.cmpi ne, %sign3A_647, %sign3A_656 : vector<16xi32>
      %rem3A_658 = arith.remsi %add3A_637, %broadcast_in_dim3A_13 : vector<16xi32>
      %ne3A_659 = arith.constant 0 : i32
      %ne3A_660 = vector.broadcast %ne3A_659 : i32 to vector<16xi32>
      %ne3A_661 = arith.cmpi ne, %rem3A_658, %ne3A_660 : vector<16xi32>
      %and3A_662 = arith.andi %ne3A_657, %ne3A_661 : vector<16xi1>
      %sub3A_663 = arith.constant 1 : i32
      %sub3A_664 = vector.broadcast %sub3A_663 : i32 to vector<16xi32>
      %sub3A_665 = arith.subi %div3A_638, %sub3A_664 : vector<16xi32>
      %select_n3A_666 = arith.select %and3A_662, %sub3A_665, %div3A_638 : vector<16xi1>, vector<16xi32>
      %eq3A_667 = arith.constant 0 : i32
      %eq3A_668 = vector.broadcast %eq3A_667 : i32 to vector<16xi32>
      %eq3A_669 = arith.cmpi eq, %broadcast_in_dim3A_13, %eq3A_668 : vector<16xi32>
      %broadcast_in_dim3A_670 = arith.constant 1 : i32
      %broadcast_in_dim3A_671 = vector.broadcast %broadcast_in_dim3A_670 : i32 to vector<16xi32>
      %select_n3A_672 = arith.select %eq3A_669, %broadcast_in_dim3A_671, %broadcast_in_dim3A_13 : vector<16xi1>, vector<16xi32>
      %rem3A_673 = arith.remsi %add3A_637, %select_n3A_672 : vector<16xi32>
      %ne3A_674 = arith.constant 0 : i32
      %ne3A_675 = vector.broadcast %ne3A_674 : i32 to vector<16xi32>
      %ne3A_676 = arith.cmpi ne, %rem3A_673, %ne3A_675 : vector<16xi32>
      %lt3A_677 = arith.constant 0 : i32
      %lt3A_678 = vector.broadcast %lt3A_677 : i32 to vector<16xi32>
      %lt3A_679 = arith.cmpi slt, %rem3A_673, %lt3A_678 : vector<16xi32>
      %lt3A_680 = arith.constant 0 : i32
      %lt3A_681 = vector.broadcast %lt3A_680 : i32 to vector<16xi32>
      %lt3A_682 = arith.cmpi slt, %select_n3A_672, %lt3A_681 : vector<16xi32>
      %ne3A_683 = arith.xori %lt3A_679, %lt3A_682 : vector<16xi1>
      %and3A_684 = arith.andi %ne3A_683, %ne3A_676 : vector<16xi1>
      %add3A_685 = arith.addi %rem3A_673, %select_n3A_672 : vector<16xi32>
      %select_n3A_686 = arith.select %and3A_684, %add3A_685, %rem3A_673 : vector<16xi1>, vector<16xi32>
      tpu.vector_store_idx %arg10[%select_n3A_666, %select_n3A_686], %gather3A_231 masked %ge3A : memref<51x128xi32, #tpu.memory_space<vmem>>[vector<16xi32>, vector<16xi32>], vector<16xi32>, vector<16xi1>
    } else {
    }
    %gt3A_22 = arith.constant 0 : i32
    %gt3A_23 = arith.cmpi sgt, %sub3A_19, %gt3A_22 : i32
    %convert_element_type3A_24 = arith.extui %gt3A_23 : i1 to i32
    %cond3A_25 = arith.constant 0 : i32
    %cond3A_26 = arith.cmpi ne, %convert_element_type3A_24, %cond3A_25 : i32
    scf.if %cond3A_26 {
      %sub3A_155 = arith.constant 1 : i32
      %sub3A_156 = arith.subi %sub3A_19, %sub3A_155 : i32
      %jit3A_157 = arith.constant 16 : i32
      %div3A_158 = arith.divsi %sub3A_156, %jit3A_157 : i32
      %sign3A_159 = arith.constant 0 : i32
      %sign3A_160 = arith.cmpi sgt, %sub3A_156, %sign3A_159 : i32
      %sign3A_161 = arith.extui %sign3A_160 : i1 to i32
      %sign3A_162 = arith.constant 0 : i32
      %sign3A_163 = arith.cmpi slt, %sub3A_156, %sign3A_162 : i32
      %sign3A_164 = arith.extui %sign3A_163 : i1 to i32
      %sign3A_165 = arith.subi %sign3A_161, %sign3A_164 : i32
      %sign3A_166 = arith.constant 0 : i32
      %sign3A_167 = arith.cmpi sgt, %jit3A_157, %sign3A_166 : i32
      %sign3A_168 = arith.extui %sign3A_167 : i1 to i32
      %sign3A_169 = arith.constant 0 : i32
      %sign3A_170 = arith.cmpi slt, %jit3A_157, %sign3A_169 : i32
      %sign3A_171 = arith.extui %sign3A_170 : i1 to i32
      %sign3A_172 = arith.subi %sign3A_168, %sign3A_171 : i32
      %ne3A_173 = arith.cmpi ne, %sign3A_165, %sign3A_172 : i32
      %rem3A_174 = arith.remsi %sub3A_156, %jit3A_157 : i32
      %ne3A_175 = arith.constant 0 : i32
      %ne3A_176 = arith.cmpi ne, %rem3A_174, %ne3A_175 : i32
      %and3A_177 = arith.andi %ne3A_173, %ne3A_176 : i1
      %sub3A_178 = arith.constant 1 : i32
      %sub3A_179 = arith.subi %div3A_158, %sub3A_178 : i32
      %select_n3A_180 = arith.select %and3A_177, %sub3A_179, %div3A_158 : i32
      %mul3A_181 = arith.constant 16 : i32
      %mul3A_182 = arith.muli %select_n3A_180, %mul3A_181 : i32
      %sub3A_183 = arith.subi %sub3A_156, %mul3A_182 : i32
      %broadcast_in_dim3A_184 = vector.broadcast %sub3A_183 : i32 to vector<16xi32>
      %get3A = arith.index_cast %mul3A_182 : i32 to index
      %get3A_185 = tpu.vector_load %arg11[%get3A] {strides = array<i32>} : memref<6544xi32, #tpu.memory_space<vmem>>, vector<16xi32>,
      %broadcast_in_dim3A_186 = vector.shape_cast %broadcast_in_dim3A_184 : vector<16xi32> to vector<16x1xi32>
      %gather3A = vector.shape_cast %broadcast_in_dim3A_186 : vector<16x1xi32> to vector<16xi32>
      %gather3A_187 = tpu.dynamic_gather %get3A_185[%gather3A] in [0] : vector<16xi32>, vector<16xi32> -> vector<16xi32>
      %jit3A_188 = arith.constant 128 : i32
      %div3A_189 = arith.divsi %mul3A_182, %jit3A_188 : i32
      %sign3A_190 = arith.constant 0 : i32
      %sign3A_191 = arith.cmpi sgt, %mul3A_182, %sign3A_190 : i32
      %sign3A_192 = arith.extui %sign3A_191 : i1 to i32
      %sign3A_193 = arith.constant 0 : i32
      %sign3A_194 = arith.cmpi slt, %mul3A_182, %sign3A_193 : i32
      %sign3A_195 = arith.extui %sign3A_194 : i1 to i32
      %sign3A_196 = arith.subi %sign3A_192, %sign3A_195 : i32
      %sign3A_197 = arith.constant 0 : i32
      %sign3A_198 = arith.cmpi sgt, %jit3A_188, %sign3A_197 : i32
      %sign3A_199 = arith.extui %sign3A_198 : i1 to i32
      %sign3A_200 = arith.constant 0 : i32
      %sign3A_201 = arith.cmpi slt, %jit3A_188, %sign3A_200 : i32
      %sign3A_202 = arith.extui %sign3A_201 : i1 to i32
      %sign3A_203 = arith.subi %sign3A_199, %sign3A_202 : i32
      %ne3A_204 = arith.cmpi ne, %sign3A_196, %sign3A_203 : i32
      %rem3A_205 = arith.remsi %mul3A_182, %jit3A_188 : i32
      %ne3A_206 = arith.constant 0 : i32
      %ne3A_207 = arith.cmpi ne, %rem3A_205, %ne3A_206 : i32
      %and3A_208 = arith.andi %ne3A_204, %ne3A_207 : i1
      %sub3A_209 = arith.constant 1 : i32
      %sub3A_210 = arith.subi %div3A_189, %sub3A_209 : i32
      %select_n3A_211 = arith.select %and3A_208, %sub3A_210, %div3A_189 : i32
      %jit3A_212 = arith.constant 128 : i32
      %eq3A = arith.constant 0 : i32
      %eq3A_213 = arith.cmpi eq, %jit3A_212, %eq3A : i32
      %jit3A_214 = arith.constant 1 : i32
      %select_n3A_215 = arith.select %eq3A_213, %jit3A_214, %jit3A_212 : i32
      %rem3A_216 = arith.remsi %mul3A_182, %select_n3A_215 : i32
      %ne3A_217 = arith.constant 0 : i32
      %ne3A_218 = arith.cmpi ne, %rem3A_216, %ne3A_217 : i32
      %lt3A = arith.constant 0 : i32
      %lt3A_219 = arith.cmpi slt, %rem3A_216, %lt3A : i32
      %lt3A_220 = arith.constant 0 : i32
      %lt3A_221 = arith.cmpi slt, %select_n3A_215, %lt3A_220 : i32
      %ne3A_222 = arith.xori %lt3A_219, %lt3A_221 : i1
      %and3A_223 = arith.andi %ne3A_222, %ne3A_218 : i1
      %add3A_224 = arith.addi %rem3A_216, %select_n3A_215 : i32
      %select_n3A_225 = arith.select %and3A_223, %add3A_224, %rem3A_216 : i32
      %get3A_226 = arith.index_cast %select_n3A_211 : i32 to index
      %get3A_227 = arith.index_cast %select_n3A_225 : i32 to index
      %get3A_228 = tpu.vector_load %arg12[%get3A_226, %get3A_227] {strides = array<i32>} : memref<51x128xi32, #tpu.memory_space<vmem>>, vector<16xi32>,
      %broadcast_in_dim3A_229 = vector.shape_cast %broadcast_in_dim3A_184 : vector<16xi32> to vector<16x1xi32>
      %gather3A_230 = vector.shape_cast %broadcast_in_dim3A_229 : vector<16x1xi32> to vector<16xi32>
      %gather3A_231 = tpu.dynamic_gather %get3A_228[%gather3A_230] in [0] : vector<16xi32>, vector<16xi32> -> vector<16xi32>
      %ge3A = arith.cmpi sge, %iota3A, %broadcast_in_dim3A_9 : vector<16xi32>
      %add3A_232 = arith.constant 0 : i32
      %add3A_233 = arith.addi %sub3A_19, %add3A_232 : i32
      %swap3A = arith.index_cast %add3A_233 : i32 to index
      %swap3A_234 = tpu.vector_load %arg11[%swap3A] {strides = array<i32>} : memref<6544xi32, #tpu.memory_space<vmem>>, vector<16xi32>,
      tpu.vector_store %arg11[%swap3A], %gather3A_187 {strides = array<i32>} : memref<6544xi32, #tpu.memory_space<vmem>>, vector<16xi32>,
      %add3A_235 = arith.constant 0 : i32
      %add3A_236 = arith.addi %sub3A_19, %add3A_235 : i32
      %broadcast_in_dim3A_237 = vector.broadcast %add3A_236 : i32 to vector<16xi32>
      %add3A_238 = arith.addi %broadcast_in_dim3A_237, %iota3A : vector<16xi32>
      %div3A_239 = arith.divsi %add3A_238, %broadcast_in_dim3A_13 : vector<16xi32>
      %sign3A_240 = arith.constant 0 : i32
      %sign3A_241 = vector.broadcast %sign3A_240 : i32 to vector<16xi32>
      %sign3A_242 = arith.cmpi sgt, %add3A_238, %sign3A_241 : vector<16xi32>
      %sign3A_243 = arith.extui %sign3A_242 : vector<16xi1> to vector<16xi32>
      %sign3A_244 = arith.constant 0 : i32
      %sign3A_245 = vector.broadcast %sign3A_244 : i32 to vector<16xi32>
      %sign3A_246 = arith.cmpi slt, %add3A_238, %sign3A_245 : vector<16xi32>
      %sign3A_247 = arith.extui %sign3A_246 : vector<16xi1> to vector<16xi32>
      %sign3A_248 = arith.subi %sign3A_243, %sign3A_247 : vector<16xi32>
      %sign3A_249 = arith.constant 0 : i32
      %sign3A_250 = vector.broadcast %sign3A_249 : i32 to vector<16xi32>
      %sign3A_251 = arith.cmpi sgt, %broadcast_in_dim3A_13, %sign3A_250 : vector<16xi32>
      %sign3A_252 = arith.extui %sign3A_251 : vector<16xi1> to vector<16xi32>
      %sign3A_253 = arith.constant 0 : i32
      %sign3A_254 = vector.broadcast %sign3A_253 : i32 to vector<16xi32>
      %sign3A_255 = arith.cmpi slt, %broadcast_in_dim3A_13, %sign3A_254 : vector<16xi32>
      %sign3A_256 = arith.extui %sign3A_255 : vector<16xi1> to vector<16xi32>
      %sign3A_257 = arith.subi %sign3A_252, %sign3A_256 : vector<16xi32>
      %ne3A_258 = arith.cmpi ne, %sign3A_248, %sign3A_257 : vector<16xi32>
      %rem3A_259 = arith.remsi %add3A_238, %broadcast_in_dim3A_13 : vector<16xi32>
      %ne3A_260 = arith.constant 0 : i32
      %ne3A_261 = vector.broadcast %ne3A_260 : i32 to vector<16xi32>
      %ne3A_262 = arith.cmpi ne, %rem3A_259, %ne3A_261 : vector<16xi32>
      %and3A_263 = arith.andi %ne3A_258, %ne3A_262 : vector<16xi1>
      %sub3A_264 = arith.constant 1 : i32
      %sub3A_265 = vector.broadcast %sub3A_264 : i32 to vector<16xi32>
      %sub3A_266 = arith.subi %div3A_239, %sub3A_265 : vector<16xi32>
      %select_n3A_267 = arith.select %and3A_263, %sub3A_266, %div3A_239 : vector<16xi1>, vector<16xi32>
      %eq3A_268 = arith.constant 0 : i32
      %eq3A_269 = vector.broadcast %eq3A_268 : i32 to vector<16xi32>
      %eq3A_270 = arith.cmpi eq, %broadcast_in_dim3A_13, %eq3A_269 : vector<16xi32>
      %broadcast_in_dim3A_271 = arith.constant 1 : i32
      %broadcast_in_dim3A_272 = vector.broadcast %broadcast_in_dim3A_271 : i32 to vector<16xi32>
      %select_n3A_273 = arith.select %eq3A_270, %broadcast_in_dim3A_272, %broadcast_in_dim3A_13 : vector<16xi1>, vector<16xi32>
      %rem3A_274 = arith.remsi %add3A_238, %select_n3A_273 : vector<16xi32>
      %ne3A_275 = arith.constant 0 : i32
      %ne3A_276 = vector.broadcast %ne3A_275 : i32 to vector<16xi32>
      %ne3A_277 = arith.cmpi ne, %rem3A_274, %ne3A_276 : vector<16xi32>
      %lt3A_278 = arith.constant 0 : i32
      %lt3A_279 = vector.broadcast %lt3A_278 : i32 to vector<16xi32>
      %lt3A_280 = arith.cmpi slt, %rem3A_274, %lt3A_279 : vector<16xi32>
      %lt3A_281 = arith.constant 0 : i32
      %lt3A_282 = vector.broadcast %lt3A_281 : i32 to vector<16xi32>
      %lt3A_283 = arith.cmpi slt, %select_n3A_273, %lt3A_282 : vector<16xi32>
      %ne3A_284 = arith.xori %lt3A_280, %lt3A_283 : vector<16xi1>
      %and3A_285 = arith.andi %ne3A_284, %ne3A_277 : vector<16xi1>
      %add3A_286 = arith.addi %rem3A_274, %select_n3A_273 : vector<16xi32>
      %select_n3A_287 = arith.select %and3A_285, %add3A_286, %rem3A_274 : vector<16xi1>, vector<16xi32>
      tpu.vector_store_idx %arg12[%select_n3A_267, %select_n3A_287], %gather3A_231 masked %ge3A : memref<51x128xi32, #tpu.memory_space<vmem>>[vector<16xi32>, vector<16xi32>], vector<16xi32>, vector<16xi1>
      %add3A_288 = arith.constant 16 : i32
      %add3A_289 = arith.addi %sub3A_19, %add3A_288 : i32
      %swap3A_290 = arith.index_cast %add3A_289 : i32 to index
      %swap3A_291 = tpu.vector_load %arg11[%swap3A_290] {strides = array<i32>} : memref<6544xi32, #tpu.memory_space<vmem>>, vector<16xi32>,
      tpu.vector_store %arg11[%swap3A_290], %gather3A_187 {strides = array<i32>} : memref<6544xi32, #tpu.memory_space<vmem>>, vector<16xi32>,
      %add3A_292 = arith.constant 16 : i32
      %add3A_293 = arith.addi %sub3A_19, %add3A_292 : i32
      %broadcast_in_dim3A_294 = vector.broadcast %add3A_293 : i32 to vector<16xi32>
      %add3A_295 = arith.addi %broadcast_in_dim3A_294, %iota3A : vector<16xi32>
      %div3A_296 = arith.divsi %add3A_295, %broadcast_in_dim3A_13 : vector<16xi32>
      %sign3A_297 = arith.constant 0 : i32
      %sign3A_298 = vector.broadcast %sign3A_297 : i32 to vector<16xi32>
      %sign3A_299 = arith.cmpi sgt, %add3A_295, %sign3A_298 : vector<16xi32>
      %sign3A_300 = arith.extui %sign3A_299 : vector<16xi1> to vector<16xi32>
      %sign3A_301 = arith.constant 0 : i32
      %sign3A_302 = vector.broadcast %sign3A_301 : i32 to vector<16xi32>
      %sign3A_303 = arith.cmpi slt, %add3A_295, %sign3A_302 : vector<16xi32>
      %sign3A_304 = arith.extui %sign3A_303 : vector<16xi1> to vector<16xi32>
      %sign3A_305 = arith.subi %sign3A_300, %sign3A_304 : vector<16xi32>
      %sign3A_306 = arith.constant 0 : i32
      %sign3A_307 = vector.broadcast %sign3A_306 : i32 to vector<16xi32>
      %sign3A_308 = arith.cmpi sgt, %broadcast_in_dim3A_13, %sign3A_307 : vector<16xi32>
      %sign3A_309 = arith.extui %sign3A_308 : vector<16xi1> to vector<16xi32>
      %sign3A_310 = arith.constant 0 : i32
      %sign3A_311 = vector.broadcast %sign3A_310 : i32 to vector<16xi32>
      %sign3A_312 = arith.cmpi slt, %broadcast_in_dim3A_13, %sign3A_311 : vector<16xi32>
      %sign3A_313 = arith.extui %sign3A_312 : vector<16xi1> to vector<16xi32>
      %sign3A_314 = arith.subi %sign3A_309, %sign3A_313 : vector<16xi32>
      %ne3A_315 = arith.cmpi ne, %sign3A_305, %sign3A_314 : vector<16xi32>
      %rem3A_316 = arith.remsi %add3A_295, %broadcast_in_dim3A_13 : vector<16xi32>
      %ne3A_317 = arith.constant 0 : i32
      %ne3A_318 = vector.broadcast %ne3A_317 : i32 to vector<16xi32>
      %ne3A_319 = arith.cmpi ne, %rem3A_316, %ne3A_318 : vector<16xi32>
      %and3A_320 = arith.andi %ne3A_315, %ne3A_319 : vector<16xi1>
      %sub3A_321 = arith.constant 1 : i32
      %sub3A_322 = vector.broadcast %sub3A_321 : i32 to vector<16xi32>
      %sub3A_323 = arith.subi %div3A_296, %sub3A_322 : vector<16xi32>
      %select_n3A_324 = arith.select %and3A_320, %sub3A_323, %div3A_296 : vector<16xi1>, vector<16xi32>
      %eq3A_325 = arith.constant 0 : i32
      %eq3A_326 = vector.broadcast %eq3A_325 : i32 to vector<16xi32>
      %eq3A_327 = arith.cmpi eq, %broadcast_in_dim3A_13, %eq3A_326 : vector<16xi32>
      %broadcast_in_dim3A_328 = arith.constant 1 : i32
      %broadcast_in_dim3A_329 = vector.broadcast %broadcast_in_dim3A_328 : i32 to vector<16xi32>
      %select_n3A_330 = arith.select %eq3A_327, %broadcast_in_dim3A_329, %broadcast_in_dim3A_13 : vector<16xi1>, vector<16xi32>
      %rem3A_331 = arith.remsi %add3A_295, %select_n3A_330 : vector<16xi32>
      %ne3A_332 = arith.constant 0 : i32
      %ne3A_333 = vector.broadcast %ne3A_332 : i32 to vector<16xi32>
      %ne3A_334 = arith.cmpi ne, %rem3A_331, %ne3A_333 : vector<16xi32>
      %lt3A_335 = arith.constant 0 : i32
      %lt3A_336 = vector.broadcast %lt3A_335 : i32 to vector<16xi32>
      %lt3A_337 = arith.cmpi slt, %rem3A_331, %lt3A_336 : vector<16xi32>
      %lt3A_338 = arith.constant 0 : i32
      %lt3A_339 = vector.broadcast %lt3A_338 : i32 to vector<16xi32>
      %lt3A_340 = arith.cmpi slt, %select_n3A_330, %lt3A_339 : vector<16xi32>
      %ne3A_341 = arith.xori %lt3A_337, %lt3A_340 : vector<16xi1>
      %and3A_342 = arith.andi %ne3A_341, %ne3A_334 : vector<16xi1>
      %add3A_343 = arith.addi %rem3A_331, %select_n3A_330 : vector<16xi32>
      %select_n3A_344 = arith.select %and3A_342, %add3A_343, %rem3A_331 : vector<16xi1>, vector<16xi32>
      tpu.vector_store_idx %arg12[%select_n3A_324, %select_n3A_344], %gather3A_231 masked %ge3A : memref<51x128xi32, #tpu.memory_space<vmem>>[vector<16xi32>, vector<16xi32>], vector<16xi32>, vector<16xi1>
      %add3A_345 = arith.constant 32 : i32
      %add3A_346 = arith.addi %sub3A_19, %add3A_345 : i32
      %swap3A_347 = arith.index_cast %add3A_346 : i32 to index
      %swap3A_348 = tpu.vector_load %arg11[%swap3A_347] {strides = array<i32>} : memref<6544xi32, #tpu.memory_space<vmem>>, vector<16xi32>,
      tpu.vector_store %arg11[%swap3A_347], %gather3A_187 {strides = array<i32>} : memref<6544xi32, #tpu.memory_space<vmem>>, vector<16xi32>,
      %add3A_349 = arith.constant 32 : i32
      %add3A_350 = arith.addi %sub3A_19, %add3A_349 : i32
      %broadcast_in_dim3A_351 = vector.broadcast %add3A_350 : i32 to vector<16xi32>
      %add3A_352 = arith.addi %broadcast_in_dim3A_351, %iota3A : vector<16xi32>
      %div3A_353 = arith.divsi %add3A_352, %broadcast_in_dim3A_13 : vector<16xi32>
      %sign3A_354 = arith.constant 0 : i32
      %sign3A_355 = vector.broadcast %sign3A_354 : i32 to vector<16xi32>
      %sign3A_356 = arith.cmpi sgt, %add3A_352, %sign3A_355 : vector<16xi32>
      %sign3A_357 = arith.extui %sign3A_356 : vector<16xi1> to vector<16xi32>
      %sign3A_358 = arith.constant 0 : i32
      %sign3A_359 = vector.broadcast %sign3A_358 : i32 to vector<16xi32>
      %sign3A_360 = arith.cmpi slt, %add3A_352, %sign3A_359 : vector<16xi32>
      %sign3A_361 = arith.extui %sign3A_360 : vector<16xi1> to vector<16xi32>
      %sign3A_362 = arith.subi %sign3A_357, %sign3A_361 : vector<16xi32>
      %sign3A_363 = arith.constant 0 : i32
      %sign3A_364 = vector.broadcast %sign3A_363 : i32 to vector<16xi32>
      %sign3A_365 = arith.cmpi sgt, %broadcast_in_dim3A_13, %sign3A_364 : vector<16xi32>
      %sign3A_366 = arith.extui %sign3A_365 : vector<16xi1> to vector<16xi32>
      %sign3A_367 = arith.constant 0 : i32
      %sign3A_368 = vector.broadcast %sign3A_367 : i32 to vector<16xi32>
      %sign3A_369 = arith.cmpi slt, %broadcast_in_dim3A_13, %sign3A_368 : vector<16xi32>
      %sign3A_370 = arith.extui %sign3A_369 : vector<16xi1> to vector<16xi32>
      %sign3A_371 = arith.subi %sign3A_366, %sign3A_370 : vector<16xi32>
      %ne3A_372 = arith.cmpi ne, %sign3A_362, %sign3A_371 : vector<16xi32>
      %rem3A_373 = arith.remsi %add3A_352, %broadcast_in_dim3A_13 : vector<16xi32>
      %ne3A_374 = arith.constant 0 : i32
      %ne3A_375 = vector.broadcast %ne3A_374 : i32 to vector<16xi32>
      %ne3A_376 = arith.cmpi ne, %rem3A_373, %ne3A_375 : vector<16xi32>
      %and3A_377 = arith.andi %ne3A_372, %ne3A_376 : vector<16xi1>
      %sub3A_378 = arith.constant 1 : i32
      %sub3A_379 = vector.broadcast %sub3A_378 : i32 to vector<16xi32>
      %sub3A_380 = arith.subi %div3A_353, %sub3A_379 : vector<16xi32>
      %select_n3A_381 = arith.select %and3A_377, %sub3A_380, %div3A_353 : vector<16xi1>, vector<16xi32>
      %eq3A_382 = arith.constant 0 : i32
      %eq3A_383 = vector.broadcast %eq3A_382 : i32 to vector<16xi32>
      %eq3A_384 = arith.cmpi eq, %broadcast_in_dim3A_13, %eq3A_383 : vector<16xi32>
      %broadcast_in_dim3A_385 = arith.constant 1 : i32
      %broadcast_in_dim3A_386 = vector.broadcast %broadcast_in_dim3A_385 : i32 to vector<16xi32>
      %select_n3A_387 = arith.select %eq3A_384, %broadcast_in_dim3A_386, %broadcast_in_dim3A_13 : vector<16xi1>, vector<16xi32>
      %rem3A_388 = arith.remsi %add3A_352, %select_n3A_387 : vector<16xi32>
      %ne3A_389 = arith.constant 0 : i32
      %ne3A_390 = vector.broadcast %ne3A_389 : i32 to vector<16xi32>
      %ne3A_391 = arith.cmpi ne, %rem3A_388, %ne3A_390 : vector<16xi32>
      %lt3A_392 = arith.constant 0 : i32
      %lt3A_393 = vector.broadcast %lt3A_392 : i32 to vector<16xi32>
      %lt3A_394 = arith.cmpi slt, %rem3A_388, %lt3A_393 : vector<16xi32>
      %lt3A_395 = arith.constant 0 : i32
      %lt3A_396 = vector.broadcast %lt3A_395 : i32 to vector<16xi32>
      %lt3A_397 = arith.cmpi slt, %select_n3A_387, %lt3A_396 : vector<16xi32>
      %ne3A_398 = arith.xori %lt3A_394, %lt3A_397 : vector<16xi1>
      %and3A_399 = arith.andi %ne3A_398, %ne3A_391 : vector<16xi1>
      %add3A_400 = arith.addi %rem3A_388, %select_n3A_387 : vector<16xi32>
      %select_n3A_401 = arith.select %and3A_399, %add3A_400, %rem3A_388 : vector<16xi1>, vector<16xi32>
      tpu.vector_store_idx %arg12[%select_n3A_381, %select_n3A_401], %gather3A_231 masked %ge3A : memref<51x128xi32, #tpu.memory_space<vmem>>[vector<16xi32>, vector<16xi32>], vector<16xi32>, vector<16xi1>
      %add3A_402 = arith.constant 48 : i32
      %add3A_403 = arith.addi %sub3A_19, %add3A_402 : i32
      %swap3A_404 = arith.index_cast %add3A_403 : i32 to index
      %swap3A_405 = tpu.vector_load %arg11[%swap3A_404] {strides = array<i32>} : memref<6544xi32, #tpu.memory_space<vmem>>, vector<16xi32>,
      tpu.vector_store %arg11[%swap3A_404], %gather3A_187 {strides = array<i32>} : memref<6544xi32, #tpu.memory_space<vmem>>, vector<16xi32>,
      %add3A_406 = arith.constant 48 : i32
      %add3A_407 = arith.addi %sub3A_19, %add3A_406 : i32
      %broadcast_in_dim3A_408 = vector.broadcast %add3A_407 : i32 to vector<16xi32>
      %add3A_409 = arith.addi %broadcast_in_dim3A_408, %iota3A : vector<16xi32>
      %div3A_410 = arith.divsi %add3A_409, %broadcast_in_dim3A_13 : vector<16xi32>
      %sign3A_411 = arith.constant 0 : i32
      %sign3A_412 = vector.broadcast %sign3A_411 : i32 to vector<16xi32>
      %sign3A_413 = arith.cmpi sgt, %add3A_409, %sign3A_412 : vector<16xi32>
      %sign3A_414 = arith.extui %sign3A_413 : vector<16xi1> to vector<16xi32>
      %sign3A_415 = arith.constant 0 : i32
      %sign3A_416 = vector.broadcast %sign3A_415 : i32 to vector<16xi32>
      %sign3A_417 = arith.cmpi slt, %add3A_409, %sign3A_416 : vector<16xi32>
      %sign3A_418 = arith.extui %sign3A_417 : vector<16xi1> to vector<16xi32>
      %sign3A_419 = arith.subi %sign3A_414, %sign3A_418 : vector<16xi32>
      %sign3A_420 = arith.constant 0 : i32
      %sign3A_421 = vector.broadcast %sign3A_420 : i32 to vector<16xi32>
      %sign3A_422 = arith.cmpi sgt, %broadcast_in_dim3A_13, %sign3A_421 : vector<16xi32>
      %sign3A_423 = arith.extui %sign3A_422 : vector<16xi1> to vector<16xi32>
      %sign3A_424 = arith.constant 0 : i32
      %sign3A_425 = vector.broadcast %sign3A_424 : i32 to vector<16xi32>
      %sign3A_426 = arith.cmpi slt, %broadcast_in_dim3A_13, %sign3A_425 : vector<16xi32>
      %sign3A_427 = arith.extui %sign3A_426 : vector<16xi1> to vector<16xi32>
      %sign3A_428 = arith.subi %sign3A_423, %sign3A_427 : vector<16xi32>
      %ne3A_429 = arith.cmpi ne, %sign3A_419, %sign3A_428 : vector<16xi32>
      %rem3A_430 = arith.remsi %add3A_409, %broadcast_in_dim3A_13 : vector<16xi32>
      %ne3A_431 = arith.constant 0 : i32
      %ne3A_432 = vector.broadcast %ne3A_431 : i32 to vector<16xi32>
      %ne3A_433 = arith.cmpi ne, %rem3A_430, %ne3A_432 : vector<16xi32>
      %and3A_434 = arith.andi %ne3A_429, %ne3A_433 : vector<16xi1>
      %sub3A_435 = arith.constant 1 : i32
      %sub3A_436 = vector.broadcast %sub3A_435 : i32 to vector<16xi32>
      %sub3A_437 = arith.subi %div3A_410, %sub3A_436 : vector<16xi32>
      %select_n3A_438 = arith.select %and3A_434, %sub3A_437, %div3A_410 : vector<16xi1>, vector<16xi32>
      %eq3A_439 = arith.constant 0 : i32
      %eq3A_440 = vector.broadcast %eq3A_439 : i32 to vector<16xi32>
      %eq3A_441 = arith.cmpi eq, %broadcast_in_dim3A_13, %eq3A_440 : vector<16xi32>
      %broadcast_in_dim3A_442 = arith.constant 1 : i32
      %broadcast_in_dim3A_443 = vector.broadcast %broadcast_in_dim3A_442 : i32 to vector<16xi32>
      %select_n3A_444 = arith.select %eq3A_441, %broadcast_in_dim3A_443, %broadcast_in_dim3A_13 : vector<16xi1>, vector<16xi32>
      %rem3A_445 = arith.remsi %add3A_409, %select_n3A_444 : vector<16xi32>
      %ne3A_446 = arith.constant 0 : i32
      %ne3A_447 = vector.broadcast %ne3A_446 : i32 to vector<16xi32>
      %ne3A_448 = arith.cmpi ne, %rem3A_445, %ne3A_447 : vector<16xi32>
      %lt3A_449 = arith.constant 0 : i32
      %lt3A_450 = vector.broadcast %lt3A_449 : i32 to vector<16xi32>
      %lt3A_451 = arith.cmpi slt, %rem3A_445, %lt3A_450 : vector<16xi32>
      %lt3A_452 = arith.constant 0 : i32
      %lt3A_453 = vector.broadcast %lt3A_452 : i32 to vector<16xi32>
      %lt3A_454 = arith.cmpi slt, %select_n3A_444, %lt3A_453 : vector<16xi32>
      %ne3A_455 = arith.xori %lt3A_451, %lt3A_454 : vector<16xi1>
      %and3A_456 = arith.andi %ne3A_455, %ne3A_448 : vector<16xi1>
      %add3A_457 = arith.addi %rem3A_445, %select_n3A_444 : vector<16xi32>
      %select_n3A_458 = arith.select %and3A_456, %add3A_457, %rem3A_445 : vector<16xi1>, vector<16xi32>
      tpu.vector_store_idx %arg12[%select_n3A_438, %select_n3A_458], %gather3A_231 masked %ge3A : memref<51x128xi32, #tpu.memory_space<vmem>>[vector<16xi32>, vector<16xi32>], vector<16xi32>, vector<16xi1>
      %add3A_459 = arith.constant 64 : i32
      %add3A_460 = arith.addi %sub3A_19, %add3A_459 : i32
      %swap3A_461 = arith.index_cast %add3A_460 : i32 to index
      %swap3A_462 = tpu.vector_load %arg11[%swap3A_461] {strides = array<i32>} : memref<6544xi32, #tpu.memory_space<vmem>>, vector<16xi32>,
      tpu.vector_store %arg11[%swap3A_461], %gather3A_187 {strides = array<i32>} : memref<6544xi32, #tpu.memory_space<vmem>>, vector<16xi32>,
      %add3A_463 = arith.constant 64 : i32
      %add3A_464 = arith.addi %sub3A_19, %add3A_463 : i32
      %broadcast_in_dim3A_465 = vector.broadcast %add3A_464 : i32 to vector<16xi32>
      %add3A_466 = arith.addi %broadcast_in_dim3A_465, %iota3A : vector<16xi32>
      %div3A_467 = arith.divsi %add3A_466, %broadcast_in_dim3A_13 : vector<16xi32>
      %sign3A_468 = arith.constant 0 : i32
      %sign3A_469 = vector.broadcast %sign3A_468 : i32 to vector<16xi32>
      %sign3A_470 = arith.cmpi sgt, %add3A_466, %sign3A_469 : vector<16xi32>
      %sign3A_471 = arith.extui %sign3A_470 : vector<16xi1> to vector<16xi32>
      %sign3A_472 = arith.constant 0 : i32
      %sign3A_473 = vector.broadcast %sign3A_472 : i32 to vector<16xi32>
      %sign3A_474 = arith.cmpi slt, %add3A_466, %sign3A_473 : vector<16xi32>
      %sign3A_475 = arith.extui %sign3A_474 : vector<16xi1> to vector<16xi32>
      %sign3A_476 = arith.subi %sign3A_471, %sign3A_475 : vector<16xi32>
      %sign3A_477 = arith.constant 0 : i32
      %sign3A_478 = vector.broadcast %sign3A_477 : i32 to vector<16xi32>
      %sign3A_479 = arith.cmpi sgt, %broadcast_in_dim3A_13, %sign3A_478 : vector<16xi32>
      %sign3A_480 = arith.extui %sign3A_479 : vector<16xi1> to vector<16xi32>
      %sign3A_481 = arith.constant 0 : i32
      %sign3A_482 = vector.broadcast %sign3A_481 : i32 to vector<16xi32>
      %sign3A_483 = arith.cmpi slt, %broadcast_in_dim3A_13, %sign3A_482 : vector<16xi32>
      %sign3A_484 = arith.extui %sign3A_483 : vector<16xi1> to vector<16xi32>
      %sign3A_485 = arith.subi %sign3A_480, %sign3A_484 : vector<16xi32>
      %ne3A_486 = arith.cmpi ne, %sign3A_476, %sign3A_485 : vector<16xi32>
      %rem3A_487 = arith.remsi %add3A_466, %broadcast_in_dim3A_13 : vector<16xi32>
      %ne3A_488 = arith.constant 0 : i32
      %ne3A_489 = vector.broadcast %ne3A_488 : i32 to vector<16xi32>
      %ne3A_490 = arith.cmpi ne, %rem3A_487, %ne3A_489 : vector<16xi32>
      %and3A_491 = arith.andi %ne3A_486, %ne3A_490 : vector<16xi1>
      %sub3A_492 = arith.constant 1 : i32
      %sub3A_493 = vector.broadcast %sub3A_492 : i32 to vector<16xi32>
      %sub3A_494 = arith.subi %div3A_467, %sub3A_493 : vector<16xi32>
      %select_n3A_495 = arith.select %and3A_491, %sub3A_494, %div3A_467 : vector<16xi1>, vector<16xi32>
      %eq3A_496 = arith.constant 0 : i32
      %eq3A_497 = vector.broadcast %eq3A_496 : i32 to vector<16xi32>
      %eq3A_498 = arith.cmpi eq, %broadcast_in_dim3A_13, %eq3A_497 : vector<16xi32>
      %broadcast_in_dim3A_499 = arith.constant 1 : i32
      %broadcast_in_dim3A_500 = vector.broadcast %broadcast_in_dim3A_499 : i32 to vector<16xi32>
      %select_n3A_501 = arith.select %eq3A_498, %broadcast_in_dim3A_500, %broadcast_in_dim3A_13 : vector<16xi1>, vector<16xi32>
      %rem3A_502 = arith.remsi %add3A_466, %select_n3A_501 : vector<16xi32>
      %ne3A_503 = arith.constant 0 : i32
      %ne3A_504 = vector.broadcast %ne3A_503 : i32 to vector<16xi32>
      %ne3A_505 = arith.cmpi ne, %rem3A_502, %ne3A_504 : vector<16xi32>
      %lt3A_506 = arith.constant 0 : i32
      %lt3A_507 = vector.broadcast %lt3A_506 : i32 to vector<16xi32>
      %lt3A_508 = arith.cmpi slt, %rem3A_502, %lt3A_507 : vector<16xi32>
      %lt3A_509 = arith.constant 0 : i32
      %lt3A_510 = vector.broadcast %lt3A_509 : i32 to vector<16xi32>
      %lt3A_511 = arith.cmpi slt, %select_n3A_501, %lt3A_510 : vector<16xi32>
      %ne3A_512 = arith.xori %lt3A_508, %lt3A_511 : vector<16xi1>
      %and3A_513 = arith.andi %ne3A_512, %ne3A_505 : vector<16xi1>
      %add3A_514 = arith.addi %rem3A_502, %select_n3A_501 : vector<16xi32>
      %select_n3A_515 = arith.select %and3A_513, %add3A_514, %rem3A_502 : vector<16xi1>, vector<16xi32>
      tpu.vector_store_idx %arg12[%select_n3A_495, %select_n3A_515], %gather3A_231 masked %ge3A : memref<51x128xi32, #tpu.memory_space<vmem>>[vector<16xi32>, vector<16xi32>], vector<16xi32>, vector<16xi1>
      %add3A_516 = arith.constant 80 : i32
      %add3A_517 = arith.addi %sub3A_19, %add3A_516 : i32
      %swap3A_518 = arith.index_cast %add3A_517 : i32 to index
      %swap3A_519 = tpu.vector_load %arg11[%swap3A_518] {strides = array<i32>} : memref<6544xi32, #tpu.memory_space<vmem>>, vector<16xi32>,
      tpu.vector_store %arg11[%swap3A_518], %gather3A_187 {strides = array<i32>} : memref<6544xi32, #tpu.memory_space<vmem>>, vector<16xi32>,
      %add3A_520 = arith.constant 80 : i32
      %add3A_521 = arith.addi %sub3A_19, %add3A_520 : i32
      %broadcast_in_dim3A_522 = vector.broadcast %add3A_521 : i32 to vector<16xi32>
      %add3A_523 = arith.addi %broadcast_in_dim3A_522, %iota3A : vector<16xi32>
      %div3A_524 = arith.divsi %add3A_523, %broadcast_in_dim3A_13 : vector<16xi32>
      %sign3A_525 = arith.constant 0 : i32
      %sign3A_526 = vector.broadcast %sign3A_525 : i32 to vector<16xi32>
      %sign3A_527 = arith.cmpi sgt, %add3A_523, %sign3A_526 : vector<16xi32>
      %sign3A_528 = arith.extui %sign3A_527 : vector<16xi1> to vector<16xi32>
      %sign3A_529 = arith.constant 0 : i32
      %sign3A_530 = vector.broadcast %sign3A_529 : i32 to vector<16xi32>
      %sign3A_531 = arith.cmpi slt, %add3A_523, %sign3A_530 : vector<16xi32>
      %sign3A_532 = arith.extui %sign3A_531 : vector<16xi1> to vector<16xi32>
      %sign3A_533 = arith.subi %sign3A_528, %sign3A_532 : vector<16xi32>
      %sign3A_534 = arith.constant 0 : i32
      %sign3A_535 = vector.broadcast %sign3A_534 : i32 to vector<16xi32>
      %sign3A_536 = arith.cmpi sgt, %broadcast_in_dim3A_13, %sign3A_535 : vector<16xi32>
      %sign3A_537 = arith.extui %sign3A_536 : vector<16xi1> to vector<16xi32>
      %sign3A_538 = arith.constant 0 : i32
      %sign3A_539 = vector.broadcast %sign3A_538 : i32 to vector<16xi32>
      %sign3A_540 = arith.cmpi slt, %broadcast_in_dim3A_13, %sign3A_539 : vector<16xi32>
      %sign3A_541 = arith.extui %sign3A_540 : vector<16xi1> to vector<16xi32>
      %sign3A_542 = arith.subi %sign3A_537, %sign3A_541 : vector<16xi32>
      %ne3A_543 = arith.cmpi ne, %sign3A_533, %sign3A_542 : vector<16xi32>
      %rem3A_544 = arith.remsi %add3A_523, %broadcast_in_dim3A_13 : vector<16xi32>
      %ne3A_545 = arith.constant 0 : i32
      %ne3A_546 = vector.broadcast %ne3A_545 : i32 to vector<16xi32>
      %ne3A_547 = arith.cmpi ne, %rem3A_544, %ne3A_546 : vector<16xi32>
      %and3A_548 = arith.andi %ne3A_543, %ne3A_547 : vector<16xi1>
      %sub3A_549 = arith.constant 1 : i32
      %sub3A_550 = vector.broadcast %sub3A_549 : i32 to vector<16xi32>
      %sub3A_551 = arith.subi %div3A_524, %sub3A_550 : vector<16xi32>
      %select_n3A_552 = arith.select %and3A_548, %sub3A_551, %div3A_524 : vector<16xi1>, vector<16xi32>
      %eq3A_553 = arith.constant 0 : i32
      %eq3A_554 = vector.broadcast %eq3A_553 : i32 to vector<16xi32>
      %eq3A_555 = arith.cmpi eq, %broadcast_in_dim3A_13, %eq3A_554 : vector<16xi32>
      %broadcast_in_dim3A_556 = arith.constant 1 : i32
      %broadcast_in_dim3A_557 = vector.broadcast %broadcast_in_dim3A_556 : i32 to vector<16xi32>
      %select_n3A_558 = arith.select %eq3A_555, %broadcast_in_dim3A_557, %broadcast_in_dim3A_13 : vector<16xi1>, vector<16xi32>
      %rem3A_559 = arith.remsi %add3A_523, %select_n3A_558 : vector<16xi32>
      %ne3A_560 = arith.constant 0 : i32
      %ne3A_561 = vector.broadcast %ne3A_560 : i32 to vector<16xi32>
      %ne3A_562 = arith.cmpi ne, %rem3A_559, %ne3A_561 : vector<16xi32>
      %lt3A_563 = arith.constant 0 : i32
      %lt3A_564 = vector.broadcast %lt3A_563 : i32 to vector<16xi32>
      %lt3A_565 = arith.cmpi slt, %rem3A_559, %lt3A_564 : vector<16xi32>
      %lt3A_566 = arith.constant 0 : i32
      %lt3A_567 = vector.broadcast %lt3A_566 : i32 to vector<16xi32>
      %lt3A_568 = arith.cmpi slt, %select_n3A_558, %lt3A_567 : vector<16xi32>
      %ne3A_569 = arith.xori %lt3A_565, %lt3A_568 : vector<16xi1>
      %and3A_570 = arith.andi %ne3A_569, %ne3A_562 : vector<16xi1>
      %add3A_571 = arith.addi %rem3A_559, %select_n3A_558 : vector<16xi32>
      %select_n3A_572 = arith.select %and3A_570, %add3A_571, %rem3A_559 : vector<16xi1>, vector<16xi32>
      tpu.vector_store_idx %arg12[%select_n3A_552, %select_n3A_572], %gather3A_231 masked %ge3A : memref<51x128xi32, #tpu.memory_space<vmem>>[vector<16xi32>, vector<16xi32>], vector<16xi32>, vector<16xi1>
      %add3A_573 = arith.constant 96 : i32
      %add3A_574 = arith.addi %sub3A_19, %add3A_573 : i32
      %swap3A_575 = arith.index_cast %add3A_574 : i32 to index
      %swap3A_576 = tpu.vector_load %arg11[%swap3A_575] {strides = array<i32>} : memref<6544xi32, #tpu.memory_space<vmem>>, vector<16xi32>,
      tpu.vector_store %arg11[%swap3A_575], %gather3A_187 {strides = array<i32>} : memref<6544xi32, #tpu.memory_space<vmem>>, vector<16xi32>,
      %add3A_577 = arith.constant 96 : i32
      %add3A_578 = arith.addi %sub3A_19, %add3A_577 : i32
      %broadcast_in_dim3A_579 = vector.broadcast %add3A_578 : i32 to vector<16xi32>
      %add3A_580 = arith.addi %broadcast_in_dim3A_579, %iota3A : vector<16xi32>
      %div3A_581 = arith.divsi %add3A_580, %broadcast_in_dim3A_13 : vector<16xi32>
      %sign3A_582 = arith.constant 0 : i32
      %sign3A_583 = vector.broadcast %sign3A_582 : i32 to vector<16xi32>
      %sign3A_584 = arith.cmpi sgt, %add3A_580, %sign3A_583 : vector<16xi32>
      %sign3A_585 = arith.extui %sign3A_584 : vector<16xi1> to vector<16xi32>
      %sign3A_586 = arith.constant 0 : i32
      %sign3A_587 = vector.broadcast %sign3A_586 : i32 to vector<16xi32>
      %sign3A_588 = arith.cmpi slt, %add3A_580, %sign3A_587 : vector<16xi32>
      %sign3A_589 = arith.extui %sign3A_588 : vector<16xi1> to vector<16xi32>
      %sign3A_590 = arith.subi %sign3A_585, %sign3A_589 : vector<16xi32>
      %sign3A_591 = arith.constant 0 : i32
      %sign3A_592 = vector.broadcast %sign3A_591 : i32 to vector<16xi32>
      %sign3A_593 = arith.cmpi sgt, %broadcast_in_dim3A_13, %sign3A_592 : vector<16xi32>
      %sign3A_594 = arith.extui %sign3A_593 : vector<16xi1> to vector<16xi32>
      %sign3A_595 = arith.constant 0 : i32
      %sign3A_596 = vector.broadcast %sign3A_595 : i32 to vector<16xi32>
      %sign3A_597 = arith.cmpi slt, %broadcast_in_dim3A_13, %sign3A_596 : vector<16xi32>
      %sign3A_598 = arith.extui %sign3A_597 : vector<16xi1> to vector<16xi32>
      %sign3A_599 = arith.subi %sign3A_594, %sign3A_598 : vector<16xi32>
      %ne3A_600 = arith.cmpi ne, %sign3A_590, %sign3A_599 : vector<16xi32>
      %rem3A_601 = arith.remsi %add3A_580, %broadcast_in_dim3A_13 : vector<16xi32>
      %ne3A_602 = arith.constant 0 : i32
      %ne3A_603 = vector.broadcast %ne3A_602 : i32 to vector<16xi32>
      %ne3A_604 = arith.cmpi ne, %rem3A_601, %ne3A_603 : vector<16xi32>
      %and3A_605 = arith.andi %ne3A_600, %ne3A_604 : vector<16xi1>
      %sub3A_606 = arith.constant 1 : i32
      %sub3A_607 = vector.broadcast %sub3A_606 : i32 to vector<16xi32>
      %sub3A_608 = arith.subi %div3A_581, %sub3A_607 : vector<16xi32>
      %select_n3A_609 = arith.select %and3A_605, %sub3A_608, %div3A_581 : vector<16xi1>, vector<16xi32>
      %eq3A_610 = arith.constant 0 : i32
      %eq3A_611 = vector.broadcast %eq3A_610 : i32 to vector<16xi32>
      %eq3A_612 = arith.cmpi eq, %broadcast_in_dim3A_13, %eq3A_611 : vector<16xi32>
      %broadcast_in_dim3A_613 = arith.constant 1 : i32
      %broadcast_in_dim3A_614 = vector.broadcast %broadcast_in_dim3A_613 : i32 to vector<16xi32>
      %select_n3A_615 = arith.select %eq3A_612, %broadcast_in_dim3A_614, %broadcast_in_dim3A_13 : vector<16xi1>, vector<16xi32>
      %rem3A_616 = arith.remsi %add3A_580, %select_n3A_615 : vector<16xi32>
      %ne3A_617 = arith.constant 0 : i32
      %ne3A_618 = vector.broadcast %ne3A_617 : i32 to vector<16xi32>
      %ne3A_619 = arith.cmpi ne, %rem3A_616, %ne3A_618 : vector<16xi32>
      %lt3A_620 = arith.constant 0 : i32
      %lt3A_621 = vector.broadcast %lt3A_620 : i32 to vector<16xi32>
      %lt3A_622 = arith.cmpi slt, %rem3A_616, %lt3A_621 : vector<16xi32>
      %lt3A_623 = arith.constant 0 : i32
      %lt3A_624 = vector.broadcast %lt3A_623 : i32 to vector<16xi32>
      %lt3A_625 = arith.cmpi slt, %select_n3A_615, %lt3A_624 : vector<16xi32>
      %ne3A_626 = arith.xori %lt3A_622, %lt3A_625 : vector<16xi1>
      %and3A_627 = arith.andi %ne3A_626, %ne3A_619 : vector<16xi1>
      %add3A_628 = arith.addi %rem3A_616, %select_n3A_615 : vector<16xi32>
      %select_n3A_629 = arith.select %and3A_627, %add3A_628, %rem3A_616 : vector<16xi1>, vector<16xi32>
      tpu.vector_store_idx %arg12[%select_n3A_609, %select_n3A_629], %gather3A_231 masked %ge3A : memref<51x128xi32, #tpu.memory_space<vmem>>[vector<16xi32>, vector<16xi32>], vector<16xi32>, vector<16xi1>
      %add3A_630 = arith.constant 112 : i32
      %add3A_631 = arith.addi %sub3A_19, %add3A_630 : i32
      %swap3A_632 = arith.index_cast %add3A_631 : i32 to index
      %swap3A_633 = tpu.vector_load %arg11[%swap3A_632] {strides = array<i32>} : memref<6544xi32, #tpu.memory_space<vmem>>, vector<16xi32>,
      tpu.vector_store %arg11[%swap3A_632], %gather3A_187 {strides = array<i32>} : memref<6544xi32, #tpu.memory_space<vmem>>, vector<16xi32>,
      %add3A_634 = arith.constant 112 : i32
      %add3A_635 = arith.addi %sub3A_19, %add3A_634 : i32
      %broadcast_in_dim3A_636 = vector.broadcast %add3A_635 : i32 to vector<16xi32>
      %add3A_637 = arith.addi %broadcast_in_dim3A_636, %iota3A : vector<16xi32>
      %div3A_638 = arith.divsi %add3A_637, %broadcast_in_dim3A_13 : vector<16xi32>
      %sign3A_639 = arith.constant 0 : i32
      %sign3A_640 = vector.broadcast %sign3A_639 : i32 to vector<16xi32>
      %sign3A_641 = arith.cmpi sgt, %add3A_637, %sign3A_640 : vector<16xi32>
      %sign3A_642 = arith.extui %sign3A_641 : vector<16xi1> to vector<16xi32>
      %sign3A_643 = arith.constant 0 : i32
      %sign3A_644 = vector.broadcast %sign3A_643 : i32 to vector<16xi32>
      %sign3A_645 = arith.cmpi slt, %add3A_637, %sign3A_644 : vector<16xi32>
      %sign3A_646 = arith.extui %sign3A_645 : vector<16xi1> to vector<16xi32>
      %sign3A_647 = arith.subi %sign3A_642, %sign3A_646 : vector<16xi32>
      %sign3A_648 = arith.constant 0 : i32
      %sign3A_649 = vector.broadcast %sign3A_648 : i32 to vector<16xi32>
      %sign3A_650 = arith.cmpi sgt, %broadcast_in_dim3A_13, %sign3A_649 : vector<16xi32>
      %sign3A_651 = arith.extui %sign3A_650 : vector<16xi1> to vector<16xi32>
      %sign3A_652 = arith.constant 0 : i32
      %sign3A_653 = vector.broadcast %sign3A_652 : i32 to vector<16xi32>
      %sign3A_654 = arith.cmpi slt, %broadcast_in_dim3A_13, %sign3A_653 : vector<16xi32>
      %sign3A_655 = arith.extui %sign3A_654 : vector<16xi1> to vector<16xi32>
      %sign3A_656 = arith.subi %sign3A_651, %sign3A_655 : vector<16xi32>
      %ne3A_657 = arith.cmpi ne, %sign3A_647, %sign3A_656 : vector<16xi32>
      %rem3A_658 = arith.remsi %add3A_637, %broadcast_in_dim3A_13 : vector<16xi32>
      %ne3A_659 = arith.constant 0 : i32
      %ne3A_660 = vector.broadcast %ne3A_659 : i32 to vector<16xi32>
      %ne3A_661 = arith.cmpi ne, %rem3A_658, %ne3A_660 : vector<16xi32>
      %and3A_662 = arith.andi %ne3A_657, %ne3A_661 : vector<16xi1>
      %sub3A_663 = arith.constant 1 : i32
      %sub3A_664 = vector.broadcast %sub3A_663 : i32 to vector<16xi32>
      %sub3A_665 = arith.subi %div3A_638, %sub3A_664 : vector<16xi32>
      %select_n3A_666 = arith.select %and3A_662, %sub3A_665, %div3A_638 : vector<16xi1>, vector<16xi32>
      %eq3A_667 = arith.constant 0 : i32
      %eq3A_668 = vector.broadcast %eq3A_667 : i32 to vector<16xi32>
      %eq3A_669 = arith.cmpi eq, %broadcast_in_dim3A_13, %eq3A_668 : vector<16xi32>
      %broadcast_in_dim3A_670 = arith.constant 1 : i32
      %broadcast_in_dim3A_671 = vector.broadcast %broadcast_in_dim3A_670 : i32 to vector<16xi32>
      %select_n3A_672 = arith.select %eq3A_669, %broadcast_in_dim3A_671, %broadcast_in_dim3A_13 : vector<16xi1>, vector<16xi32>
      %rem3A_673 = arith.remsi %add3A_637, %select_n3A_672 : vector<16xi32>
      %ne3A_674 = arith.constant 0 : i32
      %ne3A_675 = vector.broadcast %ne3A_674 : i32 to vector<16xi32>
      %ne3A_676 = arith.cmpi ne, %rem3A_673, %ne3A_675 : vector<16xi32>
      %lt3A_677 = arith.constant 0 : i32
      %lt3A_678 = vector.broadcast %lt3A_677 : i32 to vector<16xi32>
      %lt3A_679 = arith.cmpi slt, %rem3A_673, %lt3A_678 : vector<16xi32>
      %lt3A_680 = arith.constant 0 : i32
      %lt3A_681 = vector.broadcast %lt3A_680 : i32 to vector<16xi32>
      %lt3A_682 = arith.cmpi slt, %select_n3A_672, %lt3A_681 : vector<16xi32>
      %ne3A_683 = arith.xori %lt3A_679, %lt3A_682 : vector<16xi1>
      %and3A_684 = arith.andi %ne3A_683, %ne3A_676 : vector<16xi1>
      %add3A_685 = arith.addi %rem3A_673, %select_n3A_672 : vector<16xi32>
      %select_n3A_686 = arith.select %and3A_684, %add3A_685, %rem3A_673 : vector<16xi1>, vector<16xi32>
      tpu.vector_store_idx %arg12[%select_n3A_666, %select_n3A_686], %gather3A_231 masked %ge3A : memref<51x128xi32, #tpu.memory_space<vmem>>[vector<16xi32>, vector<16xi32>], vector<16xi32>, vector<16xi1>
    } else {
    }
    %add3A_27 = arith.constant 128 : i32
    %add3A_28 = arith.addi %squeeze3A, %add3A_27 : i32
    %sub3A_29 = arith.constant 1 : i32
    %sub3A_30 = arith.subi %add3A_28, %sub3A_29 : i32
    %jit3A = arith.constant 128 : i32
    %div3A = arith.divsi %sub3A_30, %jit3A : i32
    %sign3A = arith.constant 0 : i32
    %sign3A_31 = arith.cmpi sgt, %sub3A_30, %sign3A : i32
    %sign3A_32 = arith.extui %sign3A_31 : i1 to i32
    %sign3A_33 = arith.constant 0 : i32
    %sign3A_34 = arith.cmpi slt, %sub3A_30, %sign3A_33 : i32
    %sign3A_35 = arith.extui %sign3A_34 : i1 to i32
    %sign3A_36 = arith.subi %sign3A_32, %sign3A_35 : i32
    %sign3A_37 = arith.constant 0 : i32
    %sign3A_38 = arith.cmpi sgt, %jit3A, %sign3A_37 : i32
    %sign3A_39 = arith.extui %sign3A_38 : i1 to i32
    %sign3A_40 = arith.constant 0 : i32
    %sign3A_41 = arith.cmpi slt, %jit3A, %sign3A_40 : i32
    %sign3A_42 = arith.extui %sign3A_41 : i1 to i32
    %sign3A_43 = arith.subi %sign3A_39, %sign3A_42 : i32
    %ne3A = arith.cmpi ne, %sign3A_36, %sign3A_43 : i32
    %rem3A = arith.remsi %sub3A_30, %jit3A : i32
    %ne3A_44 = arith.constant 0 : i32
    %ne3A_45 = arith.cmpi ne, %rem3A, %ne3A_44 : i32
    %and3A = arith.andi %ne3A, %ne3A_45 : i1
    %sub3A_46 = arith.constant 1 : i32
    %sub3A_47 = arith.subi %div3A, %sub3A_46 : i32
    %select_n3A = arith.select %and3A, %sub3A_47, %div3A : i32
    %gt3A_48 = arith.constant 0 : i32
    %gt3A_49 = arith.cmpi sgt, %select_n3A, %gt3A_48 : i32
    %convert_element_type3A_50 = arith.extui %gt3A_49 : i1 to i32
    %cond3A_51 = arith.constant 0 : i32
    %cond3A_52 = arith.cmpi ne, %convert_element_type3A_50, %cond3A_51 : i32
    scf.if %cond3A_52 {
      %dma_start3A_155 = arith.constant 0 : i32
      %dma_start3A_156 = tpu.memref_slice %arg9[%dma_start3A_155] : memref<6544xi32, #tpu.memory_space<vmem>> -> memref<128xi32, #tpu.memory_space<vmem>>
      %dma_start3A_157 = arith.constant 0 : i32
      %dma_start3A_158 = arith.constant 0 : i32
      %dma_start3A_159 = tpu.memref_slice %arg4[%dma_start3A_157, %dma_start3A_158] : memref<100000x128xf32, #tpu.memory_space<hbm>> -> memref<100000x128xf32, #tpu.memory_space<hbm>>
      tpu.enqueue_indirect_dma source(%dma_start3A_159 : memref<100000x128xf32, #tpu.memory_space<hbm>>) target(%arg13 : memref<128x128xf32, #tpu.memory_space<vmem>>) offsets(%dma_start3A_156 : memref<128xi32, #tpu.memory_space<vmem>>) semaphore(%arg17 : memref<!tpu.dma_semaphore, #tpu.memory_space<semaphore_mem>>)
    } else {
    }
    %gt3A_53 = arith.constant 1 : i32
    %gt3A_54 = arith.cmpi sgt, %select_n3A, %gt3A_53 : i32
    %convert_element_type3A_55 = arith.extui %gt3A_54 : i1 to i32
    %cond3A_56 = arith.constant 0 : i32
    %cond3A_57 = arith.cmpi ne, %convert_element_type3A_55, %cond3A_56 : i32
    scf.if %cond3A_57 {
      %dma_start3A_155 = arith.constant 128 : i32
      %dma_start3A_156 = tpu.memref_slice %arg9[%dma_start3A_155] : memref<6544xi32, #tpu.memory_space<vmem>> -> memref<128xi32, #tpu.memory_space<vmem>>
      %dma_start3A_157 = arith.constant 0 : i32
      %dma_start3A_158 = arith.constant 0 : i32
      %dma_start3A_159 = tpu.memref_slice %arg4[%dma_start3A_157, %dma_start3A_158] : memref<100000x128xf32, #tpu.memory_space<hbm>> -> memref<100000x128xf32, #tpu.memory_space<hbm>>
      tpu.enqueue_indirect_dma source(%dma_start3A_159 : memref<100000x128xf32, #tpu.memory_space<hbm>>) target(%arg14 : memref<128x128xf32, #tpu.memory_space<vmem>>) offsets(%dma_start3A_156 : memref<128xi32, #tpu.memory_space<vmem>>) semaphore(%arg18 : memref<!tpu.dma_semaphore, #tpu.memory_space<semaphore_mem>>)
    } else {
    }
    %while3A = arith.constant 0 : i32
    %while3A_58 = arith.constant 0 : i32
    %while3A_59 = arith.subi %select_n3A, %while3A_58 : i32
    %while3A_60 = arith.addi %while3A_58, %while3A_59 : i32
    %while3A_61 = arith.constant 1 : i32
    %while3A_62 = arith.divsi %while3A_59, %while3A_61 : i32
    %while3A_63 = arith.muli %while3A_62, %while3A_61 : i32
    %while3A_64 = arith.addi %while3A_58, %while3A_63 : i32
    %while3A_65 = arith.constant 1 : i32
    scf.for %while3A_155 = %while3A_58 to %while3A_64 step %while3A_65  : i32 {
      %rem3A_156 = arith.constant 4 : i32
      %rem3A_157 = arith.remsi %while3A_155, %rem3A_156 : i32
      %add3A_158 = arith.constant 2 : i32
      %add3A_159 = arith.addi %while3A_155, %add3A_158 : i32
      %lt3A = arith.cmpi slt, %add3A_159, %select_n3A : i32
      %eq3A = arith.constant 2 : i32
      %eq3A_160 = arith.cmpi eq, %rem3A_157, %eq3A : i32
      %and3A_161 = arith.andi %lt3A, %eq3A_160 : i1
      %gt3A_162 = arith.constant 1 : i32
      %gt3A_163 = arith.cmpi sgt, %while3A_155, %gt3A_162 : i32
      %and3A_164 = arith.andi %and3A_161, %gt3A_163 : i1
      %convert_element_type3A_165 = arith.extui %and3A_164 : i1 to i32
      %cond3A_166 = arith.constant 0 : i32
      %cond3A_167 = arith.cmpi ne, %convert_element_type3A_165, %cond3A_166 : i32
      scf.if %cond3A_167 {
        %dma_wait3A_227 = arith.constant 0 : i32
        %dma_wait3A_228 = arith.constant 0 : i32
        %dma_wait3A_229 = tpu.memref_slice %arg4[%dma_wait3A_227, %dma_wait3A_228] : memref<100000x128xf32, #tpu.memory_space<hbm>> -> memref<128x128xf32, #tpu.memory_space<hbm>>
        %dma_wait3A_230 = arith.constant 0 : i32
        %dma_wait3A_231 = arith.constant 0 : i32
        %dma_wait3A_232 = tpu.memref_slice %arg4[%dma_wait3A_230, %dma_wait3A_231] : memref<100000x128xf32, #tpu.memory_space<hbm>> -> memref<128x128xf32, #tpu.memory_space<hbm>>
        tpu.wait_dma2 semaphore(%arg21 : memref<!tpu.dma_semaphore, #tpu.memory_space<semaphore_mem>>) src(%dma_wait3A_232 : memref<128x128xf32, #tpu.memory_space<hbm>>) dst(%arg13 : memref<128x128xf32, #tpu.memory_space<vmem>>)
      } else {
      }
      %convert_element_type3A_168 = arith.extui %and3A_161 : i1 to i32
      %cond3A_169 = arith.constant 0 : i32
      %cond3A_170 = arith.cmpi ne, %convert_element_type3A_168, %cond3A_169 : i32
      scf.if %cond3A_170 {
        %add3A_227 = arith.constant 2 : i32
        %add3A_228 = arith.addi %while3A_155, %add3A_227 : i32
        %mul3A_229 = arith.constant 128 : i32
        %mul3A_230 = arith.muli %add3A_228, %mul3A_229 : i32
        %dma_start3A_231 = tpu.memref_slice %arg9[%mul3A_230] : memref<6544xi32, #tpu.memory_space<vmem>> -> memref<128xi32, #tpu.memory_space<vmem>>
        %dma_start3A_232 = arith.constant 0 : i32
        %dma_start3A_233 = arith.constant 0 : i32
        %dma_start3A_234 = tpu.memref_slice %arg4[%dma_start3A_232, %dma_start3A_233] : memref<100000x128xf32, #tpu.memory_space<hbm>> -> memref<100000x128xf32, #tpu.memory_space<hbm>>
        tpu.enqueue_indirect_dma source(%dma_start3A_234 : memref<100000x128xf32, #tpu.memory_space<hbm>>) target(%arg13 : memref<128x128xf32, #tpu.memory_space<vmem>>) offsets(%dma_start3A_231 : memref<128xi32, #tpu.memory_space<vmem>>) semaphore(%arg17 : memref<!tpu.dma_semaphore, #tpu.memory_space<semaphore_mem>>)
      } else {
      }
      %eq3A_171 = arith.constant 3 : i32
      %eq3A_172 = arith.cmpi eq, %rem3A_157, %eq3A_171 : i32
      %and3A_173 = arith.andi %lt3A, %eq3A_172 : i1
      %gt3A_174 = arith.constant 1 : i32
      %gt3A_175 = arith.cmpi sgt, %while3A_155, %gt3A_174 : i32
      %and3A_176 = arith.andi %and3A_173, %gt3A_175 : i1
      %convert_element_type3A_177 = arith.extui %and3A_176 : i1 to i32
      %cond3A_178 = arith.constant 0 : i32
      %cond3A_179 = arith.cmpi ne, %convert_element_type3A_177, %cond3A_178 : i32
      scf.if %cond3A_179 {
        %dma_wait3A_227 = arith.constant 0 : i32
        %dma_wait3A_228 = arith.constant 0 : i32
        %dma_wait3A_229 = tpu.memref_slice %arg4[%dma_wait3A_227, %dma_wait3A_228] : memref<100000x128xf32, #tpu.memory_space<hbm>> -> memref<128x128xf32, #tpu.memory_space<hbm>>
        %dma_wait3A_230 = arith.constant 0 : i32
        %dma_wait3A_231 = arith.constant 0 : i32
        %dma_wait3A_232 = tpu.memref_slice %arg4[%dma_wait3A_230, %dma_wait3A_231] : memref<100000x128xf32, #tpu.memory_space<hbm>> -> memref<128x128xf32, #tpu.memory_space<hbm>>
        tpu.wait_dma2 semaphore(%arg22 : memref<!tpu.dma_semaphore, #tpu.memory_space<semaphore_mem>>) src(%dma_wait3A_232 : memref<128x128xf32, #tpu.memory_space<hbm>>) dst(%arg14 : memref<128x128xf32, #tpu.memory_space<vmem>>)
      } else {
      }
      %convert_element_type3A_180 = arith.extui %and3A_173 : i1 to i32
      %cond3A_181 = arith.constant 0 : i32
      %cond3A_182 = arith.cmpi ne, %convert_element_type3A_180, %cond3A_181 : i32
      scf.if %cond3A_182 {
        %add3A_227 = arith.constant 2 : i32
        %add3A_228 = arith.addi %while3A_155, %add3A_227 : i32
        %mul3A_229 = arith.constant 128 : i32
        %mul3A_230 = arith.muli %add3A_228, %mul3A_229 : i32
        %dma_start3A_231 = tpu.memref_slice %arg9[%mul3A_230] : memref<6544xi32, #tpu.memory_space<vmem>> -> memref<128xi32, #tpu.memory_space<vmem>>
        %dma_start3A_232 = arith.constant 0 : i32
        %dma_start3A_233 = arith.constant 0 : i32
        %dma_start3A_234 = tpu.memref_slice %arg4[%dma_start3A_232, %dma_start3A_233] : memref<100000x128xf32, #tpu.memory_space<hbm>> -> memref<100000x128xf32, #tpu.memory_space<hbm>>
        tpu.enqueue_indirect_dma source(%dma_start3A_234 : memref<100000x128xf32, #tpu.memory_space<hbm>>) target(%arg14 : memref<128x128xf32, #tpu.memory_space<vmem>>) offsets(%dma_start3A_231 : memref<128xi32, #tpu.memory_space<vmem>>) semaphore(%arg18 : memref<!tpu.dma_semaphore, #tpu.memory_space<semaphore_mem>>)
      } else {
      }
      %eq3A_183 = arith.constant 0 : i32
      %eq3A_184 = arith.cmpi eq, %rem3A_157, %eq3A_183 : i32
      %and3A_185 = arith.andi %lt3A, %eq3A_184 : i1
      %gt3A_186 = arith.constant 1 : i32
      %gt3A_187 = arith.cmpi sgt, %while3A_155, %gt3A_186 : i32
      %and3A_188 = arith.andi %and3A_185, %gt3A_187 : i1
      %convert_element_type3A_189 = arith.extui %and3A_188 : i1 to i32
      %cond3A_190 = arith.constant 0 : i32
      %cond3A_191 = arith.cmpi ne, %convert_element_type3A_189, %cond3A_190 : i32
      scf.if %cond3A_191 {
        %dma_wait3A_227 = arith.constant 0 : i32
        %dma_wait3A_228 = arith.constant 0 : i32
        %dma_wait3A_229 = tpu.memref_slice %arg4[%dma_wait3A_227, %dma_wait3A_228] : memref<100000x128xf32, #tpu.memory_space<hbm>> -> memref<128x128xf32, #tpu.memory_space<hbm>>
        %dma_wait3A_230 = arith.constant 0 : i32
        %dma_wait3A_231 = arith.constant 0 : i32
        %dma_wait3A_232 = tpu.memref_slice %arg4[%dma_wait3A_230, %dma_wait3A_231] : memref<100000x128xf32, #tpu.memory_space<hbm>> -> memref<128x128xf32, #tpu.memory_space<hbm>>
        tpu.wait_dma2 semaphore(%arg23 : memref<!tpu.dma_semaphore, #tpu.memory_space<semaphore_mem>>) src(%dma_wait3A_232 : memref<128x128xf32, #tpu.memory_space<hbm>>) dst(%arg15 : memref<128x128xf32, #tpu.memory_space<vmem>>)
      } else {
      }
      %convert_element_type3A_192 = arith.extui %and3A_185 : i1 to i32
      %cond3A_193 = arith.constant 0 : i32
      %cond3A_194 = arith.cmpi ne, %convert_element_type3A_192, %cond3A_193 : i32
      scf.if %cond3A_194 {
        %add3A_227 = arith.constant 2 : i32
        %add3A_228 = arith.addi %while3A_155, %add3A_227 : i32
        %mul3A_229 = arith.constant 128 : i32
        %mul3A_230 = arith.muli %add3A_228, %mul3A_229 : i32
        %dma_start3A_231 = tpu.memref_slice %arg9[%mul3A_230] : memref<6544xi32, #tpu.memory_space<vmem>> -> memref<128xi32, #tpu.memory_space<vmem>>
        %dma_start3A_232 = arith.constant 0 : i32
        %dma_start3A_233 = arith.constant 0 : i32
        %dma_start3A_234 = tpu.memref_slice %arg4[%dma_start3A_232, %dma_start3A_233] : memref<100000x128xf32, #tpu.memory_space<hbm>> -> memref<100000x128xf32, #tpu.memory_space<hbm>>
        tpu.enqueue_indirect_dma source(%dma_start3A_234 : memref<100000x128xf32, #tpu.memory_space<hbm>>) target(%arg15 : memref<128x128xf32, #tpu.memory_space<vmem>>) offsets(%dma_start3A_231 : memref<128xi32, #tpu.memory_space<vmem>>) semaphore(%arg19 : memref<!tpu.dma_semaphore, #tpu.memory_space<semaphore_mem>>)
      } else {
      }
      %eq3A_195 = arith.constant 1 : i32
      %eq3A_196 = arith.cmpi eq, %rem3A_157, %eq3A_195 : i32
      %and3A_197 = arith.andi %lt3A, %eq3A_196 : i1
      %gt3A_198 = arith.constant 1 : i32
      %gt3A_199 = arith.cmpi sgt, %while3A_155, %gt3A_198 : i32
      %and3A_200 = arith.andi %and3A_197, %gt3A_199 : i1
      %convert_element_type3A_201 = arith.extui %and3A_200 : i1 to i32
      %cond3A_202 = arith.constant 0 : i32
      %cond3A_203 = arith.cmpi ne, %convert_element_type3A_201, %cond3A_202 : i32
      scf.if %cond3A_203 {
        %dma_wait3A_227 = arith.constant 0 : i32
        %dma_wait3A_228 = arith.constant 0 : i32
        %dma_wait3A_229 = tpu.memref_slice %arg4[%dma_wait3A_227, %dma_wait3A_228] : memref<100000x128xf32, #tpu.memory_space<hbm>> -> memref<128x128xf32, #tpu.memory_space<hbm>>
        %dma_wait3A_230 = arith.constant 0 : i32
        %dma_wait3A_231 = arith.constant 0 : i32
        %dma_wait3A_232 = tpu.memref_slice %arg4[%dma_wait3A_230, %dma_wait3A_231] : memref<100000x128xf32, #tpu.memory_space<hbm>> -> memref<128x128xf32, #tpu.memory_space<hbm>>
        tpu.wait_dma2 semaphore(%arg24 : memref<!tpu.dma_semaphore, #tpu.memory_space<semaphore_mem>>) src(%dma_wait3A_232 : memref<128x128xf32, #tpu.memory_space<hbm>>) dst(%arg16 : memref<128x128xf32, #tpu.memory_space<vmem>>)
      } else {
      }
      %convert_element_type3A_204 = arith.extui %and3A_197 : i1 to i32
      %cond3A_205 = arith.constant 0 : i32
      %cond3A_206 = arith.cmpi ne, %convert_element_type3A_204, %cond3A_205 : i32
      scf.if %cond3A_206 {
        %add3A_227 = arith.constant 2 : i32
        %add3A_228 = arith.addi %while3A_155, %add3A_227 : i32
        %mul3A_229 = arith.constant 128 : i32
        %mul3A_230 = arith.muli %add3A_228, %mul3A_229 : i32
        %dma_start3A_231 = tpu.memref_slice %arg9[%mul3A_230] : memref<6544xi32, #tpu.memory_space<vmem>> -> memref<128xi32, #tpu.memory_space<vmem>>
        %dma_start3A_232 = arith.constant 0 : i32
        %dma_start3A_233 = arith.constant 0 : i32
        %dma_start3A_234 = tpu.memref_slice %arg4[%dma_start3A_232, %dma_start3A_233] : memref<100000x128xf32, #tpu.memory_space<hbm>> -> memref<100000x128xf32, #tpu.memory_space<hbm>>
        tpu.enqueue_indirect_dma source(%dma_start3A_234 : memref<100000x128xf32, #tpu.memory_space<hbm>>) target(%arg16 : memref<128x128xf32, #tpu.memory_space<vmem>>) offsets(%dma_start3A_231 : memref<128xi32, #tpu.memory_space<vmem>>) semaphore(%arg20 : memref<!tpu.dma_semaphore, #tpu.memory_space<semaphore_mem>>)
      } else {
      }
      %eq3A_207 = arith.constant 0 : i32
      %eq3A_208 = arith.cmpi eq, %rem3A_157, %eq3A_207 : i32
      %convert_element_type3A_209 = arith.extui %eq3A_208 : i1 to i32
      %cond3A_210 = arith.constant 0 : i32
      %cond3A_211 = arith.cmpi ne, %convert_element_type3A_209, %cond3A_210 : i32
      scf.if %cond3A_211 {
        %dma_wait3A_227 = arith.constant 0 : i32
        %dma_wait3A_228 = arith.constant 0 : i32
        %dma_wait3A_229 = tpu.memref_slice %arg4[%dma_wait3A_227, %dma_wait3A_228] : memref<100000x128xf32, #tpu.memory_space<hbm>> -> memref<128x128xf32, #tpu.memory_space<hbm>>
        %dma_wait3A_230 = arith.constant 0 : i32
        %dma_wait3A_231 = arith.constant 0 : i32
        %dma_wait3A_232 = tpu.memref_slice %arg4[%dma_wait3A_230, %dma_wait3A_231] : memref<100000x128xf32, #tpu.memory_space<hbm>> -> memref<128x128xf32, #tpu.memory_space<hbm>>
        tpu.wait_dma2 semaphore(%arg17 : memref<!tpu.dma_semaphore, #tpu.memory_space<semaphore_mem>>) src(%dma_wait3A_232 : memref<128x128xf32, #tpu.memory_space<hbm>>) dst(%arg13 : memref<128x128xf32, #tpu.memory_space<vmem>>)
        %dma_start3A_233 = arith.constant 0 : i32
        %dma_start3A_234 = tpu.memref_slice %arg10[%while3A_155, %dma_start3A_233] : memref<51x128xi32, #tpu.memory_space<vmem>> -> memref<1x128xi32, #tpu.memory_space<vmem>>
        %dma_start3A_235 = tpu.memref_squeeze %dma_start3A_234 : memref<1x128xi32, #tpu.memory_space<vmem>> -> memref<128xi32, #tpu.memory_space<vmem>>
        %dma_start3A_236 = arith.constant 0 : i32
        %dma_start3A_237 = arith.constant 0 : i32
        %dma_start3A_238 = tpu.memref_slice %arg6[%dma_start3A_236, %dma_start3A_237] : memref<204800x128xf32, #tpu.memory_space<hbm>> -> memref<204800x128xf32, #tpu.memory_space<hbm>>
        tpu.enqueue_indirect_dma source(%arg13 : memref<128x128xf32, #tpu.memory_space<vmem>>) target(%dma_start3A_238 : memref<204800x128xf32, #tpu.memory_space<hbm>>) offsets(%dma_start3A_235 : memref<128xi32, #tpu.memory_space<vmem>>) semaphore(%arg21 : memref<!tpu.dma_semaphore, #tpu.memory_space<semaphore_mem>>)
      } else {
      }
      %eq3A_212 = arith.constant 1 : i32
      %eq3A_213 = arith.cmpi eq, %rem3A_157, %eq3A_212 : i32
      %convert_element_type3A_214 = arith.extui %eq3A_213 : i1 to i32
      %cond3A_215 = arith.constant 0 : i32
      %cond3A_216 = arith.cmpi ne, %convert_element_type3A_214, %cond3A_215 : i32
      scf.if %cond3A_216 {
        %dma_wait3A_227 = arith.constant 0 : i32
        %dma_wait3A_228 = arith.constant 0 : i32
        %dma_wait3A_229 = tpu.memref_slice %arg4[%dma_wait3A_227, %dma_wait3A_228] : memref<100000x128xf32, #tpu.memory_space<hbm>> -> memref<128x128xf32, #tpu.memory_space<hbm>>
        %dma_wait3A_230 = arith.constant 0 : i32
        %dma_wait3A_231 = arith.constant 0 : i32
        %dma_wait3A_232 = tpu.memref_slice %arg4[%dma_wait3A_230, %dma_wait3A_231] : memref<100000x128xf32, #tpu.memory_space<hbm>> -> memref<128x128xf32, #tpu.memory_space<hbm>>
        tpu.wait_dma2 semaphore(%arg18 : memref<!tpu.dma_semaphore, #tpu.memory_space<semaphore_mem>>) src(%dma_wait3A_232 : memref<128x128xf32, #tpu.memory_space<hbm>>) dst(%arg14 : memref<128x128xf32, #tpu.memory_space<vmem>>)
        %dma_start3A_233 = arith.constant 0 : i32
        %dma_start3A_234 = tpu.memref_slice %arg10[%while3A_155, %dma_start3A_233] : memref<51x128xi32, #tpu.memory_space<vmem>> -> memref<1x128xi32, #tpu.memory_space<vmem>>
        %dma_start3A_235 = tpu.memref_squeeze %dma_start3A_234 : memref<1x128xi32, #tpu.memory_space<vmem>> -> memref<128xi32, #tpu.memory_space<vmem>>
        %dma_start3A_236 = arith.constant 0 : i32
        %dma_start3A_237 = arith.constant 0 : i32
        %dma_start3A_238 = tpu.memref_slice %arg6[%dma_start3A_236, %dma_start3A_237] : memref<204800x128xf32, #tpu.memory_space<hbm>> -> memref<204800x128xf32, #tpu.memory_space<hbm>>
        tpu.enqueue_indirect_dma source(%arg14 : memref<128x128xf32, #tpu.memory_space<vmem>>) target(%dma_start3A_238 : memref<204800x128xf32, #tpu.memory_space<hbm>>) offsets(%dma_start3A_235 : memref<128xi32, #tpu.memory_space<vmem>>) semaphore(%arg22 : memref<!tpu.dma_semaphore, #tpu.memory_space<semaphore_mem>>)
      } else {
      }
      %eq3A_217 = arith.constant 2 : i32
      %eq3A_218 = arith.cmpi eq, %rem3A_157, %eq3A_217 : i32
      %convert_element_type3A_219 = arith.extui %eq3A_218 : i1 to i32
      %cond3A_220 = arith.constant 0 : i32
      %cond3A_221 = arith.cmpi ne, %convert_element_type3A_219, %cond3A_220 : i32
      scf.if %cond3A_221 {
        %dma_wait3A_227 = arith.constant 0 : i32
        %dma_wait3A_228 = arith.constant 0 : i32
        %dma_wait3A_229 = tpu.memref_slice %arg4[%dma_wait3A_227, %dma_wait3A_228] : memref<100000x128xf32, #tpu.memory_space<hbm>> -> memref<128x128xf32, #tpu.memory_space<hbm>>
        %dma_wait3A_230 = arith.constant 0 : i32
        %dma_wait3A_231 = arith.constant 0 : i32
        %dma_wait3A_232 = tpu.memref_slice %arg4[%dma_wait3A_230, %dma_wait3A_231] : memref<100000x128xf32, #tpu.memory_space<hbm>> -> memref<128x128xf32, #tpu.memory_space<hbm>>
        tpu.wait_dma2 semaphore(%arg19 : memref<!tpu.dma_semaphore, #tpu.memory_space<semaphore_mem>>) src(%dma_wait3A_232 : memref<128x128xf32, #tpu.memory_space<hbm>>) dst(%arg15 : memref<128x128xf32, #tpu.memory_space<vmem>>)
        %dma_start3A_233 = arith.constant 0 : i32
        %dma_start3A_234 = tpu.memref_slice %arg10[%while3A_155, %dma_start3A_233] : memref<51x128xi32, #tpu.memory_space<vmem>> -> memref<1x128xi32, #tpu.memory_space<vmem>>
        %dma_start3A_235 = tpu.memref_squeeze %dma_start3A_234 : memref<1x128xi32, #tpu.memory_space<vmem>> -> memref<128xi32, #tpu.memory_space<vmem>>
        %dma_start3A_236 = arith.constant 0 : i32
        %dma_start3A_237 = arith.constant 0 : i32
        %dma_start3A_238 = tpu.memref_slice %arg6[%dma_start3A_236, %dma_start3A_237] : memref<204800x128xf32, #tpu.memory_space<hbm>> -> memref<204800x128xf32, #tpu.memory_space<hbm>>
        tpu.enqueue_indirect_dma source(%arg15 : memref<128x128xf32, #tpu.memory_space<vmem>>) target(%dma_start3A_238 : memref<204800x128xf32, #tpu.memory_space<hbm>>) offsets(%dma_start3A_235 : memref<128xi32, #tpu.memory_space<vmem>>) semaphore(%arg23 : memref<!tpu.dma_semaphore, #tpu.memory_space<semaphore_mem>>)
      } else {
      }
      %eq3A_222 = arith.constant 3 : i32
      %eq3A_223 = arith.cmpi eq, %rem3A_157, %eq3A_222 : i32
      %convert_element_type3A_224 = arith.extui %eq3A_223 : i1 to i32
      %cond3A_225 = arith.constant 0 : i32
      %cond3A_226 = arith.cmpi ne, %convert_element_type3A_224, %cond3A_225 : i32
      scf.if %cond3A_226 {
        %dma_wait3A_227 = arith.constant 0 : i32
        %dma_wait3A_228 = arith.constant 0 : i32
        %dma_wait3A_229 = tpu.memref_slice %arg4[%dma_wait3A_227, %dma_wait3A_228] : memref<100000x128xf32, #tpu.memory_space<hbm>> -> memref<128x128xf32, #tpu.memory_space<hbm>>
        %dma_wait3A_230 = arith.constant 0 : i32
        %dma_wait3A_231 = arith.constant 0 : i32
        %dma_wait3A_232 = tpu.memref_slice %arg4[%dma_wait3A_230, %dma_wait3A_231] : memref<100000x128xf32, #tpu.memory_space<hbm>> -> memref<128x128xf32, #tpu.memory_space<hbm>>
        tpu.wait_dma2 semaphore(%arg20 : memref<!tpu.dma_semaphore, #tpu.memory_space<semaphore_mem>>) src(%dma_wait3A_232 : memref<128x128xf32, #tpu.memory_space<hbm>>) dst(%arg16 : memref<128x128xf32, #tpu.memory_space<vmem>>)
        %dma_start3A_233 = arith.constant 0 : i32
        %dma_start3A_234 = tpu.memref_slice %arg10[%while3A_155, %dma_start3A_233] : memref<51x128xi32, #tpu.memory_space<vmem>> -> memref<1x128xi32, #tpu.memory_space<vmem>>
        %dma_start3A_235 = tpu.memref_squeeze %dma_start3A_234 : memref<1x128xi32, #tpu.memory_space<vmem>> -> memref<128xi32, #tpu.memory_space<vmem>>
        %dma_start3A_236 = arith.constant 0 : i32
        %dma_start3A_237 = arith.constant 0 : i32
        %dma_start3A_238 = tpu.memref_slice %arg6[%dma_start3A_236, %dma_start3A_237] : memref<204800x128xf32, #tpu.memory_space<hbm>> -> memref<204800x128xf32, #tpu.memory_space<hbm>>
        tpu.enqueue_indirect_dma source(%arg16 : memref<128x128xf32, #tpu.memory_space<vmem>>) target(%dma_start3A_238 : memref<204800x128xf32, #tpu.memory_space<hbm>>) offsets(%dma_start3A_235 : memref<128xi32, #tpu.memory_space<vmem>>) semaphore(%arg24 : memref<!tpu.dma_semaphore, #tpu.memory_space<semaphore_mem>>)
      } else {
      }
    }
    %while3A_66 = arith.constant 1 : i32
    scf.for %while3A_155 = %while3A_64 to %while3A_60 step %while3A_66  : i32 {
      %rem3A_156 = arith.constant 4 : i32
      %rem3A_157 = arith.remsi %while3A_155, %rem3A_156 : i32
      %add3A_158 = arith.constant 2 : i32
      %add3A_159 = arith.addi %while3A_155, %add3A_158 : i32
      %lt3A = arith.cmpi slt, %add3A_159, %select_n3A : i32
      %eq3A = arith.constant 2 : i32
      %eq3A_160 = arith.cmpi eq, %rem3A_157, %eq3A : i32
      %and3A_161 = arith.andi %lt3A, %eq3A_160 : i1
      %gt3A_162 = arith.constant 1 : i32
      %gt3A_163 = arith.cmpi sgt, %while3A_155, %gt3A_162 : i32
      %and3A_164 = arith.andi %and3A_161, %gt3A_163 : i1
      %convert_element_type3A_165 = arith.extui %and3A_164 : i1 to i32
      %cond3A_166 = arith.constant 0 : i32
      %cond3A_167 = arith.cmpi ne, %convert_element_type3A_165, %cond3A_166 : i32
      scf.if %cond3A_167 {
        %dma_wait3A_227 = arith.constant 0 : i32
        %dma_wait3A_228 = arith.constant 0 : i32
        %dma_wait3A_229 = tpu.memref_slice %arg4[%dma_wait3A_227, %dma_wait3A_228] : memref<100000x128xf32, #tpu.memory_space<hbm>> -> memref<128x128xf32, #tpu.memory_space<hbm>>
        %dma_wait3A_230 = arith.constant 0 : i32
        %dma_wait3A_231 = arith.constant 0 : i32
        %dma_wait3A_232 = tpu.memref_slice %arg4[%dma_wait3A_230, %dma_wait3A_231] : memref<100000x128xf32, #tpu.memory_space<hbm>> -> memref<128x128xf32, #tpu.memory_space<hbm>>
        tpu.wait_dma2 semaphore(%arg21 : memref<!tpu.dma_semaphore, #tpu.memory_space<semaphore_mem>>) src(%dma_wait3A_232 : memref<128x128xf32, #tpu.memory_space<hbm>>) dst(%arg13 : memref<128x128xf32, #tpu.memory_space<vmem>>)
      } else {
      }
      %convert_element_type3A_168 = arith.extui %and3A_161 : i1 to i32
      %cond3A_169 = arith.constant 0 : i32
      %cond3A_170 = arith.cmpi ne, %convert_element_type3A_168, %cond3A_169 : i32
      scf.if %cond3A_170 {
        %add3A_227 = arith.constant 2 : i32
        %add3A_228 = arith.addi %while3A_155, %add3A_227 : i32
        %mul3A_229 = arith.constant 128 : i32
        %mul3A_230 = arith.muli %add3A_228, %mul3A_229 : i32
        %dma_start3A_231 = tpu.memref_slice %arg9[%mul3A_230] : memref<6544xi32, #tpu.memory_space<vmem>> -> memref<128xi32, #tpu.memory_space<vmem>>
        %dma_start3A_232 = arith.constant 0 : i32
        %dma_start3A_233 = arith.constant 0 : i32
        %dma_start3A_234 = tpu.memref_slice %arg4[%dma_start3A_232, %dma_start3A_233] : memref<100000x128xf32, #tpu.memory_space<hbm>> -> memref<100000x128xf32, #tpu.memory_space<hbm>>
        tpu.enqueue_indirect_dma source(%dma_start3A_234 : memref<100000x128xf32, #tpu.memory_space<hbm>>) target(%arg13 : memref<128x128xf32, #tpu.memory_space<vmem>>) offsets(%dma_start3A_231 : memref<128xi32, #tpu.memory_space<vmem>>) semaphore(%arg17 : memref<!tpu.dma_semaphore, #tpu.memory_space<semaphore_mem>>)
      } else {
      }
      %eq3A_171 = arith.constant 3 : i32
      %eq3A_172 = arith.cmpi eq, %rem3A_157, %eq3A_171 : i32
      %and3A_173 = arith.andi %lt3A, %eq3A_172 : i1
      %gt3A_174 = arith.constant 1 : i32
      %gt3A_175 = arith.cmpi sgt, %while3A_155, %gt3A_174 : i32
      %and3A_176 = arith.andi %and3A_173, %gt3A_175 : i1
      %convert_element_type3A_177 = arith.extui %and3A_176 : i1 to i32
      %cond3A_178 = arith.constant 0 : i32
      %cond3A_179 = arith.cmpi ne, %convert_element_type3A_177, %cond3A_178 : i32
      scf.if %cond3A_179 {
        %dma_wait3A_227 = arith.constant 0 : i32
        %dma_wait3A_228 = arith.constant 0 : i32
        %dma_wait3A_229 = tpu.memref_slice %arg4[%dma_wait3A_227, %dma_wait3A_228] : memref<100000x128xf32, #tpu.memory_space<hbm>> -> memref<128x128xf32, #tpu.memory_space<hbm>>
        %dma_wait3A_230 = arith.constant 0 : i32
        %dma_wait3A_231 = arith.constant 0 : i32
        %dma_wait3A_232 = tpu.memref_slice %arg4[%dma_wait3A_230, %dma_wait3A_231] : memref<100000x128xf32, #tpu.memory_space<hbm>> -> memref<128x128xf32, #tpu.memory_space<hbm>>
        tpu.wait_dma2 semaphore(%arg22 : memref<!tpu.dma_semaphore, #tpu.memory_space<semaphore_mem>>) src(%dma_wait3A_232 : memref<128x128xf32, #tpu.memory_space<hbm>>) dst(%arg14 : memref<128x128xf32, #tpu.memory_space<vmem>>)
      } else {
      }
      %convert_element_type3A_180 = arith.extui %and3A_173 : i1 to i32
      %cond3A_181 = arith.constant 0 : i32
      %cond3A_182 = arith.cmpi ne, %convert_element_type3A_180, %cond3A_181 : i32
      scf.if %cond3A_182 {
        %add3A_227 = arith.constant 2 : i32
        %add3A_228 = arith.addi %while3A_155, %add3A_227 : i32
        %mul3A_229 = arith.constant 128 : i32
        %mul3A_230 = arith.muli %add3A_228, %mul3A_229 : i32
        %dma_start3A_231 = tpu.memref_slice %arg9[%mul3A_230] : memref<6544xi32, #tpu.memory_space<vmem>> -> memref<128xi32, #tpu.memory_space<vmem>>
        %dma_start3A_232 = arith.constant 0 : i32
        %dma_start3A_233 = arith.constant 0 : i32
        %dma_start3A_234 = tpu.memref_slice %arg4[%dma_start3A_232, %dma_start3A_233] : memref<100000x128xf32, #tpu.memory_space<hbm>> -> memref<100000x128xf32, #tpu.memory_space<hbm>>
        tpu.enqueue_indirect_dma source(%dma_start3A_234 : memref<100000x128xf32, #tpu.memory_space<hbm>>) target(%arg14 : memref<128x128xf32, #tpu.memory_space<vmem>>) offsets(%dma_start3A_231 : memref<128xi32, #tpu.memory_space<vmem>>) semaphore(%arg18 : memref<!tpu.dma_semaphore, #tpu.memory_space<semaphore_mem>>)
      } else {
      }
      %eq3A_183 = arith.constant 0 : i32
      %eq3A_184 = arith.cmpi eq, %rem3A_157, %eq3A_183 : i32
      %and3A_185 = arith.andi %lt3A, %eq3A_184 : i1
      %gt3A_186 = arith.constant 1 : i32
      %gt3A_187 = arith.cmpi sgt, %while3A_155, %gt3A_186 : i32
      %and3A_188 = arith.andi %and3A_185, %gt3A_187 : i1
      %convert_element_type3A_189 = arith.extui %and3A_188 : i1 to i32
      %cond3A_190 = arith.constant 0 : i32
      %cond3A_191 = arith.cmpi ne, %convert_element_type3A_189, %cond3A_190 : i32
      scf.if %cond3A_191 {
        %dma_wait3A_227 = arith.constant 0 : i32
        %dma_wait3A_228 = arith.constant 0 : i32
        %dma_wait3A_229 = tpu.memref_slice %arg4[%dma_wait3A_227, %dma_wait3A_228] : memref<100000x128xf32, #tpu.memory_space<hbm>> -> memref<128x128xf32, #tpu.memory_space<hbm>>
        %dma_wait3A_230 = arith.constant 0 : i32
        %dma_wait3A_231 = arith.constant 0 : i32
        %dma_wait3A_232 = tpu.memref_slice %arg4[%dma_wait3A_230, %dma_wait3A_231] : memref<100000x128xf32, #tpu.memory_space<hbm>> -> memref<128x128xf32, #tpu.memory_space<hbm>>
        tpu.wait_dma2 semaphore(%arg23 : memref<!tpu.dma_semaphore, #tpu.memory_space<semaphore_mem>>) src(%dma_wait3A_232 : memref<128x128xf32, #tpu.memory_space<hbm>>) dst(%arg15 : memref<128x128xf32, #tpu.memory_space<vmem>>)
      } else {
      }
      %convert_element_type3A_192 = arith.extui %and3A_185 : i1 to i32
      %cond3A_193 = arith.constant 0 : i32
      %cond3A_194 = arith.cmpi ne, %convert_element_type3A_192, %cond3A_193 : i32
      scf.if %cond3A_194 {
        %add3A_227 = arith.constant 2 : i32
        %add3A_228 = arith.addi %while3A_155, %add3A_227 : i32
        %mul3A_229 = arith.constant 128 : i32
        %mul3A_230 = arith.muli %add3A_228, %mul3A_229 : i32
        %dma_start3A_231 = tpu.memref_slice %arg9[%mul3A_230] : memref<6544xi32, #tpu.memory_space<vmem>> -> memref<128xi32, #tpu.memory_space<vmem>>
        %dma_start3A_232 = arith.constant 0 : i32
        %dma_start3A_233 = arith.constant 0 : i32
        %dma_start3A_234 = tpu.memref_slice %arg4[%dma_start3A_232, %dma_start3A_233] : memref<100000x128xf32, #tpu.memory_space<hbm>> -> memref<100000x128xf32, #tpu.memory_space<hbm>>
        tpu.enqueue_indirect_dma source(%dma_start3A_234 : memref<100000x128xf32, #tpu.memory_space<hbm>>) target(%arg15 : memref<128x128xf32, #tpu.memory_space<vmem>>) offsets(%dma_start3A_231 : memref<128xi32, #tpu.memory_space<vmem>>) semaphore(%arg19 : memref<!tpu.dma_semaphore, #tpu.memory_space<semaphore_mem>>)
      } else {
      }
      %eq3A_195 = arith.constant 1 : i32
      %eq3A_196 = arith.cmpi eq, %rem3A_157, %eq3A_195 : i32
      %and3A_197 = arith.andi %lt3A, %eq3A_196 : i1
      %gt3A_198 = arith.constant 1 : i32
      %gt3A_199 = arith.cmpi sgt, %while3A_155, %gt3A_198 : i32
      %and3A_200 = arith.andi %and3A_197, %gt3A_199 : i1
      %convert_element_type3A_201 = arith.extui %and3A_200 : i1 to i32
      %cond3A_202 = arith.constant 0 : i32
      %cond3A_203 = arith.cmpi ne, %convert_element_type3A_201, %cond3A_202 : i32
      scf.if %cond3A_203 {
        %dma_wait3A_227 = arith.constant 0 : i32
        %dma_wait3A_228 = arith.constant 0 : i32
        %dma_wait3A_229 = tpu.memref_slice %arg4[%dma_wait3A_227, %dma_wait3A_228] : memref<100000x128xf32, #tpu.memory_space<hbm>> -> memref<128x128xf32, #tpu.memory_space<hbm>>
        %dma_wait3A_230 = arith.constant 0 : i32
        %dma_wait3A_231 = arith.constant 0 : i32
        %dma_wait3A_232 = tpu.memref_slice %arg4[%dma_wait3A_230, %dma_wait3A_231] : memref<100000x128xf32, #tpu.memory_space<hbm>> -> memref<128x128xf32, #tpu.memory_space<hbm>>
        tpu.wait_dma2 semaphore(%arg24 : memref<!tpu.dma_semaphore, #tpu.memory_space<semaphore_mem>>) src(%dma_wait3A_232 : memref<128x128xf32, #tpu.memory_space<hbm>>) dst(%arg16 : memref<128x128xf32, #tpu.memory_space<vmem>>)
      } else {
      }
      %convert_element_type3A_204 = arith.extui %and3A_197 : i1 to i32
      %cond3A_205 = arith.constant 0 : i32
      %cond3A_206 = arith.cmpi ne, %convert_element_type3A_204, %cond3A_205 : i32
      scf.if %cond3A_206 {
        %add3A_227 = arith.constant 2 : i32
        %add3A_228 = arith.addi %while3A_155, %add3A_227 : i32
        %mul3A_229 = arith.constant 128 : i32
        %mul3A_230 = arith.muli %add3A_228, %mul3A_229 : i32
        %dma_start3A_231 = tpu.memref_slice %arg9[%mul3A_230] : memref<6544xi32, #tpu.memory_space<vmem>> -> memref<128xi32, #tpu.memory_space<vmem>>
        %dma_start3A_232 = arith.constant 0 : i32
        %dma_start3A_233 = arith.constant 0 : i32
        %dma_start3A_234 = tpu.memref_slice %arg4[%dma_start3A_232, %dma_start3A_233] : memref<100000x128xf32, #tpu.memory_space<hbm>> -> memref<100000x128xf32, #tpu.memory_space<hbm>>
        tpu.enqueue_indirect_dma source(%dma_start3A_234 : memref<100000x128xf32, #tpu.memory_space<hbm>>) target(%arg16 : memref<128x128xf32, #tpu.memory_space<vmem>>) offsets(%dma_start3A_231 : memref<128xi32, #tpu.memory_space<vmem>>) semaphore(%arg20 : memref<!tpu.dma_semaphore, #tpu.memory_space<semaphore_mem>>)
      } else {
      }
      %eq3A_207 = arith.constant 0 : i32
      %eq3A_208 = arith.cmpi eq, %rem3A_157, %eq3A_207 : i32
      %convert_element_type3A_209 = arith.extui %eq3A_208 : i1 to i32
      %cond3A_210 = arith.constant 0 : i32
      %cond3A_211 = arith.cmpi ne, %convert_element_type3A_209, %cond3A_210 : i32
      scf.if %cond3A_211 {
        %dma_wait3A_227 = arith.constant 0 : i32
        %dma_wait3A_228 = arith.constant 0 : i32
        %dma_wait3A_229 = tpu.memref_slice %arg4[%dma_wait3A_227, %dma_wait3A_228] : memref<100000x128xf32, #tpu.memory_space<hbm>> -> memref<128x128xf32, #tpu.memory_space<hbm>>
        %dma_wait3A_230 = arith.constant 0 : i32
        %dma_wait3A_231 = arith.constant 0 : i32
        %dma_wait3A_232 = tpu.memref_slice %arg4[%dma_wait3A_230, %dma_wait3A_231] : memref<100000x128xf32, #tpu.memory_space<hbm>> -> memref<128x128xf32, #tpu.memory_space<hbm>>
        tpu.wait_dma2 semaphore(%arg17 : memref<!tpu.dma_semaphore, #tpu.memory_space<semaphore_mem>>) src(%dma_wait3A_232 : memref<128x128xf32, #tpu.memory_space<hbm>>) dst(%arg13 : memref<128x128xf32, #tpu.memory_space<vmem>>)
        %dma_start3A_233 = arith.constant 0 : i32
        %dma_start3A_234 = tpu.memref_slice %arg10[%while3A_155, %dma_start3A_233] : memref<51x128xi32, #tpu.memory_space<vmem>> -> memref<1x128xi32, #tpu.memory_space<vmem>>
        %dma_start3A_235 = tpu.memref_squeeze %dma_start3A_234 : memref<1x128xi32, #tpu.memory_space<vmem>> -> memref<128xi32, #tpu.memory_space<vmem>>
        %dma_start3A_236 = arith.constant 0 : i32
        %dma_start3A_237 = arith.constant 0 : i32
        %dma_start3A_238 = tpu.memref_slice %arg6[%dma_start3A_236, %dma_start3A_237] : memref<204800x128xf32, #tpu.memory_space<hbm>> -> memref<204800x128xf32, #tpu.memory_space<hbm>>
        tpu.enqueue_indirect_dma source(%arg13 : memref<128x128xf32, #tpu.memory_space<vmem>>) target(%dma_start3A_238 : memref<204800x128xf32, #tpu.memory_space<hbm>>) offsets(%dma_start3A_235 : memref<128xi32, #tpu.memory_space<vmem>>) semaphore(%arg21 : memref<!tpu.dma_semaphore, #tpu.memory_space<semaphore_mem>>)
      } else {
      }
      %eq3A_212 = arith.constant 1 : i32
      %eq3A_213 = arith.cmpi eq, %rem3A_157, %eq3A_212 : i32
      %convert_element_type3A_214 = arith.extui %eq3A_213 : i1 to i32
      %cond3A_215 = arith.constant 0 : i32
      %cond3A_216 = arith.cmpi ne, %convert_element_type3A_214, %cond3A_215 : i32
      scf.if %cond3A_216 {
        %dma_wait3A_227 = arith.constant 0 : i32
        %dma_wait3A_228 = arith.constant 0 : i32
        %dma_wait3A_229 = tpu.memref_slice %arg4[%dma_wait3A_227, %dma_wait3A_228] : memref<100000x128xf32, #tpu.memory_space<hbm>> -> memref<128x128xf32, #tpu.memory_space<hbm>>
        %dma_wait3A_230 = arith.constant 0 : i32
        %dma_wait3A_231 = arith.constant 0 : i32
        %dma_wait3A_232 = tpu.memref_slice %arg4[%dma_wait3A_230, %dma_wait3A_231] : memref<100000x128xf32, #tpu.memory_space<hbm>> -> memref<128x128xf32, #tpu.memory_space<hbm>>
        tpu.wait_dma2 semaphore(%arg18 : memref<!tpu.dma_semaphore, #tpu.memory_space<semaphore_mem>>) src(%dma_wait3A_232 : memref<128x128xf32, #tpu.memory_space<hbm>>) dst(%arg14 : memref<128x128xf32, #tpu.memory_space<vmem>>)
        %dma_start3A_233 = arith.constant 0 : i32
        %dma_start3A_234 = tpu.memref_slice %arg10[%while3A_155, %dma_start3A_233] : memref<51x128xi32, #tpu.memory_space<vmem>> -> memref<1x128xi32, #tpu.memory_space<vmem>>
        %dma_start3A_235 = tpu.memref_squeeze %dma_start3A_234 : memref<1x128xi32, #tpu.memory_space<vmem>> -> memref<128xi32, #tpu.memory_space<vmem>>
        %dma_start3A_236 = arith.constant 0 : i32
        %dma_start3A_237 = arith.constant 0 : i32
        %dma_start3A_238 = tpu.memref_slice %arg6[%dma_start3A_236, %dma_start3A_237] : memref<204800x128xf32, #tpu.memory_space<hbm>> -> memref<204800x128xf32, #tpu.memory_space<hbm>>
        tpu.enqueue_indirect_dma source(%arg14 : memref<128x128xf32, #tpu.memory_space<vmem>>) target(%dma_start3A_238 : memref<204800x128xf32, #tpu.memory_space<hbm>>) offsets(%dma_start3A_235 : memref<128xi32, #tpu.memory_space<vmem>>) semaphore(%arg22 : memref<!tpu.dma_semaphore, #tpu.memory_space<semaphore_mem>>)
      } else {
      }
      %eq3A_217 = arith.constant 2 : i32
      %eq3A_218 = arith.cmpi eq, %rem3A_157, %eq3A_217 : i32
      %convert_element_type3A_219 = arith.extui %eq3A_218 : i1 to i32
      %cond3A_220 = arith.constant 0 : i32
      %cond3A_221 = arith.cmpi ne, %convert_element_type3A_219, %cond3A_220 : i32
      scf.if %cond3A_221 {
        %dma_wait3A_227 = arith.constant 0 : i32
        %dma_wait3A_228 = arith.constant 0 : i32
        %dma_wait3A_229 = tpu.memref_slice %arg4[%dma_wait3A_227, %dma_wait3A_228] : memref<100000x128xf32, #tpu.memory_space<hbm>> -> memref<128x128xf32, #tpu.memory_space<hbm>>
        %dma_wait3A_230 = arith.constant 0 : i32
        %dma_wait3A_231 = arith.constant 0 : i32
        %dma_wait3A_232 = tpu.memref_slice %arg4[%dma_wait3A_230, %dma_wait3A_231] : memref<100000x128xf32, #tpu.memory_space<hbm>> -> memref<128x128xf32, #tpu.memory_space<hbm>>
        tpu.wait_dma2 semaphore(%arg19 : memref<!tpu.dma_semaphore, #tpu.memory_space<semaphore_mem>>) src(%dma_wait3A_232 : memref<128x128xf32, #tpu.memory_space<hbm>>) dst(%arg15 : memref<128x128xf32, #tpu.memory_space<vmem>>)
        %dma_start3A_233 = arith.constant 0 : i32
        %dma_start3A_234 = tpu.memref_slice %arg10[%while3A_155, %dma_start3A_233] : memref<51x128xi32, #tpu.memory_space<vmem>> -> memref<1x128xi32, #tpu.memory_space<vmem>>
        %dma_start3A_235 = tpu.memref_squeeze %dma_start3A_234 : memref<1x128xi32, #tpu.memory_space<vmem>> -> memref<128xi32, #tpu.memory_space<vmem>>
        %dma_start3A_236 = arith.constant 0 : i32
        %dma_start3A_237 = arith.constant 0 : i32
        %dma_start3A_238 = tpu.memref_slice %arg6[%dma_start3A_236, %dma_start3A_237] : memref<204800x128xf32, #tpu.memory_space<hbm>> -> memref<204800x128xf32, #tpu.memory_space<hbm>>
        tpu.enqueue_indirect_dma source(%arg15 : memref<128x128xf32, #tpu.memory_space<vmem>>) target(%dma_start3A_238 : memref<204800x128xf32, #tpu.memory_space<hbm>>) offsets(%dma_start3A_235 : memref<128xi32, #tpu.memory_space<vmem>>) semaphore(%arg23 : memref<!tpu.dma_semaphore, #tpu.memory_space<semaphore_mem>>)
      } else {
      }
      %eq3A_222 = arith.constant 3 : i32
      %eq3A_223 = arith.cmpi eq, %rem3A_157, %eq3A_222 : i32
      %convert_element_type3A_224 = arith.extui %eq3A_223 : i1 to i32
      %cond3A_225 = arith.constant 0 : i32
      %cond3A_226 = arith.cmpi ne, %convert_element_type3A_224, %cond3A_225 : i32
      scf.if %cond3A_226 {
        %dma_wait3A_227 = arith.constant 0 : i32
        %dma_wait3A_228 = arith.constant 0 : i32
        %dma_wait3A_229 = tpu.memref_slice %arg4[%dma_wait3A_227, %dma_wait3A_228] : memref<100000x128xf32, #tpu.memory_space<hbm>> -> memref<128x128xf32, #tpu.memory_space<hbm>>
        %dma_wait3A_230 = arith.constant 0 : i32
        %dma_wait3A_231 = arith.constant 0 : i32
        %dma_wait3A_232 = tpu.memref_slice %arg4[%dma_wait3A_230, %dma_wait3A_231] : memref<100000x128xf32, #tpu.memory_space<hbm>> -> memref<128x128xf32, #tpu.memory_space<hbm>>
        tpu.wait_dma2 semaphore(%arg20 : memref<!tpu.dma_semaphore, #tpu.memory_space<semaphore_mem>>) src(%dma_wait3A_232 : memref<128x128xf32, #tpu.memory_space<hbm>>) dst(%arg16 : memref<128x128xf32, #tpu.memory_space<vmem>>)
        %dma_start3A_233 = arith.constant 0 : i32
        %dma_start3A_234 = tpu.memref_slice %arg10[%while3A_155, %dma_start3A_233] : memref<51x128xi32, #tpu.memory_space<vmem>> -> memref<1x128xi32, #tpu.memory_space<vmem>>
        %dma_start3A_235 = tpu.memref_squeeze %dma_start3A_234 : memref<1x128xi32, #tpu.memory_space<vmem>> -> memref<128xi32, #tpu.memory_space<vmem>>
        %dma_start3A_236 = arith.constant 0 : i32
        %dma_start3A_237 = arith.constant 0 : i32
        %dma_start3A_238 = tpu.memref_slice %arg6[%dma_start3A_236, %dma_start3A_237] : memref<204800x128xf32, #tpu.memory_space<hbm>> -> memref<204800x128xf32, #tpu.memory_space<hbm>>
        tpu.enqueue_indirect_dma source(%arg16 : memref<128x128xf32, #tpu.memory_space<vmem>>) target(%dma_start3A_238 : memref<204800x128xf32, #tpu.memory_space<hbm>>) offsets(%dma_start3A_235 : memref<128xi32, #tpu.memory_space<vmem>>) semaphore(%arg24 : memref<!tpu.dma_semaphore, #tpu.memory_space<semaphore_mem>>)
      } else {
      }
    }
    %gt3A_67 = arith.constant 0 : i32
    %gt3A_68 = arith.cmpi sgt, %select_n3A, %gt3A_67 : i32
    %convert_element_type3A_69 = arith.extui %gt3A_68 : i1 to i32
    %cond3A_70 = arith.constant 0 : i32
    %cond3A_71 = arith.cmpi ne, %convert_element_type3A_69, %cond3A_70 : i32
    scf.if %cond3A_71 {
      %dma_wait3A_155 = arith.constant 0 : i32
      %dma_wait3A_156 = arith.constant 0 : i32
      %dma_wait3A_157 = tpu.memref_slice %arg4[%dma_wait3A_155, %dma_wait3A_156] : memref<100000x128xf32, #tpu.memory_space<hbm>> -> memref<128x128xf32, #tpu.memory_space<hbm>>
      %dma_wait3A_158 = arith.constant 0 : i32
      %dma_wait3A_159 = arith.constant 0 : i32
      %dma_wait3A_160 = tpu.memref_slice %arg4[%dma_wait3A_158, %dma_wait3A_159] : memref<100000x128xf32, #tpu.memory_space<hbm>> -> memref<128x128xf32, #tpu.memory_space<hbm>>
      tpu.wait_dma2 semaphore(%arg21 : memref<!tpu.dma_semaphore, #tpu.memory_space<semaphore_mem>>) src(%dma_wait3A_160 : memref<128x128xf32, #tpu.memory_space<hbm>>) dst(%arg13 : memref<128x128xf32, #tpu.memory_space<vmem>>)
    } else {
    }
    %gt3A_72 = arith.constant 1 : i32
    %gt3A_73 = arith.cmpi sgt, %select_n3A, %gt3A_72 : i32
    %convert_element_type3A_74 = arith.extui %gt3A_73 : i1 to i32
    %cond3A_75 = arith.constant 0 : i32
    %cond3A_76 = arith.cmpi ne, %convert_element_type3A_74, %cond3A_75 : i32
    scf.if %cond3A_76 {
      %dma_wait3A_155 = arith.constant 0 : i32
      %dma_wait3A_156 = arith.constant 0 : i32
      %dma_wait3A_157 = tpu.memref_slice %arg4[%dma_wait3A_155, %dma_wait3A_156] : memref<100000x128xf32, #tpu.memory_space<hbm>> -> memref<128x128xf32, #tpu.memory_space<hbm>>
      %dma_wait3A_158 = arith.constant 0 : i32
      %dma_wait3A_159 = arith.constant 0 : i32
      %dma_wait3A_160 = tpu.memref_slice %arg4[%dma_wait3A_158, %dma_wait3A_159] : memref<100000x128xf32, #tpu.memory_space<hbm>> -> memref<128x128xf32, #tpu.memory_space<hbm>>
      tpu.wait_dma2 semaphore(%arg22 : memref<!tpu.dma_semaphore, #tpu.memory_space<semaphore_mem>>) src(%dma_wait3A_160 : memref<128x128xf32, #tpu.memory_space<hbm>>) dst(%arg14 : memref<128x128xf32, #tpu.memory_space<vmem>>)
    } else {
    }
    %gt3A_77 = arith.constant 2 : i32
    %gt3A_78 = arith.cmpi sgt, %select_n3A, %gt3A_77 : i32
    %convert_element_type3A_79 = arith.extui %gt3A_78 : i1 to i32
    %cond3A_80 = arith.constant 0 : i32
    %cond3A_81 = arith.cmpi ne, %convert_element_type3A_79, %cond3A_80 : i32
    scf.if %cond3A_81 {
      %dma_wait3A_155 = arith.constant 0 : i32
      %dma_wait3A_156 = arith.constant 0 : i32
      %dma_wait3A_157 = tpu.memref_slice %arg4[%dma_wait3A_155, %dma_wait3A_156] : memref<100000x128xf32, #tpu.memory_space<hbm>> -> memref<128x128xf32, #tpu.memory_space<hbm>>
      %dma_wait3A_158 = arith.constant 0 : i32
      %dma_wait3A_159 = arith.constant 0 : i32
      %dma_wait3A_160 = tpu.memref_slice %arg4[%dma_wait3A_158, %dma_wait3A_159] : memref<100000x128xf32, #tpu.memory_space<hbm>> -> memref<128x128xf32, #tpu.memory_space<hbm>>
      tpu.wait_dma2 semaphore(%arg23 : memref<!tpu.dma_semaphore, #tpu.memory_space<semaphore_mem>>) src(%dma_wait3A_160 : memref<128x128xf32, #tpu.memory_space<hbm>>) dst(%arg15 : memref<128x128xf32, #tpu.memory_space<vmem>>)
    } else {
    }
    %gt3A_82 = arith.constant 3 : i32
    %gt3A_83 = arith.cmpi sgt, %select_n3A, %gt3A_82 : i32
    %convert_element_type3A_84 = arith.extui %gt3A_83 : i1 to i32
    %cond3A_85 = arith.constant 0 : i32
    %cond3A_86 = arith.cmpi ne, %convert_element_type3A_84, %cond3A_85 : i32
    scf.if %cond3A_86 {
      %dma_wait3A_155 = arith.constant 0 : i32
      %dma_wait3A_156 = arith.constant 0 : i32
      %dma_wait3A_157 = tpu.memref_slice %arg4[%dma_wait3A_155, %dma_wait3A_156] : memref<100000x128xf32, #tpu.memory_space<hbm>> -> memref<128x128xf32, #tpu.memory_space<hbm>>
      %dma_wait3A_158 = arith.constant 0 : i32
      %dma_wait3A_159 = arith.constant 0 : i32
      %dma_wait3A_160 = tpu.memref_slice %arg4[%dma_wait3A_158, %dma_wait3A_159] : memref<100000x128xf32, #tpu.memory_space<hbm>> -> memref<128x128xf32, #tpu.memory_space<hbm>>
      tpu.wait_dma2 semaphore(%arg24 : memref<!tpu.dma_semaphore, #tpu.memory_space<semaphore_mem>>) src(%dma_wait3A_160 : memref<128x128xf32, #tpu.memory_space<hbm>>) dst(%arg16 : memref<128x128xf32, #tpu.memory_space<vmem>>)
    } else {
    }
    %add3A_87 = arith.constant 128 : i32
    %add3A_88 = arith.addi %sub3A_19, %add3A_87 : i32
    %sub3A_89 = arith.constant 1 : i32
    %sub3A_90 = arith.subi %add3A_88, %sub3A_89 : i32
    %jit3A_91 = arith.constant 128 : i32
    %div3A_92 = arith.divsi %sub3A_90, %jit3A_91 : i32
    %sign3A_93 = arith.constant 0 : i32
    %sign3A_94 = arith.cmpi sgt, %sub3A_90, %sign3A_93 : i32
    %sign3A_95 = arith.extui %sign3A_94 : i1 to i32
    %sign3A_96 = arith.constant 0 : i32
    %sign3A_97 = arith.cmpi slt, %sub3A_90, %sign3A_96 : i32
    %sign3A_98 = arith.extui %sign3A_97 : i1 to i32
    %sign3A_99 = arith.subi %sign3A_95, %sign3A_98 : i32
    %sign3A_100 = arith.constant 0 : i32
    %sign3A_101 = arith.cmpi sgt, %jit3A_91, %sign3A_100 : i32
    %sign3A_102 = arith.extui %sign3A_101 : i1 to i32
    %sign3A_103 = arith.constant 0 : i32
    %sign3A_104 = arith.cmpi slt, %jit3A_91, %sign3A_103 : i32
    %sign3A_105 = arith.extui %sign3A_104 : i1 to i32
    %sign3A_106 = arith.subi %sign3A_102, %sign3A_105 : i32
    %ne3A_107 = arith.cmpi ne, %sign3A_99, %sign3A_106 : i32
    %rem3A_108 = arith.remsi %sub3A_90, %jit3A_91 : i32
    %ne3A_109 = arith.constant 0 : i32
    %ne3A_110 = arith.cmpi ne, %rem3A_108, %ne3A_109 : i32
    %and3A_111 = arith.andi %ne3A_107, %ne3A_110 : i1
    %sub3A_112 = arith.constant 1 : i32
    %sub3A_113 = arith.subi %div3A_92, %sub3A_112 : i32
    %select_n3A_114 = arith.select %and3A_111, %sub3A_113, %div3A_92 : i32
    %gt3A_115 = arith.constant 0 : i32
    %gt3A_116 = arith.cmpi sgt, %select_n3A_114, %gt3A_115 : i32
    %convert_element_type3A_117 = arith.extui %gt3A_116 : i1 to i32
    %cond3A_118 = arith.constant 0 : i32
    %cond3A_119 = arith.cmpi ne, %convert_element_type3A_117, %cond3A_118 : i32
    scf.if %cond3A_119 {
      %dma_start3A_155 = arith.constant 0 : i32
      %dma_start3A_156 = tpu.memref_slice %arg11[%dma_start3A_155] : memref<6544xi32, #tpu.memory_space<vmem>> -> memref<128xi32, #tpu.memory_space<vmem>>
      %dma_start3A_157 = arith.constant 0 : i32
      %dma_start3A_158 = arith.constant 0 : i32
      %dma_start3A_159 = tpu.memref_slice %arg5[%dma_start3A_157, %dma_start3A_158] : memref<100000x128xf32, #tpu.memory_space<hbm>> -> memref<100000x128xf32, #tpu.memory_space<hbm>>
      tpu.enqueue_indirect_dma source(%dma_start3A_159 : memref<100000x128xf32, #tpu.memory_space<hbm>>) target(%arg13 : memref<128x128xf32, #tpu.memory_space<vmem>>) offsets(%dma_start3A_156 : memref<128xi32, #tpu.memory_space<vmem>>) semaphore(%arg17 : memref<!tpu.dma_semaphore, #tpu.memory_space<semaphore_mem>>)
    } else {
    }
    %gt3A_120 = arith.constant 1 : i32
    %gt3A_121 = arith.cmpi sgt, %select_n3A_114, %gt3A_120 : i32
    %convert_element_type3A_122 = arith.extui %gt3A_121 : i1 to i32
    %cond3A_123 = arith.constant 0 : i32
    %cond3A_124 = arith.cmpi ne, %convert_element_type3A_122, %cond3A_123 : i32
    scf.if %cond3A_124 {
      %dma_start3A_155 = arith.constant 128 : i32
      %dma_start3A_156 = tpu.memref_slice %arg11[%dma_start3A_155] : memref<6544xi32, #tpu.memory_space<vmem>> -> memref<128xi32, #tpu.memory_space<vmem>>
      %dma_start3A_157 = arith.constant 0 : i32
      %dma_start3A_158 = arith.constant 0 : i32
      %dma_start3A_159 = tpu.memref_slice %arg5[%dma_start3A_157, %dma_start3A_158] : memref<100000x128xf32, #tpu.memory_space<hbm>> -> memref<100000x128xf32, #tpu.memory_space<hbm>>
      tpu.enqueue_indirect_dma source(%dma_start3A_159 : memref<100000x128xf32, #tpu.memory_space<hbm>>) target(%arg14 : memref<128x128xf32, #tpu.memory_space<vmem>>) offsets(%dma_start3A_156 : memref<128xi32, #tpu.memory_space<vmem>>) semaphore(%arg18 : memref<!tpu.dma_semaphore, #tpu.memory_space<semaphore_mem>>)
    } else {
    }
    %while3A_125 = arith.constant 0 : i32
    %while3A_126 = arith.constant 0 : i32
    %while3A_127 = arith.subi %select_n3A_114, %while3A_126 : i32
    %while3A_128 = arith.addi %while3A_126, %while3A_127 : i32
    %while3A_129 = arith.constant 1 : i32
    %while3A_130 = arith.divsi %while3A_127, %while3A_129 : i32
    %while3A_131 = arith.muli %while3A_130, %while3A_129 : i32
    %while3A_132 = arith.addi %while3A_126, %while3A_131 : i32
    %while3A_133 = arith.constant 1 : i32
    scf.for %while3A_155 = %while3A_126 to %while3A_132 step %while3A_133  : i32 {
      %rem3A_156 = arith.constant 4 : i32
      %rem3A_157 = arith.remsi %while3A_155, %rem3A_156 : i32
      %add3A_158 = arith.constant 2 : i32
      %add3A_159 = arith.addi %while3A_155, %add3A_158 : i32
      %lt3A = arith.cmpi slt, %add3A_159, %select_n3A_114 : i32
      %eq3A = arith.constant 2 : i32
      %eq3A_160 = arith.cmpi eq, %rem3A_157, %eq3A : i32
      %and3A_161 = arith.andi %lt3A, %eq3A_160 : i1
      %gt3A_162 = arith.constant 1 : i32
      %gt3A_163 = arith.cmpi sgt, %while3A_155, %gt3A_162 : i32
      %and3A_164 = arith.andi %and3A_161, %gt3A_163 : i1
      %convert_element_type3A_165 = arith.extui %and3A_164 : i1 to i32
      %cond3A_166 = arith.constant 0 : i32
      %cond3A_167 = arith.cmpi ne, %convert_element_type3A_165, %cond3A_166 : i32
      scf.if %cond3A_167 {
        %dma_wait3A_227 = arith.constant 0 : i32
        %dma_wait3A_228 = arith.constant 0 : i32
        %dma_wait3A_229 = tpu.memref_slice %arg5[%dma_wait3A_227, %dma_wait3A_228] : memref<100000x128xf32, #tpu.memory_space<hbm>> -> memref<128x128xf32, #tpu.memory_space<hbm>>
        %dma_wait3A_230 = arith.constant 0 : i32
        %dma_wait3A_231 = arith.constant 0 : i32
        %dma_wait3A_232 = tpu.memref_slice %arg5[%dma_wait3A_230, %dma_wait3A_231] : memref<100000x128xf32, #tpu.memory_space<hbm>> -> memref<128x128xf32, #tpu.memory_space<hbm>>
        tpu.wait_dma2 semaphore(%arg21 : memref<!tpu.dma_semaphore, #tpu.memory_space<semaphore_mem>>) src(%dma_wait3A_232 : memref<128x128xf32, #tpu.memory_space<hbm>>) dst(%arg13 : memref<128x128xf32, #tpu.memory_space<vmem>>)
      } else {
      }
      %convert_element_type3A_168 = arith.extui %and3A_161 : i1 to i32
      %cond3A_169 = arith.constant 0 : i32
      %cond3A_170 = arith.cmpi ne, %convert_element_type3A_168, %cond3A_169 : i32
      scf.if %cond3A_170 {
        %add3A_227 = arith.constant 2 : i32
        %add3A_228 = arith.addi %while3A_155, %add3A_227 : i32
        %mul3A_229 = arith.constant 128 : i32
        %mul3A_230 = arith.muli %add3A_228, %mul3A_229 : i32
        %dma_start3A_231 = tpu.memref_slice %arg11[%mul3A_230] : memref<6544xi32, #tpu.memory_space<vmem>> -> memref<128xi32, #tpu.memory_space<vmem>>
        %dma_start3A_232 = arith.constant 0 : i32
        %dma_start3A_233 = arith.constant 0 : i32
        %dma_start3A_234 = tpu.memref_slice %arg5[%dma_start3A_232, %dma_start3A_233] : memref<100000x128xf32, #tpu.memory_space<hbm>> -> memref<100000x128xf32, #tpu.memory_space<hbm>>
        tpu.enqueue_indirect_dma source(%dma_start3A_234 : memref<100000x128xf32, #tpu.memory_space<hbm>>) target(%arg13 : memref<128x128xf32, #tpu.memory_space<vmem>>) offsets(%dma_start3A_231 : memref<128xi32, #tpu.memory_space<vmem>>) semaphore(%arg17 : memref<!tpu.dma_semaphore, #tpu.memory_space<semaphore_mem>>)
      } else {
      }
      %eq3A_171 = arith.constant 3 : i32
      %eq3A_172 = arith.cmpi eq, %rem3A_157, %eq3A_171 : i32
      %and3A_173 = arith.andi %lt3A, %eq3A_172 : i1
      %gt3A_174 = arith.constant 1 : i32
      %gt3A_175 = arith.cmpi sgt, %while3A_155, %gt3A_174 : i32
      %and3A_176 = arith.andi %and3A_173, %gt3A_175 : i1
      %convert_element_type3A_177 = arith.extui %and3A_176 : i1 to i32
      %cond3A_178 = arith.constant 0 : i32
      %cond3A_179 = arith.cmpi ne, %convert_element_type3A_177, %cond3A_178 : i32
      scf.if %cond3A_179 {
        %dma_wait3A_227 = arith.constant 0 : i32
        %dma_wait3A_228 = arith.constant 0 : i32
        %dma_wait3A_229 = tpu.memref_slice %arg5[%dma_wait3A_227, %dma_wait3A_228] : memref<100000x128xf32, #tpu.memory_space<hbm>> -> memref<128x128xf32, #tpu.memory_space<hbm>>
        %dma_wait3A_230 = arith.constant 0 : i32
        %dma_wait3A_231 = arith.constant 0 : i32
        %dma_wait3A_232 = tpu.memref_slice %arg5[%dma_wait3A_230, %dma_wait3A_231] : memref<100000x128xf32, #tpu.memory_space<hbm>> -> memref<128x128xf32, #tpu.memory_space<hbm>>
        tpu.wait_dma2 semaphore(%arg22 : memref<!tpu.dma_semaphore, #tpu.memory_space<semaphore_mem>>) src(%dma_wait3A_232 : memref<128x128xf32, #tpu.memory_space<hbm>>) dst(%arg14 : memref<128x128xf32, #tpu.memory_space<vmem>>)
      } else {
      }
      %convert_element_type3A_180 = arith.extui %and3A_173 : i1 to i32
      %cond3A_181 = arith.constant 0 : i32
      %cond3A_182 = arith.cmpi ne, %convert_element_type3A_180, %cond3A_181 : i32
      scf.if %cond3A_182 {
        %add3A_227 = arith.constant 2 : i32
        %add3A_228 = arith.addi %while3A_155, %add3A_227 : i32
        %mul3A_229 = arith.constant 128 : i32
        %mul3A_230 = arith.muli %add3A_228, %mul3A_229 : i32
        %dma_start3A_231 = tpu.memref_slice %arg11[%mul3A_230] : memref<6544xi32, #tpu.memory_space<vmem>> -> memref<128xi32, #tpu.memory_space<vmem>>
        %dma_start3A_232 = arith.constant 0 : i32
        %dma_start3A_233 = arith.constant 0 : i32
        %dma_start3A_234 = tpu.memref_slice %arg5[%dma_start3A_232, %dma_start3A_233] : memref<100000x128xf32, #tpu.memory_space<hbm>> -> memref<100000x128xf32, #tpu.memory_space<hbm>>
        tpu.enqueue_indirect_dma source(%dma_start3A_234 : memref<100000x128xf32, #tpu.memory_space<hbm>>) target(%arg14 : memref<128x128xf32, #tpu.memory_space<vmem>>) offsets(%dma_start3A_231 : memref<128xi32, #tpu.memory_space<vmem>>) semaphore(%arg18 : memref<!tpu.dma_semaphore, #tpu.memory_space<semaphore_mem>>)
      } else {
      }
      %eq3A_183 = arith.constant 0 : i32
      %eq3A_184 = arith.cmpi eq, %rem3A_157, %eq3A_183 : i32
      %and3A_185 = arith.andi %lt3A, %eq3A_184 : i1
      %gt3A_186 = arith.constant 1 : i32
      %gt3A_187 = arith.cmpi sgt, %while3A_155, %gt3A_186 : i32
      %and3A_188 = arith.andi %and3A_185, %gt3A_187 : i1
      %convert_element_type3A_189 = arith.extui %and3A_188 : i1 to i32
      %cond3A_190 = arith.constant 0 : i32
      %cond3A_191 = arith.cmpi ne, %convert_element_type3A_189, %cond3A_190 : i32
      scf.if %cond3A_191 {
        %dma_wait3A_227 = arith.constant 0 : i32
        %dma_wait3A_228 = arith.constant 0 : i32
        %dma_wait3A_229 = tpu.memref_slice %arg5[%dma_wait3A_227, %dma_wait3A_228] : memref<100000x128xf32, #tpu.memory_space<hbm>> -> memref<128x128xf32, #tpu.memory_space<hbm>>
        %dma_wait3A_230 = arith.constant 0 : i32
        %dma_wait3A_231 = arith.constant 0 : i32
        %dma_wait3A_232 = tpu.memref_slice %arg5[%dma_wait3A_230, %dma_wait3A_231] : memref<100000x128xf32, #tpu.memory_space<hbm>> -> memref<128x128xf32, #tpu.memory_space<hbm>>
        tpu.wait_dma2 semaphore(%arg23 : memref<!tpu.dma_semaphore, #tpu.memory_space<semaphore_mem>>) src(%dma_wait3A_232 : memref<128x128xf32, #tpu.memory_space<hbm>>) dst(%arg15 : memref<128x128xf32, #tpu.memory_space<vmem>>)
      } else {
      }
      %convert_element_type3A_192 = arith.extui %and3A_185 : i1 to i32
      %cond3A_193 = arith.constant 0 : i32
      %cond3A_194 = arith.cmpi ne, %convert_element_type3A_192, %cond3A_193 : i32
      scf.if %cond3A_194 {
        %add3A_227 = arith.constant 2 : i32
        %add3A_228 = arith.addi %while3A_155, %add3A_227 : i32
        %mul3A_229 = arith.constant 128 : i32
        %mul3A_230 = arith.muli %add3A_228, %mul3A_229 : i32
        %dma_start3A_231 = tpu.memref_slice %arg11[%mul3A_230] : memref<6544xi32, #tpu.memory_space<vmem>> -> memref<128xi32, #tpu.memory_space<vmem>>
        %dma_start3A_232 = arith.constant 0 : i32
        %dma_start3A_233 = arith.constant 0 : i32
        %dma_start3A_234 = tpu.memref_slice %arg5[%dma_start3A_232, %dma_start3A_233] : memref<100000x128xf32, #tpu.memory_space<hbm>> -> memref<100000x128xf32, #tpu.memory_space<hbm>>
        tpu.enqueue_indirect_dma source(%dma_start3A_234 : memref<100000x128xf32, #tpu.memory_space<hbm>>) target(%arg15 : memref<128x128xf32, #tpu.memory_space<vmem>>) offsets(%dma_start3A_231 : memref<128xi32, #tpu.memory_space<vmem>>) semaphore(%arg19 : memref<!tpu.dma_semaphore, #tpu.memory_space<semaphore_mem>>)
      } else {
      }
      %eq3A_195 = arith.constant 1 : i32
      %eq3A_196 = arith.cmpi eq, %rem3A_157, %eq3A_195 : i32
      %and3A_197 = arith.andi %lt3A, %eq3A_196 : i1
      %gt3A_198 = arith.constant 1 : i32
      %gt3A_199 = arith.cmpi sgt, %while3A_155, %gt3A_198 : i32
      %and3A_200 = arith.andi %and3A_197, %gt3A_199 : i1
      %convert_element_type3A_201 = arith.extui %and3A_200 : i1 to i32
      %cond3A_202 = arith.constant 0 : i32
      %cond3A_203 = arith.cmpi ne, %convert_element_type3A_201, %cond3A_202 : i32
      scf.if %cond3A_203 {
        %dma_wait3A_227 = arith.constant 0 : i32
        %dma_wait3A_228 = arith.constant 0 : i32
        %dma_wait3A_229 = tpu.memref_slice %arg5[%dma_wait3A_227, %dma_wait3A_228] : memref<100000x128xf32, #tpu.memory_space<hbm>> -> memref<128x128xf32, #tpu.memory_space<hbm>>
        %dma_wait3A_230 = arith.constant 0 : i32
        %dma_wait3A_231 = arith.constant 0 : i32
        %dma_wait3A_232 = tpu.memref_slice %arg5[%dma_wait3A_230, %dma_wait3A_231] : memref<100000x128xf32, #tpu.memory_space<hbm>> -> memref<128x128xf32, #tpu.memory_space<hbm>>
        tpu.wait_dma2 semaphore(%arg24 : memref<!tpu.dma_semaphore, #tpu.memory_space<semaphore_mem>>) src(%dma_wait3A_232 : memref<128x128xf32, #tpu.memory_space<hbm>>) dst(%arg16 : memref<128x128xf32, #tpu.memory_space<vmem>>)
      } else {
      }
      %convert_element_type3A_204 = arith.extui %and3A_197 : i1 to i32
      %cond3A_205 = arith.constant 0 : i32
      %cond3A_206 = arith.cmpi ne, %convert_element_type3A_204, %cond3A_205 : i32
      scf.if %cond3A_206 {
        %add3A_227 = arith.constant 2 : i32
        %add3A_228 = arith.addi %while3A_155, %add3A_227 : i32
        %mul3A_229 = arith.constant 128 : i32
        %mul3A_230 = arith.muli %add3A_228, %mul3A_229 : i32
        %dma_start3A_231 = tpu.memref_slice %arg11[%mul3A_230] : memref<6544xi32, #tpu.memory_space<vmem>> -> memref<128xi32, #tpu.memory_space<vmem>>
        %dma_start3A_232 = arith.constant 0 : i32
        %dma_start3A_233 = arith.constant 0 : i32
        %dma_start3A_234 = tpu.memref_slice %arg5[%dma_start3A_232, %dma_start3A_233] : memref<100000x128xf32, #tpu.memory_space<hbm>> -> memref<100000x128xf32, #tpu.memory_space<hbm>>
        tpu.enqueue_indirect_dma source(%dma_start3A_234 : memref<100000x128xf32, #tpu.memory_space<hbm>>) target(%arg16 : memref<128x128xf32, #tpu.memory_space<vmem>>) offsets(%dma_start3A_231 : memref<128xi32, #tpu.memory_space<vmem>>) semaphore(%arg20 : memref<!tpu.dma_semaphore, #tpu.memory_space<semaphore_mem>>)
      } else {
      }
      %eq3A_207 = arith.constant 0 : i32
      %eq3A_208 = arith.cmpi eq, %rem3A_157, %eq3A_207 : i32
      %convert_element_type3A_209 = arith.extui %eq3A_208 : i1 to i32
      %cond3A_210 = arith.constant 0 : i32
      %cond3A_211 = arith.cmpi ne, %convert_element_type3A_209, %cond3A_210 : i32
      scf.if %cond3A_211 {
        %dma_wait3A_227 = arith.constant 0 : i32
        %dma_wait3A_228 = arith.constant 0 : i32
        %dma_wait3A_229 = tpu.memref_slice %arg5[%dma_wait3A_227, %dma_wait3A_228] : memref<100000x128xf32, #tpu.memory_space<hbm>> -> memref<128x128xf32, #tpu.memory_space<hbm>>
        %dma_wait3A_230 = arith.constant 0 : i32
        %dma_wait3A_231 = arith.constant 0 : i32
        %dma_wait3A_232 = tpu.memref_slice %arg5[%dma_wait3A_230, %dma_wait3A_231] : memref<100000x128xf32, #tpu.memory_space<hbm>> -> memref<128x128xf32, #tpu.memory_space<hbm>>
        tpu.wait_dma2 semaphore(%arg17 : memref<!tpu.dma_semaphore, #tpu.memory_space<semaphore_mem>>) src(%dma_wait3A_232 : memref<128x128xf32, #tpu.memory_space<hbm>>) dst(%arg13 : memref<128x128xf32, #tpu.memory_space<vmem>>)
        %dma_start3A_233 = arith.constant 0 : i32
        %dma_start3A_234 = tpu.memref_slice %arg12[%while3A_155, %dma_start3A_233] : memref<51x128xi32, #tpu.memory_space<vmem>> -> memref<1x128xi32, #tpu.memory_space<vmem>>
        %dma_start3A_235 = tpu.memref_squeeze %dma_start3A_234 : memref<1x128xi32, #tpu.memory_space<vmem>> -> memref<128xi32, #tpu.memory_space<vmem>>
        %dma_start3A_236 = arith.constant 0 : i32
        %dma_start3A_237 = arith.constant 0 : i32
        %dma_start3A_238 = tpu.memref_slice %arg6[%dma_start3A_236, %dma_start3A_237] : memref<204800x128xf32, #tpu.memory_space<hbm>> -> memref<204800x128xf32, #tpu.memory_space<hbm>>
        tpu.enqueue_indirect_dma source(%arg13 : memref<128x128xf32, #tpu.memory_space<vmem>>) target(%dma_start3A_238 : memref<204800x128xf32, #tpu.memory_space<hbm>>) offsets(%dma_start3A_235 : memref<128xi32, #tpu.memory_space<vmem>>) semaphore(%arg21 : memref<!tpu.dma_semaphore, #tpu.memory_space<semaphore_mem>>)
      } else {
      }
      %eq3A_212 = arith.constant 1 : i32
      %eq3A_213 = arith.cmpi eq, %rem3A_157, %eq3A_212 : i32
      %convert_element_type3A_214 = arith.extui %eq3A_213 : i1 to i32
      %cond3A_215 = arith.constant 0 : i32
      %cond3A_216 = arith.cmpi ne, %convert_element_type3A_214, %cond3A_215 : i32
      scf.if %cond3A_216 {
        %dma_wait3A_227 = arith.constant 0 : i32
        %dma_wait3A_228 = arith.constant 0 : i32
        %dma_wait3A_229 = tpu.memref_slice %arg5[%dma_wait3A_227, %dma_wait3A_228] : memref<100000x128xf32, #tpu.memory_space<hbm>> -> memref<128x128xf32, #tpu.memory_space<hbm>>
        %dma_wait3A_230 = arith.constant 0 : i32
        %dma_wait3A_231 = arith.constant 0 : i32
        %dma_wait3A_232 = tpu.memref_slice %arg5[%dma_wait3A_230, %dma_wait3A_231] : memref<100000x128xf32, #tpu.memory_space<hbm>> -> memref<128x128xf32, #tpu.memory_space<hbm>>
        tpu.wait_dma2 semaphore(%arg18 : memref<!tpu.dma_semaphore, #tpu.memory_space<semaphore_mem>>) src(%dma_wait3A_232 : memref<128x128xf32, #tpu.memory_space<hbm>>) dst(%arg14 : memref<128x128xf32, #tpu.memory_space<vmem>>)
        %dma_start3A_233 = arith.constant 0 : i32
        %dma_start3A_234 = tpu.memref_slice %arg12[%while3A_155, %dma_start3A_233] : memref<51x128xi32, #tpu.memory_space<vmem>> -> memref<1x128xi32, #tpu.memory_space<vmem>>
        %dma_start3A_235 = tpu.memref_squeeze %dma_start3A_234 : memref<1x128xi32, #tpu.memory_space<vmem>> -> memref<128xi32, #tpu.memory_space<vmem>>
        %dma_start3A_236 = arith.constant 0 : i32
        %dma_start3A_237 = arith.constant 0 : i32
        %dma_start3A_238 = tpu.memref_slice %arg6[%dma_start3A_236, %dma_start3A_237] : memref<204800x128xf32, #tpu.memory_space<hbm>> -> memref<204800x128xf32, #tpu.memory_space<hbm>>
        tpu.enqueue_indirect_dma source(%arg14 : memref<128x128xf32, #tpu.memory_space<vmem>>) target(%dma_start3A_238 : memref<204800x128xf32, #tpu.memory_space<hbm>>) offsets(%dma_start3A_235 : memref<128xi32, #tpu.memory_space<vmem>>) semaphore(%arg22 : memref<!tpu.dma_semaphore, #tpu.memory_space<semaphore_mem>>)
      } else {
      }
      %eq3A_217 = arith.constant 2 : i32
      %eq3A_218 = arith.cmpi eq, %rem3A_157, %eq3A_217 : i32
      %convert_element_type3A_219 = arith.extui %eq3A_218 : i1 to i32
      %cond3A_220 = arith.constant 0 : i32
      %cond3A_221 = arith.cmpi ne, %convert_element_type3A_219, %cond3A_220 : i32
      scf.if %cond3A_221 {
        %dma_wait3A_227 = arith.constant 0 : i32
        %dma_wait3A_228 = arith.constant 0 : i32
        %dma_wait3A_229 = tpu.memref_slice %arg5[%dma_wait3A_227, %dma_wait3A_228] : memref<100000x128xf32, #tpu.memory_space<hbm>> -> memref<128x128xf32, #tpu.memory_space<hbm>>
        %dma_wait3A_230 = arith.constant 0 : i32
        %dma_wait3A_231 = arith.constant 0 : i32
        %dma_wait3A_232 = tpu.memref_slice %arg5[%dma_wait3A_230, %dma_wait3A_231] : memref<100000x128xf32, #tpu.memory_space<hbm>> -> memref<128x128xf32, #tpu.memory_space<hbm>>
        tpu.wait_dma2 semaphore(%arg19 : memref<!tpu.dma_semaphore, #tpu.memory_space<semaphore_mem>>) src(%dma_wait3A_232 : memref<128x128xf32, #tpu.memory_space<hbm>>) dst(%arg15 : memref<128x128xf32, #tpu.memory_space<vmem>>)
        %dma_start3A_233 = arith.constant 0 : i32
        %dma_start3A_234 = tpu.memref_slice %arg12[%while3A_155, %dma_start3A_233] : memref<51x128xi32, #tpu.memory_space<vmem>> -> memref<1x128xi32, #tpu.memory_space<vmem>>
        %dma_start3A_235 = tpu.memref_squeeze %dma_start3A_234 : memref<1x128xi32, #tpu.memory_space<vmem>> -> memref<128xi32, #tpu.memory_space<vmem>>
        %dma_start3A_236 = arith.constant 0 : i32
        %dma_start3A_237 = arith.constant 0 : i32
        %dma_start3A_238 = tpu.memref_slice %arg6[%dma_start3A_236, %dma_start3A_237] : memref<204800x128xf32, #tpu.memory_space<hbm>> -> memref<204800x128xf32, #tpu.memory_space<hbm>>
        tpu.enqueue_indirect_dma source(%arg15 : memref<128x128xf32, #tpu.memory_space<vmem>>) target(%dma_start3A_238 : memref<204800x128xf32, #tpu.memory_space<hbm>>) offsets(%dma_start3A_235 : memref<128xi32, #tpu.memory_space<vmem>>) semaphore(%arg23 : memref<!tpu.dma_semaphore, #tpu.memory_space<semaphore_mem>>)
      } else {
      }
      %eq3A_222 = arith.constant 3 : i32
      %eq3A_223 = arith.cmpi eq, %rem3A_157, %eq3A_222 : i32
      %convert_element_type3A_224 = arith.extui %eq3A_223 : i1 to i32
      %cond3A_225 = arith.constant 0 : i32
      %cond3A_226 = arith.cmpi ne, %convert_element_type3A_224, %cond3A_225 : i32
      scf.if %cond3A_226 {
        %dma_wait3A_227 = arith.constant 0 : i32
        %dma_wait3A_228 = arith.constant 0 : i32
        %dma_wait3A_229 = tpu.memref_slice %arg5[%dma_wait3A_227, %dma_wait3A_228] : memref<100000x128xf32, #tpu.memory_space<hbm>> -> memref<128x128xf32, #tpu.memory_space<hbm>>
        %dma_wait3A_230 = arith.constant 0 : i32
        %dma_wait3A_231 = arith.constant 0 : i32
        %dma_wait3A_232 = tpu.memref_slice %arg5[%dma_wait3A_230, %dma_wait3A_231] : memref<100000x128xf32, #tpu.memory_space<hbm>> -> memref<128x128xf32, #tpu.memory_space<hbm>>
        tpu.wait_dma2 semaphore(%arg20 : memref<!tpu.dma_semaphore, #tpu.memory_space<semaphore_mem>>) src(%dma_wait3A_232 : memref<128x128xf32, #tpu.memory_space<hbm>>) dst(%arg16 : memref<128x128xf32, #tpu.memory_space<vmem>>)
        %dma_start3A_233 = arith.constant 0 : i32
        %dma_start3A_234 = tpu.memref_slice %arg12[%while3A_155, %dma_start3A_233] : memref<51x128xi32, #tpu.memory_space<vmem>> -> memref<1x128xi32, #tpu.memory_space<vmem>>
        %dma_start3A_235 = tpu.memref_squeeze %dma_start3A_234 : memref<1x128xi32, #tpu.memory_space<vmem>> -> memref<128xi32, #tpu.memory_space<vmem>>
        %dma_start3A_236 = arith.constant 0 : i32
        %dma_start3A_237 = arith.constant 0 : i32
        %dma_start3A_238 = tpu.memref_slice %arg6[%dma_start3A_236, %dma_start3A_237] : memref<204800x128xf32, #tpu.memory_space<hbm>> -> memref<204800x128xf32, #tpu.memory_space<hbm>>
        tpu.enqueue_indirect_dma source(%arg16 : memref<128x128xf32, #tpu.memory_space<vmem>>) target(%dma_start3A_238 : memref<204800x128xf32, #tpu.memory_space<hbm>>) offsets(%dma_start3A_235 : memref<128xi32, #tpu.memory_space<vmem>>) semaphore(%arg24 : memref<!tpu.dma_semaphore, #tpu.memory_space<semaphore_mem>>)
      } else {
      }
    }
    %while3A_134 = arith.constant 1 : i32
    scf.for %while3A_155 = %while3A_132 to %while3A_128 step %while3A_134  : i32 {
      %rem3A_156 = arith.constant 4 : i32
      %rem3A_157 = arith.remsi %while3A_155, %rem3A_156 : i32
      %add3A_158 = arith.constant 2 : i32
      %add3A_159 = arith.addi %while3A_155, %add3A_158 : i32
      %lt3A = arith.cmpi slt, %add3A_159, %select_n3A_114 : i32
      %eq3A = arith.constant 2 : i32
      %eq3A_160 = arith.cmpi eq, %rem3A_157, %eq3A : i32
      %and3A_161 = arith.andi %lt3A, %eq3A_160 : i1
      %gt3A_162 = arith.constant 1 : i32
      %gt3A_163 = arith.cmpi sgt, %while3A_155, %gt3A_162 : i32
      %and3A_164 = arith.andi %and3A_161, %gt3A_163 : i1
      %convert_element_type3A_165 = arith.extui %and3A_164 : i1 to i32
      %cond3A_166 = arith.constant 0 : i32
      %cond3A_167 = arith.cmpi ne, %convert_element_type3A_165, %cond3A_166 : i32
      scf.if %cond3A_167 {
        %dma_wait3A_227 = arith.constant 0 : i32
        %dma_wait3A_228 = arith.constant 0 : i32
        %dma_wait3A_229 = tpu.memref_slice %arg5[%dma_wait3A_227, %dma_wait3A_228] : memref<100000x128xf32, #tpu.memory_space<hbm>> -> memref<128x128xf32, #tpu.memory_space<hbm>>
        %dma_wait3A_230 = arith.constant 0 : i32
        %dma_wait3A_231 = arith.constant 0 : i32
        %dma_wait3A_232 = tpu.memref_slice %arg5[%dma_wait3A_230, %dma_wait3A_231] : memref<100000x128xf32, #tpu.memory_space<hbm>> -> memref<128x128xf32, #tpu.memory_space<hbm>>
        tpu.wait_dma2 semaphore(%arg21 : memref<!tpu.dma_semaphore, #tpu.memory_space<semaphore_mem>>) src(%dma_wait3A_232 : memref<128x128xf32, #tpu.memory_space<hbm>>) dst(%arg13 : memref<128x128xf32, #tpu.memory_space<vmem>>)
      } else {
      }
      %convert_element_type3A_168 = arith.extui %and3A_161 : i1 to i32
      %cond3A_169 = arith.constant 0 : i32
      %cond3A_170 = arith.cmpi ne, %convert_element_type3A_168, %cond3A_169 : i32
      scf.if %cond3A_170 {
        %add3A_227 = arith.constant 2 : i32
        %add3A_228 = arith.addi %while3A_155, %add3A_227 : i32
        %mul3A_229 = arith.constant 128 : i32
        %mul3A_230 = arith.muli %add3A_228, %mul3A_229 : i32
        %dma_start3A_231 = tpu.memref_slice %arg11[%mul3A_230] : memref<6544xi32, #tpu.memory_space<vmem>> -> memref<128xi32, #tpu.memory_space<vmem>>
        %dma_start3A_232 = arith.constant 0 : i32
        %dma_start3A_233 = arith.constant 0 : i32
        %dma_start3A_234 = tpu.memref_slice %arg5[%dma_start3A_232, %dma_start3A_233] : memref<100000x128xf32, #tpu.memory_space<hbm>> -> memref<100000x128xf32, #tpu.memory_space<hbm>>
        tpu.enqueue_indirect_dma source(%dma_start3A_234 : memref<100000x128xf32, #tpu.memory_space<hbm>>) target(%arg13 : memref<128x128xf32, #tpu.memory_space<vmem>>) offsets(%dma_start3A_231 : memref<128xi32, #tpu.memory_space<vmem>>) semaphore(%arg17 : memref<!tpu.dma_semaphore, #tpu.memory_space<semaphore_mem>>)
      } else {
      }
      %eq3A_171 = arith.constant 3 : i32
      %eq3A_172 = arith.cmpi eq, %rem3A_157, %eq3A_171 : i32
      %and3A_173 = arith.andi %lt3A, %eq3A_172 : i1
      %gt3A_174 = arith.constant 1 : i32
      %gt3A_175 = arith.cmpi sgt, %while3A_155, %gt3A_174 : i32
      %and3A_176 = arith.andi %and3A_173, %gt3A_175 : i1
      %convert_element_type3A_177 = arith.extui %and3A_176 : i1 to i32
      %cond3A_178 = arith.constant 0 : i32
      %cond3A_179 = arith.cmpi ne, %convert_element_type3A_177, %cond3A_178 : i32
      scf.if %cond3A_179 {
        %dma_wait3A_227 = arith.constant 0 : i32
        %dma_wait3A_228 = arith.constant 0 : i32
        %dma_wait3A_229 = tpu.memref_slice %arg5[%dma_wait3A_227, %dma_wait3A_228] : memref<100000x128xf32, #tpu.memory_space<hbm>> -> memref<128x128xf32, #tpu.memory_space<hbm>>
        %dma_wait3A_230 = arith.constant 0 : i32
        %dma_wait3A_231 = arith.constant 0 : i32
        %dma_wait3A_232 = tpu.memref_slice %arg5[%dma_wait3A_230, %dma_wait3A_231] : memref<100000x128xf32, #tpu.memory_space<hbm>> -> memref<128x128xf32, #tpu.memory_space<hbm>>
        tpu.wait_dma2 semaphore(%arg22 : memref<!tpu.dma_semaphore, #tpu.memory_space<semaphore_mem>>) src(%dma_wait3A_232 : memref<128x128xf32, #tpu.memory_space<hbm>>) dst(%arg14 : memref<128x128xf32, #tpu.memory_space<vmem>>)
      } else {
      }
      %convert_element_type3A_180 = arith.extui %and3A_173 : i1 to i32
      %cond3A_181 = arith.constant 0 : i32
      %cond3A_182 = arith.cmpi ne, %convert_element_type3A_180, %cond3A_181 : i32
      scf.if %cond3A_182 {
        %add3A_227 = arith.constant 2 : i32
        %add3A_228 = arith.addi %while3A_155, %add3A_227 : i32
        %mul3A_229 = arith.constant 128 : i32
        %mul3A_230 = arith.muli %add3A_228, %mul3A_229 : i32
        %dma_start3A_231 = tpu.memref_slice %arg11[%mul3A_230] : memref<6544xi32, #tpu.memory_space<vmem>> -> memref<128xi32, #tpu.memory_space<vmem>>
        %dma_start3A_232 = arith.constant 0 : i32
        %dma_start3A_233 = arith.constant 0 : i32
        %dma_start3A_234 = tpu.memref_slice %arg5[%dma_start3A_232, %dma_start3A_233] : memref<100000x128xf32, #tpu.memory_space<hbm>> -> memref<100000x128xf32, #tpu.memory_space<hbm>>
        tpu.enqueue_indirect_dma source(%dma_start3A_234 : memref<100000x128xf32, #tpu.memory_space<hbm>>) target(%arg14 : memref<128x128xf32, #tpu.memory_space<vmem>>) offsets(%dma_start3A_231 : memref<128xi32, #tpu.memory_space<vmem>>) semaphore(%arg18 : memref<!tpu.dma_semaphore, #tpu.memory_space<semaphore_mem>>)
      } else {
      }
      %eq3A_183 = arith.constant 0 : i32
      %eq3A_184 = arith.cmpi eq, %rem3A_157, %eq3A_183 : i32
      %and3A_185 = arith.andi %lt3A, %eq3A_184 : i1
      %gt3A_186 = arith.constant 1 : i32
      %gt3A_187 = arith.cmpi sgt, %while3A_155, %gt3A_186 : i32
      %and3A_188 = arith.andi %and3A_185, %gt3A_187 : i1
      %convert_element_type3A_189 = arith.extui %and3A_188 : i1 to i32
      %cond3A_190 = arith.constant 0 : i32
      %cond3A_191 = arith.cmpi ne, %convert_element_type3A_189, %cond3A_190 : i32
      scf.if %cond3A_191 {
        %dma_wait3A_227 = arith.constant 0 : i32
        %dma_wait3A_228 = arith.constant 0 : i32
        %dma_wait3A_229 = tpu.memref_slice %arg5[%dma_wait3A_227, %dma_wait3A_228] : memref<100000x128xf32, #tpu.memory_space<hbm>> -> memref<128x128xf32, #tpu.memory_space<hbm>>
        %dma_wait3A_230 = arith.constant 0 : i32
        %dma_wait3A_231 = arith.constant 0 : i32
        %dma_wait3A_232 = tpu.memref_slice %arg5[%dma_wait3A_230, %dma_wait3A_231] : memref<100000x128xf32, #tpu.memory_space<hbm>> -> memref<128x128xf32, #tpu.memory_space<hbm>>
        tpu.wait_dma2 semaphore(%arg23 : memref<!tpu.dma_semaphore, #tpu.memory_space<semaphore_mem>>) src(%dma_wait3A_232 : memref<128x128xf32, #tpu.memory_space<hbm>>) dst(%arg15 : memref<128x128xf32, #tpu.memory_space<vmem>>)
      } else {
      }
      %convert_element_type3A_192 = arith.extui %and3A_185 : i1 to i32
      %cond3A_193 = arith.constant 0 : i32
      %cond3A_194 = arith.cmpi ne, %convert_element_type3A_192, %cond3A_193 : i32
      scf.if %cond3A_194 {
        %add3A_227 = arith.constant 2 : i32
        %add3A_228 = arith.addi %while3A_155, %add3A_227 : i32
        %mul3A_229 = arith.constant 128 : i32
        %mul3A_230 = arith.muli %add3A_228, %mul3A_229 : i32
        %dma_start3A_231 = tpu.memref_slice %arg11[%mul3A_230] : memref<6544xi32, #tpu.memory_space<vmem>> -> memref<128xi32, #tpu.memory_space<vmem>>
        %dma_start3A_232 = arith.constant 0 : i32
        %dma_start3A_233 = arith.constant 0 : i32
        %dma_start3A_234 = tpu.memref_slice %arg5[%dma_start3A_232, %dma_start3A_233] : memref<100000x128xf32, #tpu.memory_space<hbm>> -> memref<100000x128xf32, #tpu.memory_space<hbm>>
        tpu.enqueue_indirect_dma source(%dma_start3A_234 : memref<100000x128xf32, #tpu.memory_space<hbm>>) target(%arg15 : memref<128x128xf32, #tpu.memory_space<vmem>>) offsets(%dma_start3A_231 : memref<128xi32, #tpu.memory_space<vmem>>) semaphore(%arg19 : memref<!tpu.dma_semaphore, #tpu.memory_space<semaphore_mem>>)
      } else {
      }
      %eq3A_195 = arith.constant 1 : i32
      %eq3A_196 = arith.cmpi eq, %rem3A_157, %eq3A_195 : i32
      %and3A_197 = arith.andi %lt3A, %eq3A_196 : i1
      %gt3A_198 = arith.constant 1 : i32
      %gt3A_199 = arith.cmpi sgt, %while3A_155, %gt3A_198 : i32
      %and3A_200 = arith.andi %and3A_197, %gt3A_199 : i1
      %convert_element_type3A_201 = arith.extui %and3A_200 : i1 to i32
      %cond3A_202 = arith.constant 0 : i32
      %cond3A_203 = arith.cmpi ne, %convert_element_type3A_201, %cond3A_202 : i32
      scf.if %cond3A_203 {
        %dma_wait3A_227 = arith.constant 0 : i32
        %dma_wait3A_228 = arith.constant 0 : i32
        %dma_wait3A_229 = tpu.memref_slice %arg5[%dma_wait3A_227, %dma_wait3A_228] : memref<100000x128xf32, #tpu.memory_space<hbm>> -> memref<128x128xf32, #tpu.memory_space<hbm>>
        %dma_wait3A_230 = arith.constant 0 : i32
        %dma_wait3A_231 = arith.constant 0 : i32
        %dma_wait3A_232 = tpu.memref_slice %arg5[%dma_wait3A_230, %dma_wait3A_231] : memref<100000x128xf32, #tpu.memory_space<hbm>> -> memref<128x128xf32, #tpu.memory_space<hbm>>
        tpu.wait_dma2 semaphore(%arg24 : memref<!tpu.dma_semaphore, #tpu.memory_space<semaphore_mem>>) src(%dma_wait3A_232 : memref<128x128xf32, #tpu.memory_space<hbm>>) dst(%arg16 : memref<128x128xf32, #tpu.memory_space<vmem>>)
      } else {
      }
      %convert_element_type3A_204 = arith.extui %and3A_197 : i1 to i32
      %cond3A_205 = arith.constant 0 : i32
      %cond3A_206 = arith.cmpi ne, %convert_element_type3A_204, %cond3A_205 : i32
      scf.if %cond3A_206 {
        %add3A_227 = arith.constant 2 : i32
        %add3A_228 = arith.addi %while3A_155, %add3A_227 : i32
        %mul3A_229 = arith.constant 128 : i32
        %mul3A_230 = arith.muli %add3A_228, %mul3A_229 : i32
        %dma_start3A_231 = tpu.memref_slice %arg11[%mul3A_230] : memref<6544xi32, #tpu.memory_space<vmem>> -> memref<128xi32, #tpu.memory_space<vmem>>
        %dma_start3A_232 = arith.constant 0 : i32
        %dma_start3A_233 = arith.constant 0 : i32
        %dma_start3A_234 = tpu.memref_slice %arg5[%dma_start3A_232, %dma_start3A_233] : memref<100000x128xf32, #tpu.memory_space<hbm>> -> memref<100000x128xf32, #tpu.memory_space<hbm>>
        tpu.enqueue_indirect_dma source(%dma_start3A_234 : memref<100000x128xf32, #tpu.memory_space<hbm>>) target(%arg16 : memref<128x128xf32, #tpu.memory_space<vmem>>) offsets(%dma_start3A_231 : memref<128xi32, #tpu.memory_space<vmem>>) semaphore(%arg20 : memref<!tpu.dma_semaphore, #tpu.memory_space<semaphore_mem>>)
      } else {
      }
      %eq3A_207 = arith.constant 0 : i32
      %eq3A_208 = arith.cmpi eq, %rem3A_157, %eq3A_207 : i32
      %convert_element_type3A_209 = arith.extui %eq3A_208 : i1 to i32
      %cond3A_210 = arith.constant 0 : i32
      %cond3A_211 = arith.cmpi ne, %convert_element_type3A_209, %cond3A_210 : i32
      scf.if %cond3A_211 {
        %dma_wait3A_227 = arith.constant 0 : i32
        %dma_wait3A_228 = arith.constant 0 : i32
        %dma_wait3A_229 = tpu.memref_slice %arg5[%dma_wait3A_227, %dma_wait3A_228] : memref<100000x128xf32, #tpu.memory_space<hbm>> -> memref<128x128xf32, #tpu.memory_space<hbm>>
        %dma_wait3A_230 = arith.constant 0 : i32
        %dma_wait3A_231 = arith.constant 0 : i32
        %dma_wait3A_232 = tpu.memref_slice %arg5[%dma_wait3A_230, %dma_wait3A_231] : memref<100000x128xf32, #tpu.memory_space<hbm>> -> memref<128x128xf32, #tpu.memory_space<hbm>>
        tpu.wait_dma2 semaphore(%arg17 : memref<!tpu.dma_semaphore, #tpu.memory_space<semaphore_mem>>) src(%dma_wait3A_232 : memref<128x128xf32, #tpu.memory_space<hbm>>) dst(%arg13 : memref<128x128xf32, #tpu.memory_space<vmem>>)
        %dma_start3A_233 = arith.constant 0 : i32
        %dma_start3A_234 = tpu.memref_slice %arg12[%while3A_155, %dma_start3A_233] : memref<51x128xi32, #tpu.memory_space<vmem>> -> memref<1x128xi32, #tpu.memory_space<vmem>>
        %dma_start3A_235 = tpu.memref_squeeze %dma_start3A_234 : memref<1x128xi32, #tpu.memory_space<vmem>> -> memref<128xi32, #tpu.memory_space<vmem>>
        %dma_start3A_236 = arith.constant 0 : i32
        %dma_start3A_237 = arith.constant 0 : i32
        %dma_start3A_238 = tpu.memref_slice %arg6[%dma_start3A_236, %dma_start3A_237] : memref<204800x128xf32, #tpu.memory_space<hbm>> -> memref<204800x128xf32, #tpu.memory_space<hbm>>
        tpu.enqueue_indirect_dma source(%arg13 : memref<128x128xf32, #tpu.memory_space<vmem>>) target(%dma_start3A_238 : memref<204800x128xf32, #tpu.memory_space<hbm>>) offsets(%dma_start3A_235 : memref<128xi32, #tpu.memory_space<vmem>>) semaphore(%arg21 : memref<!tpu.dma_semaphore, #tpu.memory_space<semaphore_mem>>)
      } else {
      }
      %eq3A_212 = arith.constant 1 : i32
      %eq3A_213 = arith.cmpi eq, %rem3A_157, %eq3A_212 : i32
      %convert_element_type3A_214 = arith.extui %eq3A_213 : i1 to i32
      %cond3A_215 = arith.constant 0 : i32
      %cond3A_216 = arith.cmpi ne, %convert_element_type3A_214, %cond3A_215 : i32
      scf.if %cond3A_216 {
        %dma_wait3A_227 = arith.constant 0 : i32
        %dma_wait3A_228 = arith.constant 0 : i32
        %dma_wait3A_229 = tpu.memref_slice %arg5[%dma_wait3A_227, %dma_wait3A_228] : memref<100000x128xf32, #tpu.memory_space<hbm>> -> memref<128x128xf32, #tpu.memory_space<hbm>>
        %dma_wait3A_230 = arith.constant 0 : i32
        %dma_wait3A_231 = arith.constant 0 : i32
        %dma_wait3A_232 = tpu.memref_slice %arg5[%dma_wait3A_230, %dma_wait3A_231] : memref<100000x128xf32, #tpu.memory_space<hbm>> -> memref<128x128xf32, #tpu.memory_space<hbm>>
        tpu.wait_dma2 semaphore(%arg18 : memref<!tpu.dma_semaphore, #tpu.memory_space<semaphore_mem>>) src(%dma_wait3A_232 : memref<128x128xf32, #tpu.memory_space<hbm>>) dst(%arg14 : memref<128x128xf32, #tpu.memory_space<vmem>>)
        %dma_start3A_233 = arith.constant 0 : i32
        %dma_start3A_234 = tpu.memref_slice %arg12[%while3A_155, %dma_start3A_233] : memref<51x128xi32, #tpu.memory_space<vmem>> -> memref<1x128xi32, #tpu.memory_space<vmem>>
        %dma_start3A_235 = tpu.memref_squeeze %dma_start3A_234 : memref<1x128xi32, #tpu.memory_space<vmem>> -> memref<128xi32, #tpu.memory_space<vmem>>
        %dma_start3A_236 = arith.constant 0 : i32
        %dma_start3A_237 = arith.constant 0 : i32
        %dma_start3A_238 = tpu.memref_slice %arg6[%dma_start3A_236, %dma_start3A_237] : memref<204800x128xf32, #tpu.memory_space<hbm>> -> memref<204800x128xf32, #tpu.memory_space<hbm>>
        tpu.enqueue_indirect_dma source(%arg14 : memref<128x128xf32, #tpu.memory_space<vmem>>) target(%dma_start3A_238 : memref<204800x128xf32, #tpu.memory_space<hbm>>) offsets(%dma_start3A_235 : memref<128xi32, #tpu.memory_space<vmem>>) semaphore(%arg22 : memref<!tpu.dma_semaphore, #tpu.memory_space<semaphore_mem>>)
      } else {
      }
      %eq3A_217 = arith.constant 2 : i32
      %eq3A_218 = arith.cmpi eq, %rem3A_157, %eq3A_217 : i32
      %convert_element_type3A_219 = arith.extui %eq3A_218 : i1 to i32
      %cond3A_220 = arith.constant 0 : i32
      %cond3A_221 = arith.cmpi ne, %convert_element_type3A_219, %cond3A_220 : i32
      scf.if %cond3A_221 {
        %dma_wait3A_227 = arith.constant 0 : i32
        %dma_wait3A_228 = arith.constant 0 : i32
        %dma_wait3A_229 = tpu.memref_slice %arg5[%dma_wait3A_227, %dma_wait3A_228] : memref<100000x128xf32, #tpu.memory_space<hbm>> -> memref<128x128xf32, #tpu.memory_space<hbm>>
        %dma_wait3A_230 = arith.constant 0 : i32
        %dma_wait3A_231 = arith.constant 0 : i32
        %dma_wait3A_232 = tpu.memref_slice %arg5[%dma_wait3A_230, %dma_wait3A_231] : memref<100000x128xf32, #tpu.memory_space<hbm>> -> memref<128x128xf32, #tpu.memory_space<hbm>>
        tpu.wait_dma2 semaphore(%arg19 : memref<!tpu.dma_semaphore, #tpu.memory_space<semaphore_mem>>) src(%dma_wait3A_232 : memref<128x128xf32, #tpu.memory_space<hbm>>) dst(%arg15 : memref<128x128xf32, #tpu.memory_space<vmem>>)
        %dma_start3A_233 = arith.constant 0 : i32
        %dma_start3A_234 = tpu.memref_slice %arg12[%while3A_155, %dma_start3A_233] : memref<51x128xi32, #tpu.memory_space<vmem>> -> memref<1x128xi32, #tpu.memory_space<vmem>>
        %dma_start3A_235 = tpu.memref_squeeze %dma_start3A_234 : memref<1x128xi32, #tpu.memory_space<vmem>> -> memref<128xi32, #tpu.memory_space<vmem>>
        %dma_start3A_236 = arith.constant 0 : i32
        %dma_start3A_237 = arith.constant 0 : i32
        %dma_start3A_238 = tpu.memref_slice %arg6[%dma_start3A_236, %dma_start3A_237] : memref<204800x128xf32, #tpu.memory_space<hbm>> -> memref<204800x128xf32, #tpu.memory_space<hbm>>
        tpu.enqueue_indirect_dma source(%arg15 : memref<128x128xf32, #tpu.memory_space<vmem>>) target(%dma_start3A_238 : memref<204800x128xf32, #tpu.memory_space<hbm>>) offsets(%dma_start3A_235 : memref<128xi32, #tpu.memory_space<vmem>>) semaphore(%arg23 : memref<!tpu.dma_semaphore, #tpu.memory_space<semaphore_mem>>)
      } else {
      }
      %eq3A_222 = arith.constant 3 : i32
      %eq3A_223 = arith.cmpi eq, %rem3A_157, %eq3A_222 : i32
      %convert_element_type3A_224 = arith.extui %eq3A_223 : i1 to i32
      %cond3A_225 = arith.constant 0 : i32
      %cond3A_226 = arith.cmpi ne, %convert_element_type3A_224, %cond3A_225 : i32
      scf.if %cond3A_226 {
        %dma_wait3A_227 = arith.constant 0 : i32
        %dma_wait3A_228 = arith.constant 0 : i32
        %dma_wait3A_229 = tpu.memref_slice %arg5[%dma_wait3A_227, %dma_wait3A_228] : memref<100000x128xf32, #tpu.memory_space<hbm>> -> memref<128x128xf32, #tpu.memory_space<hbm>>
        %dma_wait3A_230 = arith.constant 0 : i32
        %dma_wait3A_231 = arith.constant 0 : i32
        %dma_wait3A_232 = tpu.memref_slice %arg5[%dma_wait3A_230, %dma_wait3A_231] : memref<100000x128xf32, #tpu.memory_space<hbm>> -> memref<128x128xf32, #tpu.memory_space<hbm>>
        tpu.wait_dma2 semaphore(%arg20 : memref<!tpu.dma_semaphore, #tpu.memory_space<semaphore_mem>>) src(%dma_wait3A_232 : memref<128x128xf32, #tpu.memory_space<hbm>>) dst(%arg16 : memref<128x128xf32, #tpu.memory_space<vmem>>)
        %dma_start3A_233 = arith.constant 0 : i32
        %dma_start3A_234 = tpu.memref_slice %arg12[%while3A_155, %dma_start3A_233] : memref<51x128xi32, #tpu.memory_space<vmem>> -> memref<1x128xi32, #tpu.memory_space<vmem>>
        %dma_start3A_235 = tpu.memref_squeeze %dma_start3A_234 : memref<1x128xi32, #tpu.memory_space<vmem>> -> memref<128xi32, #tpu.memory_space<vmem>>
        %dma_start3A_236 = arith.constant 0 : i32
        %dma_start3A_237 = arith.constant 0 : i32
        %dma_start3A_238 = tpu.memref_slice %arg6[%dma_start3A_236, %dma_start3A_237] : memref<204800x128xf32, #tpu.memory_space<hbm>> -> memref<204800x128xf32, #tpu.memory_space<hbm>>
        tpu.enqueue_indirect_dma source(%arg16 : memref<128x128xf32, #tpu.memory_space<vmem>>) target(%dma_start3A_238 : memref<204800x128xf32, #tpu.memory_space<hbm>>) offsets(%dma_start3A_235 : memref<128xi32, #tpu.memory_space<vmem>>) semaphore(%arg24 : memref<!tpu.dma_semaphore, #tpu.memory_space<semaphore_mem>>)
      } else {
      }
    }
    %gt3A_135 = arith.constant 0 : i32
    %gt3A_136 = arith.cmpi sgt, %select_n3A_114, %gt3A_135 : i32
    %convert_element_type3A_137 = arith.extui %gt3A_136 : i1 to i32
    %cond3A_138 = arith.constant 0 : i32
    %cond3A_139 = arith.cmpi ne, %convert_element_type3A_137, %cond3A_138 : i32
    scf.if %cond3A_139 {
      %dma_wait3A_155 = arith.constant 0 : i32
      %dma_wait3A_156 = arith.constant 0 : i32
      %dma_wait3A_157 = tpu.memref_slice %arg5[%dma_wait3A_155, %dma_wait3A_156] : memref<100000x128xf32, #tpu.memory_space<hbm>> -> memref<128x128xf32, #tpu.memory_space<hbm>>
      %dma_wait3A_158 = arith.constant 0 : i32
      %dma_wait3A_159 = arith.constant 0 : i32
      %dma_wait3A_160 = tpu.memref_slice %arg5[%dma_wait3A_158, %dma_wait3A_159] : memref<100000x128xf32, #tpu.memory_space<hbm>> -> memref<128x128xf32, #tpu.memory_space<hbm>>
      tpu.wait_dma2 semaphore(%arg21 : memref<!tpu.dma_semaphore, #tpu.memory_space<semaphore_mem>>) src(%dma_wait3A_160 : memref<128x128xf32, #tpu.memory_space<hbm>>) dst(%arg13 : memref<128x128xf32, #tpu.memory_space<vmem>>)
    } else {
    }
    %gt3A_140 = arith.constant 1 : i32
    %gt3A_141 = arith.cmpi sgt, %select_n3A_114, %gt3A_140 : i32
    %convert_element_type3A_142 = arith.extui %gt3A_141 : i1 to i32
    %cond3A_143 = arith.constant 0 : i32
    %cond3A_144 = arith.cmpi ne, %convert_element_type3A_142, %cond3A_143 : i32
    scf.if %cond3A_144 {
      %dma_wait3A_155 = arith.constant 0 : i32
      %dma_wait3A_156 = arith.constant 0 : i32
      %dma_wait3A_157 = tpu.memref_slice %arg5[%dma_wait3A_155, %dma_wait3A_156] : memref<100000x128xf32, #tpu.memory_space<hbm>> -> memref<128x128xf32, #tpu.memory_space<hbm>>
      %dma_wait3A_158 = arith.constant 0 : i32
      %dma_wait3A_159 = arith.constant 0 : i32
      %dma_wait3A_160 = tpu.memref_slice %arg5[%dma_wait3A_158, %dma_wait3A_159] : memref<100000x128xf32, #tpu.memory_space<hbm>> -> memref<128x128xf32, #tpu.memory_space<hbm>>
      tpu.wait_dma2 semaphore(%arg22 : memref<!tpu.dma_semaphore, #tpu.memory_space<semaphore_mem>>) src(%dma_wait3A_160 : memref<128x128xf32, #tpu.memory_space<hbm>>) dst(%arg14 : memref<128x128xf32, #tpu.memory_space<vmem>>)
    } else {
    }
    %gt3A_145 = arith.constant 2 : i32
    %gt3A_146 = arith.cmpi sgt, %select_n3A_114, %gt3A_145 : i32
    %convert_element_type3A_147 = arith.extui %gt3A_146 : i1 to i32
    %cond3A_148 = arith.constant 0 : i32
    %cond3A_149 = arith.cmpi ne, %convert_element_type3A_147, %cond3A_148 : i32
    scf.if %cond3A_149 {
      %dma_wait3A_155 = arith.constant 0 : i32
      %dma_wait3A_156 = arith.constant 0 : i32
      %dma_wait3A_157 = tpu.memref_slice %arg5[%dma_wait3A_155, %dma_wait3A_156] : memref<100000x128xf32, #tpu.memory_space<hbm>> -> memref<128x128xf32, #tpu.memory_space<hbm>>
      %dma_wait3A_158 = arith.constant 0 : i32
      %dma_wait3A_159 = arith.constant 0 : i32
      %dma_wait3A_160 = tpu.memref_slice %arg5[%dma_wait3A_158, %dma_wait3A_159] : memref<100000x128xf32, #tpu.memory_space<hbm>> -> memref<128x128xf32, #tpu.memory_space<hbm>>
      tpu.wait_dma2 semaphore(%arg23 : memref<!tpu.dma_semaphore, #tpu.memory_space<semaphore_mem>>) src(%dma_wait3A_160 : memref<128x128xf32, #tpu.memory_space<hbm>>) dst(%arg15 : memref<128x128xf32, #tpu.memory_space<vmem>>)
    } else {
    }
    %gt3A_150 = arith.constant 3 : i32
    %gt3A_151 = arith.cmpi sgt, %select_n3A_114, %gt3A_150 : i32
    %convert_element_type3A_152 = arith.extui %gt3A_151 : i1 to i32
    %cond3A_153 = arith.constant 0 : i32
    %cond3A_154 = arith.cmpi ne, %convert_element_type3A_152, %cond3A_153 : i32
    scf.if %cond3A_154 {
      %dma_wait3A_155 = arith.constant 0 : i32
      %dma_wait3A_156 = arith.constant 0 : i32
      %dma_wait3A_157 = tpu.memref_slice %arg5[%dma_wait3A_155, %dma_wait3A_156] : memref<100000x128xf32, #tpu.memory_space<hbm>> -> memref<128x128xf32, #tpu.memory_space<hbm>>
      %dma_wait3A_158 = arith.constant 0 : i32
      %dma_wait3A_159 = arith.constant 0 : i32
      %dma_wait3A_160 = tpu.memref_slice %arg5[%dma_wait3A_158, %dma_wait3A_159] : memref<100000x128xf32, #tpu.memory_space<hbm>> -> memref<128x128xf32, #tpu.memory_space<hbm>>
      tpu.wait_dma2 semaphore(%arg24 : memref<!tpu.dma_semaphore, #tpu.memory_space<semaphore_mem>>) src(%dma_wait3A_160 : memref<128x128xf32, #tpu.memory_space<hbm>>) dst(%arg16 : memref<128x128xf32, #tpu.memory_space<vmem>>)
    } else {
    }
    return
  }
}

</mosaic_0001>

<sc_bundles>
// kernel: _embed.3.cloned.1.call-start
scs
__scs_entry_jumppad:
0x0: {  	(pc) =	sbr.rel $0x88, $3  }
0x1: {  	(tag) =	ssettag $0x0;
	lr =	simm.s32 $0x1  }
0x2: {  	[smem:$0x3F9D] =	sst lr;
	_ =	strace $0xD0000000  }
0x3: {  	_ = 	snop  }
0x4: {  	_ = 	snop  }
0x5: {  	_ = 	snop  }
0x6: {  	_ = 	snop  }
0x7: {  	_ = 	snop  }
__scs_overlays_trampoline_lowered:
0x8: {  	[smem:$0x3FAC] =	sst s0  }
0x9: {  	[smem:$0x3FAD] =	sst s1  }
0xa: {  	[smem:$0x3FAE] =	sst s2  }
0xb: {  	[smem:$0x3FAF] =	sst s3  }
0xc: {  	[smem:$0x3FB0] =	sst s4  }
0xd: {  	[smem:$0x3FB1] =	sst s5  }
0xe: {  	[smem:$0x3FB2] =	sst s6  }
0xf: {  	[smem:$0x3FB3] =	sst s7  }
0x10: {  	[smem:$0x3FB4] =	sst s8  }
0x11: {  	[smem:$0x3FB5] =	sst s9;
	s0 =	simm.s32 @!p0 $0x0  }
0x12: {  	s1 =	sld [smem:$0x3F9B];
	s0 =	simm.s32 @p0 $0x1  }
0x13: {  	[smem:$0x3FB6] =	sst s0;
	s0 =	simm.s32 @!p1 $0x0  }
0x14: {  	s2 =	sld [smem:$0x3F9A];
	s0 =	simm.s32 @p1 $0x1  }
0x15: {  	[smem:$0x3FB7] =	sst s0;
	s0 =	simm.s32 @!p2 $0x0  }
0x16: {  	s3 =	sld [smem:$0x3FDB];
	s0 =	simm.s32 @p2 $0x1  }
0x17: {  	s4 =	simm.s32 $0x1BF5;
	[smem:$0x3FB9] =	sst s0  }
0x18: {  	s0 =	sld [smem:$0x3F9C];
	_ =	swait.ge [sflag:s4], $0x0  }
0x19: {  	s7 =	sld [smem:$0x3F9D]  }
0x1a: {  	s8 =	sadd.s32 $0xFFFFE003, lr  }
0x1b: {  	s9 =	sadd.s32 $0xFFFFFEF7, lr;
	s5 =	simm.s32 $0xFFFFFFFF;
	p2 =	slt.u32 s8, $0xFFFFF086  }
0x1c: {  	p1 =	slt.u32 s9, $0xF7A;
	s5 =	simm.s32 @!p2 $0x0  }
0x1d: {  	s5 =	simm.s32 @p1 $0x1;
	p0 =	seq.s32 s7, s2  }
0x1e: {  	s7 =	smul.u32 @!p0 $0xF7A, s2;
	p2 =	seq.s32 @!p0 s5, $0x0  }
0x1f: {  	s9 =	smul.u32 $0xF7A, s1;
	s8 =	simm.s32 @!p0 $0x1BF5;
	p2 =	por !p2, p0  }
0x20: {  	[sflag:s8] =	ssyncset.s32 @!p0 $0xFFFFF086;
	s6 =	sadd.s32 @!p0 s3, s7;
	s7 =	simm.s32 @!p0 $0x108  }
0x21: {  	s3 =	sadd.s32 s3, s9;
	s6 =	sadd.s32 @!p0 $0x88, s6;
	s7 =	simm.s32 @p2 $0x1082  }
0x22: {  	[simem:s7], [sflag:s8] =	dma.local @!p0 [hbm:s6], $0xF7A  }
0x23: {  	s9 =	sor.u32 $0xD0000000, s2;
	s6 =	simm.s32 $0x108;
	_ =	swait.ge @!p0 [sflag:s8], $0x0  }
0x24: {  	s3 =	sadd.s32 $0x88, s3;
	s6 =	simm.s32 @!p1 $0x1082;
	[sflag:s4] =	ssyncset.s32 $0xFFFFF086  }
0x25: {  	[simem:s6], [sflag:s4] =	dma.local [hbm:s3], $0xF7A  }
0x26: {  	[smem:$0x3F9D] =	sst s1;
	(tag) =	ssettag s2;
	_ =	strace s9  }
0x27: {  	s1 =	sld [smem:$0x3FAD]  }
0x28: {  	s2 =	sld [smem:$0x3FAE]  }
0x29: {  	s4 =	sld [smem:$0x3FB0]  }
0x2a: {  	p0 =	seq.s32 s5, $0x0;
	s5 =	sld [smem:$0x3FB1]  }
0x2b: {  	s6 =	sld [smem:$0x3FB2]  }
0x2c: {  	s7 =	sld [smem:$0x3FB3]  }
0x2d: {  	s3 =	simm.s32 $0x108;
	s8 =	sld [smem:$0x3FB4]  }
0x2e: {  	s3 =	simm.s32 @!p0 $0x1082;
	s9 =	sld [smem:$0x3FB5]  }
0x2f: {  	lr =	sadd.s32 s0, s3;
	s0 =	sld [smem:$0x3FAC]  }
0x30: {  	s3 =	sld [smem:$0x3FAF]  }
0x31: {  	[smem:$0x3FB8] =	sst s10  }
0x32: {  	s10 =	sld [smem:$0x3FB6];
	_ =	sdelay $0x3  }
0x33: {  	p0 =	seq.s32 s10, $0x1;
	s10 =	sld [smem:$0x3FB8];
	_ =	sdelay $0x3  }
0x34: {  	[smem:$0x3FB8] =	sst s10  }
0x35: {  	s10 =	sld [smem:$0x3FB7];
	_ =	sdelay $0x3  }
0x36: {  	p1 =	seq.s32 s10, $0x1;
	s10 =	sld [smem:$0x3FB8];
	_ =	sdelay $0x3  }
0x37: {  	[smem:$0x3FB8] =	sst s10  }
0x38: {  	s10 =	sld [smem:$0x3FB9]  }
0x39: {  	_ = 	snop;
	(pc) =	sbr.ind lr, $3  }
0x3a: {  	_ = 	snop  }
0x3b: {  	_ = 	snop  }
0x3c: {  	p2 =	seq.s32 s10, $0x1;
	s10 =	sld [smem:$0x3FB8]  }
0x3d: {  	_ =	shalt  }
0x3e: {  	_ =	shalt  }
0x3f: {  	_ =	shalt  }
0x40: {  	_ =	shalt  }
0x41: {  	_ =	shalt  }
0x42: {  	_ =	shalt  }
0x43: {  	_ =	shalt  }
0x44: {  	_ =	shalt  }
0x45: {  	_ =	shalt  }
0x46: {  	_ =	shalt  }
0x47: {  	_ =	shalt  }
0x48: {  	_ =	shalt  }
0x49: {  	_ =	shalt  }
0x4a: {  	_ =	shalt  }
0x4b: {  	_ =	shalt  }
0x4c: {  	_ =	shalt  }
0x4d: {  	_ =	shalt  }
0x4e: {  	_ =	shalt  }
0x4f: {  	_ =	shalt  }
0x50: {  	_ =	shalt  }
0x51: {  	_ =	shalt  }
0x52: {  	_ =	shalt  }
0x53: {  	_ =	shalt  }
0x54: {  	_ =	shalt  }
0x55: {  	_ =	shalt  }
0x56: {  	_ =	shalt  }
0x57: {  	_ =	shalt  }
0x58: {  	_ =	shalt  }
0x59: {  	_ =	shalt  }
0x5a: {  	_ =	shalt  }
0x5b: {  	_ =	shalt  }
0x5c: {  	_ =	shalt  }
0x5d: {  	_ =	shalt  }
0x5e: {  	_ =	shalt  }
0x5f: {  	_ =	shalt  }
0x60: {  	_ =	shalt  }
0x61: {  	_ =	shalt  }
0x62: {  	_ =	shalt  }
0x63: {  	_ =	shalt  }
0x64: {  	_ =	shalt  }
0x65: {  	_ =	shalt  }
0x66: {  	_ =	shalt  }
0x67: {  	_ =	shalt  }
0x68: {  	_ =	shalt  }
0x69: {  	_ =	shalt  }
0x6a: {  	_ =	shalt  }
0x6b: {  	_ =	shalt  }
0x6c: {  	_ =	shalt  }
0x6d: {  	_ =	shalt  }
0x6e: {  	_ =	shalt  }
0x6f: {  	_ =	shalt  }
0x70: {  	_ =	shalt  }
0x71: {  	_ =	shalt  }
0x72: {  	_ =	shalt  }
0x73: {  	_ =	shalt  }
0x74: {  	_ =	shalt  }
0x75: {  	_ =	shalt  }
0x76: {  	_ =	shalt  }
0x77: {  	_ =	shalt  }
0x78: {  	_ =	shalt  }
0x79: {  	_ =	shalt  }
0x7a: {  	_ =	shalt  }
0x7b: {  	_ =	shalt  }
0x7c: {  	_ =	shalt  }
0x7d: {  	_ =	shalt  }
0x7e: {  	_ =	shalt  }
0x7f: {  	_ =	shalt  }
0x80: {  	_ =	shalt  }
0x81: {  	_ =	shalt  }
0x82: {  	_ =	shalt  }
0x83: {  	_ =	shalt  }
0x84: {  	_ =	shalt  }
0x85: {  	_ =	shalt  }
0x86: {  	_ =	shalt  }
0x87: {  	_ =	shalt  }
.Lfunc_end0:
.L_simem_size_0:
called_computation_lowered:
.L_overlay_start_0:
0x88: {  	s2 =	sld [smem:$0x3FD9]  }
0x89: {  	s3 =	sld [smem:$0x3FFE];
	_ =	sdelay $0x1  }
0x8a: {  	s1 =	srdreg.scid  }
0x8b: {  	s0 =	sand.u32 $0x1, s1  }
0x8c: {  	s18 =	sshll.u32 s0, $0xA;
	s2 =	sadd.s32 s3, s2  }
0x8d: {  	s2 =	sadd.s32 s2, s18  }
0x8e: {  	[smem:$0x3FC4] =	sst s2  }
0x8f: {  	_ = 	snop  }
0x90: {  	s2 =	sld [smem:$0x3FC9]  }
0x91: {  	s19 =	sld [smem:$0x3FC8]  }
0x92: {  	s4 =	sld [smem:$0x3FC7]  }
0x93: {  	s5 =	sld [smem:$0x3FC6]  }
0x94: {  	s6 =	sld [smem:$0x3FD0];
	(tm) =	ssettm $0x1  }
0x95: {  	s7 =	sld [smem:$0x3FFB];
	_ =	sdelay $0x3  }
0x96: {  	_ =	strace s7  }
0x97: {  	s7 =	sld [smem:$0x3FFC];
	_ =	sdelay $0x3  }
0x98: {  	_ =	strace s7  }
0x99: {  	s7 =	sld [smem:$0x3FFD];
	_ =	sdelay $0x3  }
0x9a: {  	_ =	strace s7  }
0x9b: {  	_ =	strace $0x8FFFFFFF  }
0x9c: {  	s20 =	sld [smem:$0x3FDB];
	_ =	sdelay $0x1  }
0x9d: {  	s8 =	simm.s32 $_scs_section_size  }
0x9e: {  	s9 =	simm.s32 $_size__tile_overlayer_lowered;
	s10 =	simm.s32 $_tile_overlayer_lowered  }
0x9f: {  	s23 =	simm.s32 $0x1BFF;
	s22 =	sshll.u32 s10, $0x1;
	s7 =	sadd.s32 s8, s20  }
0xa0: {  	s11 =	simm.s32 $0x0;
	s21 =	sshll.u32 s9, $0x1;
	s9 =	sadd.s32 s22, s7  }
0xa1: {  	[timem:s11], [sflag:s23] =	dma.local [hbm:s9], s21  }
0xa2: {  	_ =	swait.ge [sflag:s23], s21  }
0xa3: {  	s8 =	ssub.s32 $0x0, s21;
	[sflag:s23] =	ssyncset.done $0x0  }
0xa4: {  	[sflag:s23] =	ssyncadd.s32 s8;
	_ =	sdelay $0x1  }
0xa5: {  	s24 =	simm.s32 $0x1B8B  }
0xa6: {  	_ =	swait.ge [sflag:s24], $0x1  }
0xa7: {  	[sflag:s24] =	ssyncset.done $0x0  }
0xa8: {  	s25 =	simm.s32 $0x1B8E;
	[sflag:s24] =	ssyncadd.s32 $0xFFFFFFFF  }
0xa9: {  	s26 =	simm.s32 $execute0_lowered;
	[smem:$0x3FD2] =	sst s25  }
0xaa: {  	s8 =	sshll.u32 s26, $0x1;
	_ =	strace $0x80000046;
	[dreg:$0x1] =	wrdreg $0xFFFFFFFF  }
0xab: {  	s28 =	simm.s32 $_size_execute0_lowered;
	s7 =	sadd.s32 s7, s8;
	[dreg:$0x0] =	wrdreg $0x0  }
0xac: {  	s8 =	sshll.u32 s28, $0x1;
	[dreg:$0x2] =	wrdreg s7  }
0xad: {  	[dreg:$0x3] =	wrdreg s8  }
0xae: {  	[dreg:$0x4] =	wrdreg $0xC0  }
0xaf: {  	_ =	task [dreg:s11], $0x5FFFF  }
0xb0: {  	[dreg:$0x1] =	wrdreg $0xFFFFFFFF  }
0xb1: {  	[dreg:$0x0] =	wrdreg $0x60  }
0xb2: {  	[dreg:$0x2] =	wrdreg s2  }
0xb3: {  	[dreg:$0x3] =	wrdreg s19  }
0xb4: {  	[dreg:$0x4] =	wrdreg s4  }
0xb5: {  	[dreg:$0x5] =	wrdreg s5  }
0xb6: {  	[dreg:$0x6] =	wrdreg s6  }
0xb7: {  	[dreg:$0x7] =	wrdreg $0x9  }
0xb8: {  	_ =	task.clear_ibuf [dreg:s11], $0x8FFFF;
	_ =	strace $0x90000046  }
0xb9: {  	s29 =	simm.s32 $0x9;
	_ =	strace $0x80000048  }
0xba: {  	_ =	swait.ge [sflag:s29], $0x1  }
0xbb: {  	[sflag:s29] =	ssyncadd.s32 $0xFFFFFFFF  }
0xbc: {  	_ =	strace $0x90000048  }
0xbd: {  	_ =	sfence  }
0xbe: {  	s30 =	sld [smem:$0x0];
	_ =	sdelay $0x2  }
0xbf: {  	s31 =	sshll.u32 s1, $0xD;
	s1 =	sshrl.u32 s1, $0x2  }
0xc0: {  	s3 =	sand.u32 $0x4000, s31;
	s1 =	sadd.s32 s1, s30  }
0xc1: {  	s0 =	sor.u32 s3, s0;
	s1 =	sshll.u32 s1, $0x11  }
0xc2: {  	s0 =	sor.u32 s1, s0  }
0xc3: {  	s0 =	sadd.s32 $0x8F2B, s0  }
0xc4: {  	[sflag:s0] =	ssyncadd.remote.s32 $0x1  }
0xc5: {  	_ =	sfence.sel $0xFFFF  }
0xc6: {  	[dreg:$0x0] =	wrdreg $0xFFFFFFFF;
	(pc) =	sbr.abs _section_cstart, $3  }
0xc7: {  	[dreg:$0x1] =	wrdreg $0xFFFFFFFF  }
0xc8: {  	_ =	task.clear_ibuf [dreg:s11], $0x2FFFF;
	_ =	strace $0x9FFFFFFF  }
0xc9: {  	(tm) =	ssettm $0x7FFFFFFF  }
tec
execute0_lowered:
.L_overlay_start_1:
0x0: {  	(tag) =	ssettag $0x1  }
0x1: {  	s0 =	rddreg [dreg:$0x0]  }
0x2: {  	s2 =	rddreg [dreg:$0x1]  }
0x3: {  	s1 =	rddreg [dreg:$0x2]  }
0x4: {  	s3 =	rddreg [dreg:$0x3];
	s5 =	srdreg.scid  }
0x5: {  	s8 =	stileid.u32;
	s4 =	rddreg [dreg:$0x4];
	s7 =	simm.s32 $0x0  }
0x6: {  	s11 =	simm.s32 $0x1;
	s12 =	simm.s32 $0x2;
	s13 =	simm.s32 $0x3200  }
0x7: {  	s14 =	simm.s32 $0x4C00;
	s15 =	simm.s32 $0x6800;
	s16 =	simm.s32 $0x8200  }
0x8: {  	s17 =	simm.s32 $0x80;
	s18 =	simm.s32 $0x9E00;
	s19 =	simm.s32 $0x3  }
0x9: {  	s20 =	simm.s32 $0x11E00;
	s21 =	simm.s32 $0x5;
	s22 =	simm.s32 $0x6  }
0xa: {  	s23 =	simm.s32 $0xDE00;
	s5 =	sand.u32 $0x1, s5;
	s6 =	sshll.u32 s8, $0x1  }
0xb: {  	s24 =	simm.s32 $0x4;
	s9 =	smul.u32 $0x3200, s8;
	s6 =	sor.u32 s5, s6  }
0xc: {  	s25 =	simm.s32 $0x15E00;
	s26 =	simm.s32 $0x7;
	s6 =	smul.u32 $0x1900, s6  }
.Ltmp0:
0xd: {  	s28 =	simm.s32 $0x8;
	s29 =	simm.s32 $0x0;
	(pc) =	sbr.rel .LBB2_1-.Ltmp0, $4  }
0xe: {  	[smem:$0x7FF] =	sst s7;
	s30 =	ssub.s32 $0x2, s5;
	s5 =	smul.u32 $0x1900, s5  }
0xf: {  	_ =	strace $0x80000047;
	s31 =	sshrl.u32 s30, $0x1;
	s10 =	sshrl.u32 s6, $0x3  }
0x10: {  	v0 =	vlaneseq.u32;
	s8 =	ssub.s32 s30, s31;
	s9 =	sadd.s32 s5, s9;
	s0 =	sadd.s32 s0, s10  }
0x11: {  	v2 =	vimm.s32 $0x0;
	v1 =	vadd.s32 $0x1, v0;
	s8 =	smax.u32 s8, $0x1;
	s7 =	sadd.s32 s2, s10;
	[dreg:$0x6] =	wrdreg s0  }
.LBB2_64:
0x12: {  	_ =	swait.ge [sflag:s21], $0x4000  }
0x13: {  	s0 =	sld [smem:$0x7FC];
	_ =	sdelay $0x2  }
0x14: {  	[sflag:s21] =	ssyncset.done $0x0;
	p1 =	seq.s32 s0, $0x1  }
0x15: {  	[sflag:s21] =	ssyncadd.s32 $0xFFFFC000;
	s0 =	simm.s32 @!p1 $0x6  }
0x16: {  	_ =	swait.ge @!p1 [sflag:s0], $0x4000  }
0x17: {  	p0 =	slt.s32 s30, $0x3;
	[sflag:s0] =	ssyncset.done @!p1 $0x0  }
0x18: {  	[sflag:s0] =	ssyncadd.s32 @!p1 $0xFFFFC000;
	s0 =	simm.s32 @!p0 $0x7  }
0x19: {  	p1 =	seq.s32 @!p0 s30, $0x3;
	_ =	swait.ge @!p0 [sflag:s0], $0x4000  }
0x1a: {  	p1 =	por p1, p0;
	[sflag:s0] =	ssyncset.done @!p0 $0x0  }
0x1b: {  	[sflag:s0] =	ssyncadd.s32 @!p0 $0xFFFFC000;
	s0 =	simm.s32 @!p1 $0x8  }
0x1c: {  	_ =	swait.ge @!p1 [sflag:s0], $0x4000  }
0x1d: {  	[sflag:s0] =	ssyncset.done @!p1 $0x0  }
0x1e: {  	[sflag:s0] =	ssyncadd.s32 @!p1 $0xFFFFC000  }
.LBB2_65:
0x1f: {  	s29 =	sadd.s32 $0x1, s29  }
0x20: {  	p0 =	sne.s32 s29, s8  }
.Ltmp1:
0x21: {  	_ = 	snop;
	(pc) =	sbr.rel @!p0 .LBB2_66-.Ltmp1, $1  }
0x22: {  	_ =	sdelay $0x3  }
.LBB2_1:
0x23: {  	s0 =	simm.s32 $0x0;
	s2 =	rddreg [dreg:$0x6]  }
0x24: {  	[tilespmem:s0], [sflag:$0x1] =	stream.linear.gather [hbm4b:s2+s0], $0x1900, $0x38;
	[tilespmem:$0x19E00] =	vst v63  }
0x25: {  	s30 =	simm.s32 $0x1900  }
0x26: {  	[tilespmem:s30], [sflag:$0x2] =	stream.linear.gather [hbm4b:s7+s0], $0x1900, $0x38;
	[tilespmem:$0x19E00] =	vst v63  }
0x27: {  	_ =	swait.ge [sflag:s11], $0x1900  }
0x28: {  	[sflag:s11] =	ssyncset.done $0x0  }
0x29: {  	[sflag:s11] =	ssyncadd.s32 $0xFFFFE700  }
0x2a: {  	_ =	swait.ge [sflag:s12], $0x1900  }
0x2b: {  	[sflag:s12] =	ssyncset.done $0x0  }
0x2c: {  	s31 =	simm.s32 $0x0;
	[sflag:s12] =	ssyncadd.s32 $0xFFFFE700  }
0x2d: {  	v3 =	vld [tilespmem:s31+$0x0]  }
0x2e: {  	v4 =	vld [tilespmem:s31+$0x1900];
	_ =	sdelay $0x3  }
0x2f: {  	v7 =	vadd.s32 v0, v2;
	v5 =	vxor.u32 $0x80000000, v3  }
0x30: {  	(xrf1) =	vsort.ascd.msk.u32 $0xffff, v5, v4;
	v4 =	vshra.s32 v7, $0x1F  }
0x31: {  	v6 =	vor.u32 s9, v0;
	v4 =	vshrl.u32 v4, $0x19  }
0x32: {  	vm0 =	veq.s32 v3, $0x0;
	(xrf1) =	vsort.ascd.msk.u32 $0xffff, v5, v6;
	v4 =	vadd.s32 v4, v7  }
0x33: {  	v3 =	vshra.s32 v4, $0x7;
	v4 =	vmpcnt.ones.xlane vm0;
	_ =	sdelay $0x1  }
0x34: {  	v6 =	vand.u32 $0x7F, v7;
	v5 =	vshll.u32 v3, $0x7;
	v8 =	vsub.s32 v7, v4  }
0x35: {  	vm0 =	vlt.s32 v7, $0x1;
	vm1 =	vne.s32 v7, v5;
	v5 =	vshra.s32 v8, $0x1F  }
0x36: {  	vm2 =	vne.s32 v7, v4;
	vm0 =	vmand vm0, vm1;
	v11 =	vshrl.u32 v5, $0x19  }
0x37: {  	v9 =	vsel vm2, $0x1, v2;
	vm1 =	vgt.s32 v4, v0;
	v60 =	vadd.s32 v11, v8  }
0x38: {  	v10 =	vsel vm0, $0xFFFFFFFF, v2;
	v5 =	vor.u32 v9, v5;
	v61 =	vand.u32 $0xFFFFFF80, v60  }
0x39: {  	v3 =	vadd.s32 v10, v3;
	vm2 =	vne.s32 v5, $0x1;
	vm3 =	vne.s32 v8, v61  }
0x3a: {  	vm0 =	vlt.s32 v4, v1;
	v3 =	vshll.u32 v3, $0x7;
	vm2 =	vmand vm3, vm2  }
0x3b: {  	v5 =	vshrl.u32 v60, $0x7;
	v3 =	vor.u32 v6, v3;
	v6 =	vsel vm2, $0xFFFFFFFF, v2  }
0x3c: {  	v6 =	vadd.s32 v6, v5  }
0x3d: {  	v63 =	vand.u32 $0x7F, v8;
	v6 =	vshll.u32 v6, $0x7  }
0x3e: {  	_, v62, _ =	vpop (xrf1);
	v6 =	vor.u32 v63, v6  }
0x3f: {  	[tilespmem:v7+s13+$0x0] =	vst.idx.msk vm1, v62;
	_, v5, _ =	vpop (xrf1)  }
0x40: {  	v7 =	vsub.s32 v2, v4;
	[tilespmem:v3+s14+$0x0] =	vst.idx.msk vm1, v5  }
0x41: {  	s10 =	simm.s32 $0x80;
	s2 =	simm.s32 $0x40;
	s0 =	smov.u32 s9;
	v4 =	vadd.s32 v2, v4;
	v3 =	vadd.s32 $0x10, v7;
	[tilespmem:v8+s15+$0x0] =	vst.idx.msk vm0, v62  }
.LBB2_2:
0x42: {  	s30 =	sshra.s32 s2, $0x2  }
0x43: {  	[tilespmem:v6+s16+$0x0] =	vst.idx.msk vm0, v5;
	s0 =	sadd.s32 $0x10, s0;
	s2 =	smov.u32 s10;
	s5 =	sadd.s32 $0x40, s10  }
0x44: {  	p0 =	sne.s32 s10, $0x63C0;
	v5 =	vld [tilespmem:s30+$0x0]  }
0x45: {  	v6 =	vld [tilespmem:s30+$0x1900];
	_ =	sdelay $0x3  }
0x46: {  	vm0 =	veq.s32 v5, $0x0;
	v5 =	vxor.u32 $0x80000000, v5  }
0x47: {  	v9 =	vadd.s32 v0, v4;
	v7 =	vor.u32 s0, v0;
	v8 =	vmpcnt.ones.xlane vm0;
	(xrf1) =	vsort.ascd.msk.u32 $0xffff, v5, v6  }
0x48: {  	v10 =	vshra.s32 v9, $0x1F;
	v11 =	vand.u32 $0x7F, v9;
	v6 =	vadd.s32 v0, v3;
	(xrf1) =	vsort.ascd.msk.u32 $0xffff, v5, v7  }
0x49: {  	v5 =	vshrl.u32 v10, $0x19;
	vm0 =	vne.s32 v6, v8;
	v3 =	vsub.s32 v3, v8  }
0x4a: {  	v7 =	vsub.s32 v6, v8;
	v5 =	vadd.s32 v5, v9;
	v3 =	vadd.s32 $0x10, v3  }
0x4b: {  	v5 =	vshra.s32 v5, $0x7;
	v6 =	vshra.s32 v7, $0x1F;
	v10 =	vsel vm0, $0x1, v2  }
0x4c: {  	v12 =	vshll.u32 v5, $0x7;
	v13 =	vshrl.u32 v6, $0x19;
	v6 =	vor.u32 v10, v6  }
0x4d: {  	vm0 =	vlt.s32 v9, $0x1;
	vm1 =	vne.s32 v9, v12;
	v10 =	vadd.s32 v13, v7  }
0x4e: {  	v4 =	vadd.s32 v4, v8;
	vm0 =	vmand vm0, vm1;
	v12 =	vand.u32 $0xFFFFFF80, v10  }
0x4f: {  	v13 =	vsel vm0, $0xFFFFFFFF, v2;
	vm0 =	vne.s32 v6, $0x1;
	vm1 =	vne.s32 v7, v12  }
0x50: {  	vm2 =	vgt.s32 v8, v0;
	v5 =	vadd.s32 v13, v5;
	vm0 =	vmand vm1, vm0  }
0x51: {  	v6 =	vshrl.u32 v10, $0x7;
	v5 =	vshll.u32 v5, $0x7;
	v10 =	vsel vm0, $0xFFFFFFFF, v2  }
0x52: {  	vm0 =	vlt.s32 v8, v1;
	v8 =	vor.u32 v11, v5;
	v5 =	vadd.s32 v10, v6  }
0x53: {  	v6 =	vand.u32 $0x7F, v7;
	v11 =	vshll.u32 v5, $0x7  }
.Ltmp2:
0x54: {  	v6 =	vor.u32 v6, v11;
	(pc) =	sbr.rel @p0 .LBB2_2-.Ltmp2, $4  }
0x55: {  	_, v10, _ =	vpop (xrf1)  }
0x56: {  	[tilespmem:v9+s13+$0x0] =	vst.idx.msk vm2, v10;
	_, v5, _ =	vpop (xrf1)  }
0x57: {  	[tilespmem:v8+s14+$0x0] =	vst.idx.msk vm2, v5  }
0x58: {  	s10 =	smov.u32 s5;
	[tilespmem:v7+s15+$0x0] =	vst.idx.msk vm0, v10  }
0x59: {  	_ =	sdelay $0x4  }
0x5a: {  	s2 =	sshra.s32 s2, $0x2;
	[tilespmem:v6+s16+$0x0] =	vst.idx.msk vm0, v5  }
0x5b: {  	v5 =	vld [tilespmem:s2+$0x0];
	_ =	sdelay $0x4  }
0x5c: {  	vm11 =	veq.s32 v5, $0x0  }
0x5d: {  	v7 =	vmpcnt.ones.xlane vm11  }
0x5e: {  	v6 =	vld [tilespmem:s2+$0x1900]  }
0x5f: {  	v9 =	vadd.s32 v0, v4;
	v4 =	vadd.s32 v4, v7  }
0x60: {  	(v2sf) =	vpush v4, $0x0;
	_ =	sdelay $0x1  }
0x61: {  	s0 =	sadd.s32 $0x10, s0;
	v5 =	vxor.u32 $0x80000000, v5  }
0x62: {  	v8 =	vor.u32 s0, v0;
	(xrf1) =	vsort.ascd.msk.u32 $0xffff, v5, v6;
	v6 =	vshra.s32 v9, $0x1F  }
0x63: {  	(xrf1) =	vsort.ascd.msk.u32 $0xffff, v5, v8;
	v5 =	vshrl.u32 v6, $0x19  }
0x64: {  	v3 =	vadd.s32 v0, v3;
	vm12 =	vlt.s32 v9, $0x1;
	v5 =	vadd.s32 v5, v9  }
0x65: {  	v59 =	vsub.s32 v3, v7;
	vm0 =	vne.s32 v3, v7;
	v3 =	vshra.s32 v5, $0x7  }
0x66: {  	v6 =	vand.u32 $0x7F, v9;
	v5 =	vshra.s32 v59, $0x1F;
	v11 =	vshll.u32 v3, $0x7  }
0x67: {  	vm2 =	vgt.s32 v7, v0;
	v12 =	vshrl.u32 v5, $0x19;
	vm1 =	vne.s32 v9, v11  }
0x68: {  	v10 =	vsel vm0, $0x1, v2;
	v60 =	vadd.s32 v12, v59;
	vm0 =	vmand vm12, vm1  }
0x69: {  	v5 =	vor.u32 v10, v5;
	v61 =	vand.u32 $0xFFFFFF80, v60;
	v62 =	vsel vm0, $0xFFFFFFFF, v2  }
0x6a: {  	vm13 =	vne.s32 v5, $0x1;
	vm14 =	vne.s32 v59, v61;
	v3 =	vadd.s32 v62, v3  }
0x6b: {  	v5 =	vshrl.u32 v60, $0x7;
	vm0 =	vmand vm14, vm13;
	v3 =	vshll.u32 v3, $0x7  }
0x6c: {  	v63 =	vsel vm0, $0xFFFFFFFF, v2;
	v3 =	vor.u32 v6, v3;
	v6 =	vand.u32 $0x7F, v59  }
0x6d: {  	vm15 =	vlt.s32 v7, v1;
	v5 =	vadd.s32 v63, v5  }
0x6e: {  	v5 =	vshll.u32 v5, $0x7;
	s30 =	spop (v2sf)  }
0x6f: {  	v5 =	vor.u32 v6, v5;
	p0 =	slt.s32 s30, $0x1  }
.Ltmp3:
0x70: {  	_, v6, _ =	vpop (xrf1);
	(pc) =	sbr.rel @p0 .LBB2_5-.Ltmp3, $4  }
0x71: {  	[tilespmem:v9+s13+$0x0] =	vst.idx.msk vm2, v6;
	_, v7, _ =	vpop (xrf1)  }
0x72: {  	[tilespmem:v3+s14+$0x0] =	vst.idx.msk vm2, v7  }
0x73: {  	[tilespmem:v59+s15+$0x0] =	vst.idx.msk vm15, v6  }
0x74: {  	[tilespmem:v5+s16+$0x0] =	vst.idx.msk vm15, v7  }
0x75: {  	s0 =	sadd.s32 $0xFFFFFFFF, s30  }
0x76: {  	v3 =	vbroadcast v4, $0x0;
	s2 =	sand.u32 $0x70, s0  }
0x77: {  	p0 =	slt.u32 s30, $0x11;
	p1 =	sne.s32 s2, $0x0  }
0x78: {  	s5 =	simm.s32 $0x1;
	s6 =	sand.u32 $0xFFFFFFF0, s0;
	v5 =	vadd.s32 v0, v3;
	p0 =	por !p0, !p1  }
0x79: {  	s31 =	sadd.s32 $0x20, s30;
	s10 =	sshrl.u32 s0, $0x7;
	v26 =	vld [tilespmem:s6+$0x3200];
	v3 =	vshra.s32 v5, $0x1F;
	p0 =	por !p0, !p0  }
0x7a: {  	s0 =	sand.u32 $0xF, s0;
	v29 =	vmov s31;
	s31 =	sadd.s32 $0x70, s30;
	v3 =	vshrl.u32 v3, $0x19;
	s5 =	simm.s32 @!p0 $0x0  }
0x7b: {  	v7 =	vmov s0;
	s6 =	sadd.s32 $0x50, s30;
	v52 =	vmov s31;
	v3 =	vadd.s32 v3, v5;
	s5 =	ssub.s32 s10, s5  }
0x7c: {  	vm0 =	vlt.s32 v5, $0x1;
	v13 =	vmov s6;
	s10 =	sadd.s32 $0x10, s30;
	v8 =	vshra.s32 v3, $0x7;
	s5 =	sshll.u32 s5, $0x9  }
0x7d: {  	v46 =	vbroadcast v13, $0x0;
	v9 =	vmov s10;
	v10 =	vshll.u32 v8, $0x7;
	s5 =	sshra.s32 s5, $0x2  }
0x7e: {  	v3 =	vperm.xlane v26, v7;
	s10 =	sadd.s32 $0x60, s30;
	v9 =	vbroadcast v9, $0x0;
	vm1 =	vne.s32 v5, v10;
	s2 =	sor.u32 s2, s5  }
0x7f: {  	v5 =	vand.u32 $0x7F, v5;
	v14 =	vmov s10;
	vm0 =	vmand vm0, vm1;
	v6 =	vld [tilespmem:s2+$0x4C00]  }
0x80: {  	s5 =	sadd.s32 $0x40, s30;
	v51 =	vbroadcast v14, $0x0;
	v14 =	vbroadcast v52, $0x0;
	v28 =	vadd.s32 v0, v9  }
0x81: {  	v30 =	vsel vm0, $0xFFFFFFFF, v2;
	s2 =	sadd.s32 $0x30, s30;
	v40 =	vmov s5;
	v31 =	vshra.s32 v28, $0x1F  }
0x82: {  	v8 =	vadd.s32 v30, v8;
	vm14 =	vlt.s32 v28, $0x1;
	v12 =	vmov s2  }
0x83: {  	v13 =	vadd.s32 v0, v51;
	v14 =	vadd.s32 v0, v14;
	v32 =	vshrl.u32 v31, $0x19  }
0x84: {  	v8 =	vshll.u32 v8, $0x7;
	v27 =	vperm.xlane v6, v7;
	v7 =	vbroadcast v29, $0x0  }
0x85: {  	v37 =	vbroadcast v12, $0x0;
	v12 =	vbroadcast v40, $0x0;
	v54 =	vshra.s32 v13, $0x1F  }
0x86: {  	v57 =	vshra.s32 v14, $0x1F;
	vm12 =	vlt.s32 v13, $0x1;
	v7 =	vadd.s32 v0, v7  }
0x87: {  	v61 =	vand.u32 $0x7F, v13;
	v9 =	vadd.s32 v32, v28;
	v34 =	vshra.s32 v7, $0x1F  }
0x88: {  	v5 =	vor.u32 v5, v8;
	v33 =	vand.u32 $0xFFFFFF80, v9;
	v35 =	vshrl.u32 v34, $0x19  }
0x89: {  	v9 =	vshrl.u32 v9, $0x7;
	v42 =	vadd.s32 v0, v12;
	v8 =	vadd.s32 v35, v7  }
0x8a: {  	v12 =	vadd.s32 v0, v46;
	vm15 =	vne.s32 v28, v33;
	v11 =	vand.u32 $0xFFFFFF80, v8  }
0x8b: {  	v6 =	vand.u32 $0x7F, v28;
	vm5 =	vne.s32 v7, v11;
	v11 =	vadd.s32 v0, v37  }
0x8c: {  	v44 =	vshra.s32 v42, $0x1F;
	vm8 =	vlt.s32 v42, $0x1;
	v39 =	vshra.s32 v11, $0x1F  }
0x8d: {  	v48 =	vshra.s32 v12, $0x1F;
	vm10 =	vlt.s32 v12, $0x1;
	v10 =	vshrl.u32 v39, $0x19  }
0x8e: {  	vm0 =	vmand vm14, vm15;
	vm15 =	vlt.s32 v14, $0x1;
	v10 =	vadd.s32 v10, v11  }
0x8f: {  	v36 =	vsel vm0, $0xFFFFFFFF, v2;
	vm4 =	vlt.s32 v7, $0x1;
	v41 =	vand.u32 $0xFFFFFF80, v10  }
0x90: {  	vm0 =	vmand vm4, vm5;
	vm6 =	vlt.s32 v11, $0x1;
	vm7 =	vne.s32 v11, v41  }
0x91: {  	v9 =	vadd.s32 v36, v9;
	v38 =	vsel vm0, $0xFFFFFFFF, v2;
	vm0 =	vmand vm6, vm7  }
0x92: {  	v9 =	vshll.u32 v9, $0x7;
	v43 =	vshrl.u32 v10, $0x7;
	v45 =	vsel vm0, $0xFFFFFFFF, v2  }
0x93: {  	v6 =	vor.u32 v6, v9;
	v8 =	vshrl.u32 v8, $0x7;
	v9 =	vadd.s32 v45, v43  }
0x94: {  	v10 =	vshrl.u32 v44, $0x19;
	v11 =	vand.u32 $0x7F, v11;
	v9 =	vshll.u32 v9, $0x7  }
0x95: {  	v10 =	vadd.s32 v10, v42;
	v9 =	vor.u32 v11, v9;
	v11 =	vshrl.u32 v48, $0x19  }
0x96: {  	v7 =	vand.u32 $0x7F, v7;
	v47 =	vand.u32 $0xFFFFFF80, v10;
	v11 =	vadd.s32 v11, v12  }
0x97: {  	v8 =	vadd.s32 v38, v8;
	vm9 =	vne.s32 v42, v47;
	v50 =	vand.u32 $0xFFFFFF80, v11  }
0x98: {  	v8 =	vshll.u32 v8, $0x7;
	vm0 =	vmand vm8, vm9;
	vm11 =	vne.s32 v12, v50  }
0x99: {  	v7 =	vor.u32 v7, v8;
	v49 =	vsel vm0, $0xFFFFFFFF, v2;
	vm0 =	vmand vm10, vm11  }
0x9a: {  	v10 =	vshrl.u32 v10, $0x7;
	v11 =	vshrl.u32 v11, $0x7;
	v15 =	vsel vm0, $0xFFFFFFFF, v2  }
0x9b: {  	[tilespmem:s30+$0x3200] =	vst v3;
	v10 =	vadd.s32 v49, v10;
	v53 =	vadd.s32 v15, v11;
	v11 =	vshrl.u32 v54, $0x19  }
0x9c: {  	[tilespmem:v5+s14+$0x0] =	vst.idx.msk $0xffff, v27;
	v8 =	vand.u32 $0x7F, v42;
	v10 =	vshll.u32 v10, $0x7;
	v56 =	vadd.s32 v11, v13  }
0x9d: {  	[tilespmem:s30+$0x3210] =	vst v3;
	v8 =	vor.u32 v8, v10;
	v11 =	vshrl.u32 v57, $0x19;
	v58 =	vand.u32 $0xFFFFFF80, v56  }
0x9e: {  	[tilespmem:v6+s14+$0x0] =	vst.idx.msk $0xffff, v27;
	v12 =	vand.u32 $0x7F, v12;
	v59 =	vadd.s32 v11, v14;
	vm13 =	vne.s32 v13, v58  }
0x9f: {  	[tilespmem:s30+$0x3220] =	vst v3;
	v55 =	vshll.u32 v53, $0x7;
	v11 =	vand.u32 $0xFFFFFF80, v59;
	vm0 =	vmand vm12, vm13  }
0xa0: {  	[tilespmem:v7+s14+$0x0] =	vst.idx.msk $0xffff, v27;
	v10 =	vshrl.u32 v56, $0x7;
	vm14 =	vne.s32 v14, v11;
	v60 =	vsel vm0, $0xFFFFFFFF, v2  }
0xa1: {  	[tilespmem:s30+$0x3230] =	vst v3;
	v5 =	vor.u32 v12, v55;
	vm0 =	vmand vm15, vm14;
	v7 =	vadd.s32 v60, v10  }
0xa2: {  	[tilespmem:v9+s14+$0x0] =	vst.idx.msk $0xffff, v27;
	v6 =	vshrl.u32 v59, $0x7;
	v62 =	vsel vm0, $0xFFFFFFFF, v2;
	v7 =	vshll.u32 v7, $0x7  }
0xa3: {  	[tilespmem:s30+$0x3240] =	vst v3;
	v6 =	vadd.s32 v62, v6;
	v7 =	vor.u32 v61, v7  }
0xa4: {  	v63 =	vand.u32 $0x7F, v14;
	[tilespmem:v8+s14+$0x0] =	vst.idx.msk $0xffff, v27;
	v6 =	vshll.u32 v6, $0x7  }
0xa5: {  	[tilespmem:s30+$0x3250] =	vst v3;
	v6 =	vor.u32 v63, v6  }
0xa6: {  	[tilespmem:v5+s14+$0x0] =	vst.idx.msk $0xffff, v27  }
0xa7: {  	[tilespmem:s30+$0x3260] =	vst v3  }
0xa8: {  	[tilespmem:v7+s14+$0x0] =	vst.idx.msk $0xffff, v27  }
0xa9: {  	[tilespmem:s30+$0x3270] =	vst v3  }
0xaa: {  	[tilespmem:v6+s14+$0x0] =	vst.idx.msk $0xffff, v27  }
.LBB2_5:
0xab: {  	s31 =	ssub.s32 $0x1900, s30  }
0xac: {  	p0 =	slt.s32 s31, $0x1  }
.Ltmp4:
0xad: {  	_ = 	snop;
	(pc) =	sbr.rel @p0 .LBB2_7-.Ltmp4, $1  }
0xae: {  	_ =	sdelay $0x3  }
0xaf: {  	s0 =	ssub.s32 $0x18FF, s30;
	p0 =	sne.s32 s30, $0x18FF;
	s2 =	simm.s32 $0x1  }
0xb0: {  	s5 =	sshra.s32 s0, $0x1F;
	s2 =	simm.s32 @!p0 $0x0  }
0xb1: {  	s10 =	sand.u32 $0xF, s0;
	s2 =	sor.u32 s2, s5  }
0xb2: {  	p1 =	sne.s32 s10, $0x0;
	p4 =	sne.s32 s2, $0x1  }
0xb3: {  	s6 =	sshrl.u32 s5, $0x1C;
	p0 =	por !p1, !p4  }
0xb4: {  	s5 =	simm.s32 $0x1;
	s2 =	sadd.s32 s6, s0;
	p0 =	por !p0, !p0  }
0xb5: {  	s2 =	sshrl.u32 s2, $0x4;
	s5 =	simm.s32 @!p0 $0x0  }
0xb6: {  	s2 =	ssub.s32 s2, s5  }
0xb7: {  	s2 =	sshll.u32 s2, $0x4  }
0xb8: {  	v5 =	vadd.s32 s31, v0;
	s10 =	sshra.s32 s2, $0x1F  }
0xb9: {  	v3 =	vshra.s32 v5, $0x1F;
	s5 =	sshrl.u32 s10, $0x19  }
0xba: {  	v3 =	vshrl.u32 v3, $0x19;
	s5 =	sadd.s32 s5, s2  }
0xbb: {  	v3 =	vadd.s32 v3, v5;
	p5 =	slt.s32 s2, $0x1;
	v4 =	vld [tilespmem:s2+$0x6800];
	s0 =	ssub.s32 s0, s2;
	s6 =	sand.u32 $0xFFFFFF80, s5  }
0xbc: {  	v7 =	vshra.s32 v3, $0x7;
	p6 =	sne.s32 s2, s6;
	s6 =	sand.u32 $0x70, s2;
	s2 =	ssub.s32 $0x1950, s30  }
0xbd: {  	vm0 =	vlt.s32 v5, $0x0;
	v3 =	vshll.u32 v7, $0x7;
	p0 =	por !p5, !p6;
	v44 =	vadd.s32 s2, v0  }
0xbe: {  	vm1 =	vne.s32 v5, v3;
	v5 =	vand.u32 $0x7F, v5;
	s10 =	simm.s32 $0x1;
	p0 =	por !p0, !p0;
	v14 =	vshra.s32 v44, $0x1F  }
0xbf: {  	vm0 =	vmand vm0, vm1;
	v8 =	vmov s0;
	s5 =	sshrl.u32 s5, $0x7;
	s10 =	simm.s32 @!p0 $0x0;
	v46 =	vshrl.u32 v14, $0x19  }
0xc0: {  	v30 =	vsel vm0, $0xFFFFFFFF, v2;
	v3 =	vperm.xlane v4, v8;
	s5 =	ssub.s32 s5, s10;
	s10 =	ssub.s32 $0x1910, s30;
	v47 =	vadd.s32 v46, v44  }
0xc1: {  	vm10 =	vlt.s32 v44, $0x1;
	s5 =	sshll.u32 s5, $0x9;
	v9 =	vadd.s32 s10, v0;
	s10 =	ssub.s32 $0x1940, s30;
	v49 =	vand.u32 $0xFFFFFF80, v47  }
0xc2: {  	s5 =	sshra.s32 s5, $0x2;
	v10 =	vshra.s32 v9, $0x1F;
	vm14 =	vlt.s32 v9, $0x1;
	v40 =	vadd.s32 s10, v0  }
0xc3: {  	vm11 =	vne.s32 v44, v49;
	s5 =	sor.u32 s6, s5;
	v10 =	vshrl.u32 v10, $0x19;
	s6 =	ssub.s32 $0x1930, s30;
	v13 =	vshra.s32 v40, $0x1F  }
0xc4: {  	vm8 =	vlt.s32 v40, $0x1;
	v6 =	vld [tilespmem:s5+$0x8200];
	v31 =	vadd.s32 v10, v9;
	s5 =	ssub.s32 $0x1920, s30;
	v37 =	vadd.s32 s6, v0  }
0xc5: {  	v43 =	vshrl.u32 v13, $0x19;
	s6 =	ssub.s32 $0x1970, s30;
	v32 =	vand.u32 $0xFFFFFF80, v31;
	v33 =	vadd.s32 s5, v0  }
0xc6: {  	v38 =	vshra.s32 v37, $0x1F;
	vm6 =	vlt.s32 v37, $0x1;
	v54 =	vadd.s32 s6, v0  }
0xc7: {  	s5 =	ssub.s32 $0x1960, s30;
	vm15 =	vne.s32 v9, v32;
	v34 =	vshra.s32 v33, $0x1F;
	v9 =	vand.u32 $0x7F, v9  }
0xc8: {  	vm4 =	vlt.s32 v33, $0x1;
	v51 =	vadd.s32 s5, v0;
	v57 =	vshra.s32 v54, $0x1F  }
0xc9: {  	vm0 =	vmand vm14, vm15;
	v10 =	vshrl.u32 v34, $0x19;
	v53 =	vshra.s32 v51, $0x1F  }
0xca: {  	vm12 =	vlt.s32 v51, $0x1;
	vm15 =	vlt.s32 v54, $0x1;
	v36 =	vadd.s32 v10, v33  }
0xcb: {  	v61 =	vand.u32 $0x7F, v51;
	v11 =	vsel vm0, $0xFFFFFFFF, v2;
	v10 =	vand.u32 $0xFFFFFF80, v36  }
0xcc: {  	v29 =	vperm.xlane v6, v8;
	vm5 =	vne.s32 v33, v10;
	v10 =	vshrl.u32 v38, $0x19  }
0xcd: {  	v6 =	vadd.s32 v30, v7;
	v8 =	vshrl.u32 v31, $0x7;
	v10 =	vadd.s32 v10, v37  }
0xce: {  	v7 =	vand.u32 $0x7F, v33;
	v6 =	vshll.u32 v6, $0x7;
	v39 =	vand.u32 $0xFFFFFF80, v10  }
0xcf: {  	v35 =	vadd.s32 v11, v8;
	vm0 =	vmand vm4, vm5;
	vm7 =	vne.s32 v37, v39  }
0xd0: {  	v8 =	vshrl.u32 v36, $0x7;
	v12 =	vsel vm0, $0xFFFFFFFF, v2;
	vm0 =	vmand vm6, vm7  }
0xd1: {  	v11 =	vand.u32 $0x7F, v37;
	v10 =	vshrl.u32 v10, $0x7;
	v41 =	vsel vm0, $0xFFFFFFFF, v2  }
0xd2: {  	v5 =	vor.u32 v5, v6;
	v42 =	vadd.s32 v41, v10;
	v10 =	vadd.s32 v43, v40  }
0xd3: {  	v6 =	vshll.u32 v35, $0x7;
	v8 =	vadd.s32 v12, v8;
	v45 =	vand.u32 $0xFFFFFF80, v10  }
0xd4: {  	v6 =	vor.u32 v9, v6;
	v8 =	vshll.u32 v8, $0x7;
	vm9 =	vne.s32 v40, v45  }
0xd5: {  	v9 =	vand.u32 $0x7F, v40;
	v7 =	vor.u32 v7, v8;
	vm0 =	vmand vm8, vm9  }
0xd6: {  	v8 =	vshll.u32 v42, $0x7;
	v48 =	vsel vm0, $0xFFFFFFFF, v2;
	vm0 =	vmand vm10, vm11  }
0xd7: {  	[tilespmem:s31+$0x6800] =	vst v3;
	v8 =	vor.u32 v11, v8;
	v11 =	vshrl.u32 v47, $0x7;
	v50 =	vsel vm0, $0xFFFFFFFF, v2  }
0xd8: {  	s10 =	ssub.s32 $0x8110, s30;
	[tilespmem:v5+s16+$0x0] =	vst.idx.msk $0xffff, v29;
	v10 =	vshrl.u32 v10, $0x7;
	v52 =	vadd.s32 v50, v11;
	v11 =	vshrl.u32 v53, $0x19  }
0xd9: {  	v12 =	vand.u32 $0x7F, v44;
	[tilespmem:s10+$0x0] =	vst v3;
	v10 =	vadd.s32 v48, v10;
	v56 =	vadd.s32 v11, v51  }
0xda: {  	[tilespmem:v6+s16+$0x0] =	vst.idx.msk $0xffff, v29;
	v10 =	vshll.u32 v10, $0x7;
	v11 =	vshrl.u32 v57, $0x19;
	v58 =	vand.u32 $0xFFFFFF80, v56  }
0xdb: {  	s31 =	ssub.s32 $0x8120, s30;
	v9 =	vor.u32 v9, v10;
	v59 =	vadd.s32 v11, v54;
	vm13 =	vne.s32 v51, v58  }
0xdc: {  	[tilespmem:s31+$0x0] =	vst v3;
	v55 =	vshll.u32 v52, $0x7;
	v11 =	vand.u32 $0xFFFFFF80, v59;
	vm0 =	vmand vm12, vm13  }
0xdd: {  	s2 =	ssub.s32 $0x8130, s30;
	[tilespmem:v7+s16+$0x0] =	vst.idx.msk $0xffff, v29;
	v10 =	vshrl.u32 v56, $0x7;
	vm14 =	vne.s32 v54, v11;
	v60 =	vsel vm0, $0xFFFFFFFF, v2  }
0xde: {  	[tilespmem:s2+$0x0] =	vst v3;
	v5 =	vor.u32 v12, v55;
	vm0 =	vmand vm15, vm14;
	v7 =	vadd.s32 v60, v10  }
0xdf: {  	s5 =	ssub.s32 $0x8140, s30;
	[tilespmem:v8+s16+$0x0] =	vst.idx.msk $0xffff, v29;
	v6 =	vshrl.u32 v59, $0x7;
	v62 =	vsel vm0, $0xFFFFFFFF, v2;
	v7 =	vshll.u32 v7, $0x7  }
0xe0: {  	[tilespmem:s5+$0x0] =	vst v3;
	v6 =	vadd.s32 v62, v6;
	v7 =	vor.u32 v61, v7  }
0xe1: {  	s6 =	ssub.s32 $0x8150, s30;
	v63 =	vand.u32 $0x7F, v54;
	[tilespmem:v9+s16+$0x0] =	vst.idx.msk $0xffff, v29;
	v6 =	vshll.u32 v6, $0x7  }
0xe2: {  	[tilespmem:s6+$0x0] =	vst v3;
	v6 =	vor.u32 v63, v6  }
0xe3: {  	s10 =	ssub.s32 $0x8160, s30;
	[tilespmem:v5+s16+$0x0] =	vst.idx.msk $0xffff, v29  }
0xe4: {  	[tilespmem:s10+$0x0] =	vst v3  }
0xe5: {  	s31 =	ssub.s32 $0x8170, s30;
	[tilespmem:v7+s16+$0x0] =	vst.idx.msk $0xffff, v29  }
0xe6: {  	[tilespmem:s31+$0x0] =	vst v3  }
0xe7: {  	[tilespmem:v6+s16+$0x0] =	vst.idx.msk $0xffff, v29  }
.LBB2_7:
0xe8: {  	s0 =	sadd.s32 $0x7F, s30  }
0xe9: {  	s2 =	sand.u32 $0x7F, s0  }
0xea: {  	s5 =	sshra.s32 s0, $0x1F;
	p0 =	slt.s32 s0, $0x1;
	p1 =	sne.s32 s2, $0x0  }
0xeb: {  	s10 =	sshrl.u32 s5, $0x19;
	p0 =	por !p0, !p1  }
0xec: {  	s2 =	simm.s32 $0x1;
	s0 =	sadd.s32 s10, s0;
	p0 =	por !p0, !p0  }
0xed: {  	s0 =	sshra.s32 s0, $0x7;
	s2 =	simm.s32 @!p0 $0x0  }
0xee: {  	s31 =	ssub.s32 s0, s2  }
0xef: {  	p0 =	slt.s32 s31, $0x1  }
.Ltmp5:
0xf0: {  	_ = 	snop;
	(pc) =	sbr.rel @p0 .LBB2_36-.Ltmp5, $1  }
0xf1: {  	_ =	sdelay $0x3  }
0xf2: {  	[tilespmem:s18], [sflag:$0x1] =	stream.indirect.gather [hbm4b:s1+s17], $0x80, s13, s17, $0xb8;
	[tilespmem:$0x19E00] =	vst v63  }
.Ltmp6:
0xf3: {  	p0 =	seq.s32 s31, $0x1;
	(pc) =	sbr.rel .LBB2_9-.Ltmp6, $4  }
0xf4: {  	s10 =	simm.s32 $0x3300;
	s0 =	simm.s32 @!p0 $0x80;
	s6 =	simm.s32 @!p0 $0x0  }
0xf5: {  	s2 =	simm.s32 @!p0 $0x3280;
	s5 =	simm.s32 @!p0 $0xDE00;
	s6 =	simm.s32 @p0 $0x1  }
0xf6: {  	[tilespmem:s5], [sflag:$0x2] =	stream.indirect.gather @!p0 [hbm4b:s1+s0], $0x80, s2, s0, $0xb8;
	[tilespmem:$0x19E00] =	vst v63  }
0xf7: {  	s2 =	simm.s32 $0x0;
	s0 =	simm.s32 $0x4C00;
	[smem:$0x7FD] =	sst s6  }
.LBB2_10:
0xf8: {  	[tilespmem:s18], [sflag:$0x1] =	stream.indirect.gather [hbm4b:s1+s17], $0x80, s10, s17, $0xb8;
	[tilespmem:$0x19E00] =	vst v63  }
0xf9: {  	_ =	swait.ge [sflag:s19], $0x4000  }
0xfa: {  	[sflag:s19] =	ssyncset.done $0x0  }
0xfb: {  	[sflag:s19] =	ssyncadd.s32 $0xFFFFC000  }
0xfc: {  	[hbm4b:s4+s17] =	stream.indirect.scatter [tilespmem:s20], [sflag:$0x7], $0x80, s0, s17, $0xb8;
	[tilespmem:$0x19E00] =	vst v63  }
.LBB2_34:
0xfd: {  	s2 =	sadd.s32 $0x1, s2  }
0xfe: {  	p0 =	sne.s32 s31, s2  }
.Ltmp7:
0xff: {  	_ = 	snop;
	(pc) =	sbr.rel @!p0 .LBB2_35-.Ltmp7, $2  }
0x100: {  	_ =	sdelay $0x2  }
0x101: {  	s0 =	sadd.s32 $0x80, s0;
	s10 =	sadd.s32 $0x80, s10  }
.LBB2_9:
0x102: {  	s5 =	sand.u32 $0x3, s2;
	s6 =	sadd.s32 $0x2, s2  }
0x103: {  	p4 =	slt.s32 s6, s31;
	p2 =	seq.s32 s5, $0x2  }
0x104: {  	p1 =	por !p4, !p2  }
0x105: {  	p5 =	slt.u32 s2, $0x2;
	p1 =	por !p1, !p1  }
.Ltmp8:
0x106: {  	p3 =	por !p1, p5;
	(pc) =	sbr.rel @p1 .LBB2_10-.Ltmp8, $4  }
0x107: {  	s6 =	simm.s32 @!p3 $0x5  }
0x108: {  	_ =	swait.ge @!p3 [sflag:s6], $0x4000  }
0x109: {  	[sflag:s6] =	ssyncset.done @!p3 $0x0  }
0x10a: {  	[sflag:s6] =	ssyncadd.s32 @!p3 $0xFFFFC000  }
0x10b: {  	p1 =	seq.s32 s5, $0x3  }
0x10c: {  	p3 =	por !p4, !p1  }
0x10d: {  	p3 =	por !p3, !p3  }
0x10e: {  	p6 =	por p5, !p3  }
.Ltmp9:
0x10f: {  	_ = 	snop;
	(pc) =	sbr.rel @p6 .LBB2_13-.Ltmp9, $1  }
0x110: {  	_ =	sdelay $0x3  }
0x111: {  	_ =	swait.ge [sflag:s22], $0x4000  }
0x112: {  	[sflag:s22] =	ssyncset.done $0x0  }
0x113: {  	[sflag:s22] =	ssyncadd.s32 $0xFFFFC000  }
0x114: {  	[tilespmem:s23], [sflag:$0x2] =	stream.indirect.gather [hbm4b:s1+s17], $0x80, s10, s17, $0xb8;
	[tilespmem:$0x19E00] =	vst v63  }
.LBB2_33:
.Ltmp10:
0x115: {  	(pc) =	sbr.rel .LBB2_34-.Ltmp10, $4  }
0x116: {  	_ =	swait.ge [sflag:s24], $0x4000  }
0x117: {  	[sflag:s24] =	ssyncset.done $0x0  }
0x118: {  	[sflag:s24] =	ssyncadd.s32 $0xFFFFC000  }
0x119: {  	[hbm4b:s4+s17] =	stream.indirect.scatter [tilespmem:s25], [sflag:$0x8], $0x80, s0, s17, $0xb8;
	[tilespmem:$0x19E00] =	vst v63  }
.LBB2_13:
.Ltmp11:
0x11a: {  	(pc) =	sbr.rel @!p3 .LBB2_15-.Ltmp11, $1  }
0x11b: {  	_ =	sdelay $0x3  }
.Ltmp12:
0x11c: {  	(pc) =	sbr.rel .LBB2_33-.Ltmp12, $2  }
0x11d: {  	_ =	sdelay $0x2  }
0x11e: {  	[tilespmem:s23], [sflag:$0x2] =	stream.indirect.gather [hbm4b:s1+s17], $0x80, s10, s17, $0xb8;
	[tilespmem:$0x19E00] =	vst v63  }
.LBB2_15:
0x11f: {  	p3 =	seq.s32 s5, $0x0  }
0x120: {  	p6 =	por !p4, !p3  }
0x121: {  	p6 =	por !p6, !p6  }
0x122: {  	p0 =	por p5, !p6  }
.Ltmp13:
0x123: {  	_ = 	snop;
	(pc) =	sbr.rel @p0 .LBB2_17-.Ltmp13, $1  }
0x124: {  	_ =	sdelay $0x3  }
0x125: {  	_ =	swait.ge [sflag:s26], $0x4000  }
0x126: {  	[sflag:s26] =	ssyncset.done $0x0  }
0x127: {  	[sflag:s26] =	ssyncadd.s32 $0xFFFFC000  }
.LBB2_18:
0x128: {  	[tilespmem:s20], [sflag:$0x3] =	stream.indirect.gather [hbm4b:s1+s17], $0x80, s10, s17, $0xb8;
	[tilespmem:$0x19E00] =	vst v63  }
.LBB2_19:
0x129: {  	p0 =	seq.s32 s5, $0x1  }
0x12a: {  	p0 =	por !p4, !p0  }
0x12b: {  	p4 =	por !p0, !p0  }
0x12c: {  	p0 =	por p5, !p4  }
.Ltmp14:
0x12d: {  	_ = 	snop;
	(pc) =	sbr.rel @p0 .LBB2_24-.Ltmp14, $1  }
0x12e: {  	_ =	sdelay $0x3  }
0x12f: {  	_ =	swait.ge [sflag:s28], $0x4000  }
0x130: {  	[sflag:s28] =	ssyncset.done $0x0  }
0x131: {  	[sflag:s28] =	ssyncadd.s32 $0xFFFFC000  }
.LBB2_21:
0x132: {  	p0 =	sgt.s32 s5, $0x1  }
.Ltmp15:
0x133: {  	_ = 	snop;
	(pc) =	sbr.rel @p0 .LBB2_30-.Ltmp15, $2  }
0x134: {  	_ =	sdelay $0x2  }
0x135: {  	[tilespmem:s25], [sflag:$0x4] =	stream.indirect.gather [hbm4b:s1+s17], $0x80, s10, s17, $0xb8;
	[tilespmem:$0x19E00] =	vst v63  }
.Ltmp16:
0x136: {  	(pc) =	sbr.rel @p3 .LBB2_34-.Ltmp16, $1  }
0x137: {  	_ =	sdelay $0x3  }
.LBB2_23:
0x138: {  	_ =	swait.ge [sflag:s12], $0x4000  }
0x139: {  	[sflag:s12] =	ssyncset.done $0x0  }
0x13a: {  	[sflag:s12] =	ssyncadd.s32 $0xFFFFC000  }
0x13b: {  	[hbm4b:s4+s17] =	stream.indirect.scatter [tilespmem:s23], [sflag:$0x6], $0x80, s0, s17, $0xb8;
	[tilespmem:$0x19E00] =	vst v63  }
.LBB2_28:
.Ltmp17:
0x13c: {  	(pc) =	sbr.rel @p1 .LBB2_33-.Ltmp17, $1  }
0x13d: {  	_ =	sdelay $0x3  }
0x13e: {  	p0 =	sne.s32 s5, $0x2  }
.Ltmp18:
0x13f: {  	_ = 	snop;
	(pc) =	sbr.rel @!p0 .LBB2_31-.Ltmp18, $4  }
.Ltmp19:
0x140: {  	_ = 	snop;
	(pc) =	sbr.rel @p0 .LBB2_34-.Ltmp19, $4  }
0x141: {  	_ = 	snop  }
0x142: {  	_ = 	snop  }
0x143: {  	_ = 	snop  }
0x144: {  	_ = 	snop  }
.LBB2_30:
.Ltmp20:
0x145: {  	(pc) =	sbr.rel @!p2 .LBB2_33-.Ltmp20, $1  }
0x146: {  	_ =	sdelay $0x3  }
.LBB2_31:
.Ltmp21:
0x147: {  	(pc) =	sbr.rel .LBB2_34-.Ltmp21, $4  }
0x148: {  	_ =	swait.ge [sflag:s19], $0x4000  }
0x149: {  	[sflag:s19] =	ssyncset.done $0x0  }
0x14a: {  	[sflag:s19] =	ssyncadd.s32 $0xFFFFC000  }
0x14b: {  	[hbm4b:s4+s17] =	stream.indirect.scatter [tilespmem:s20], [sflag:$0x7], $0x80, s0, s17, $0xb8;
	[tilespmem:$0x19E00] =	vst v63  }
.LBB2_17:
.Ltmp22:
0x14c: {  	(pc) =	sbr.rel @!p6 .LBB2_19-.Ltmp22, $4  }
.Ltmp23:
0x14d: {  	(pc) =	sbr.rel @p6 .LBB2_18-.Ltmp23, $4  }
0x14e: {  	_ = 	snop  }
0x14f: {  	_ = 	snop  }
0x150: {  	_ = 	snop  }
0x151: {  	_ = 	snop  }
.LBB2_24:
.Ltmp24:
0x152: {  	(pc) =	sbr.rel @p4 .LBB2_21-.Ltmp24, $1  }
0x153: {  	_ =	sdelay $0x3  }
0x154: {  	p0 =	sgt.s32 s5, $0x1  }
.Ltmp25:
0x155: {  	_ = 	snop;
	(pc) =	sbr.rel @p0 .LBB2_32-.Ltmp25, $1  }
0x156: {  	_ =	sdelay $0x3  }
.Ltmp26:
0x157: {  	(pc) =	sbr.rel @!p3 .LBB2_23-.Ltmp26, $1  }
0x158: {  	_ =	sdelay $0x3  }
.Ltmp27:
0x159: {  	(pc) =	sbr.rel .LBB2_28-.Ltmp27, $4  }
0x15a: {  	_ =	swait.ge [sflag:s11], $0x4000  }
0x15b: {  	[sflag:s11] =	ssyncset.done $0x0  }
0x15c: {  	[sflag:s11] =	ssyncadd.s32 $0xFFFFC000  }
0x15d: {  	[hbm4b:s4+s17] =	stream.indirect.scatter [tilespmem:s18], [sflag:$0x5], $0x80, s0, s17, $0xb8;
	[tilespmem:$0x19E00] =	vst v63  }
.LBB2_32:
.Ltmp28:
0x15e: {  	(pc) =	sbr.rel @p2 .LBB2_31-.Ltmp28, $4  }
.Ltmp29:
0x15f: {  	(pc) =	sbr.rel @!p2 .LBB2_33-.Ltmp29, $4  }
0x160: {  	_ = 	snop  }
0x161: {  	_ = 	snop  }
0x162: {  	_ = 	snop  }
0x163: {  	_ = 	snop  }
.LBB2_35:
0x164: {  	_ =	swait.ge [sflag:s21], $0x4000  }
0x165: {  	s0 =	sld [smem:$0x7FD];
	_ =	sdelay $0x2  }
0x166: {  	[sflag:s21] =	ssyncset.done $0x0;
	p1 =	seq.s32 s0, $0x1  }
0x167: {  	[sflag:s21] =	ssyncadd.s32 $0xFFFFC000;
	s0 =	simm.s32 @!p1 $0x6  }
0x168: {  	_ =	swait.ge @!p1 [sflag:s0], $0x4000  }
0x169: {  	p0 =	slt.s32 s31, $0x3;
	[sflag:s0] =	ssyncset.done @!p1 $0x0  }
0x16a: {  	[sflag:s0] =	ssyncadd.s32 @!p1 $0xFFFFC000;
	s0 =	simm.s32 @!p0 $0x7  }
0x16b: {  	p1 =	seq.s32 @!p0 s31, $0x3;
	_ =	swait.ge @!p0 [sflag:s0], $0x4000  }
0x16c: {  	p1 =	por p1, p0;
	[sflag:s0] =	ssyncset.done @!p0 $0x0  }
0x16d: {  	[sflag:s0] =	ssyncadd.s32 @!p0 $0xFFFFC000;
	s0 =	simm.s32 @!p1 $0x8  }
0x16e: {  	_ =	swait.ge @!p1 [sflag:s0], $0x4000  }
0x16f: {  	[sflag:s0] =	ssyncset.done @!p1 $0x0  }
0x170: {  	[sflag:s0] =	ssyncadd.s32 @!p1 $0xFFFFC000  }
.LBB2_36:
0x171: {  	s0 =	ssub.s32 $0x197F, s30;
	p0 =	sne.s32 s30, $0x197F;
	s2 =	simm.s32 $0x1  }
0x172: {  	s5 =	sshra.s32 s0, $0x1F;
	s2 =	simm.s32 @!p0 $0x0  }
0x173: {  	s6 =	sand.u32 $0x7F, s0;
	s2 =	sor.u32 s2, s5  }
0x174: {  	p1 =	sne.s32 s6, $0x0;
	p6 =	sne.s32 s2, $0x1  }
0x175: {  	s31 =	sshrl.u32 s5, $0x19;
	p0 =	por !p1, !p6  }
0x176: {  	s0 =	sadd.s32 s31, s0;
	s2 =	simm.s32 $0x1;
	p0 =	por !p0, !p0  }
0x177: {  	s0 =	sshra.s32 s0, $0x7;
	s2 =	simm.s32 @!p0 $0x0  }
0x178: {  	s30 =	ssub.s32 s0, s2  }
0x179: {  	p0 =	slt.s32 s30, $0x1  }
.Ltmp30:
0x17a: {  	_ = 	snop;
	(pc) =	sbr.rel @p0 .LBB2_65-.Ltmp30, $1  }
0x17b: {  	_ =	sdelay $0x3  }
0x17c: {  	[tilespmem:s18], [sflag:$0x1] =	stream.indirect.gather [hbm4b:s3+s17], $0x80, s15, s17, $0xb8;
	[tilespmem:$0x19E00] =	vst v63  }
.Ltmp31:
0x17d: {  	p0 =	seq.s32 s30, $0x1;
	(pc) =	sbr.rel .LBB2_38-.Ltmp31, $4  }
0x17e: {  	s10 =	simm.s32 $0x6900;
	s0 =	simm.s32 @!p0 $0x80;
	s6 =	simm.s32 @!p0 $0x0  }
0x17f: {  	s2 =	simm.s32 @!p0 $0x6880;
	s5 =	simm.s32 @!p0 $0xDE00;
	s6 =	simm.s32 @p0 $0x1  }
0x180: {  	[tilespmem:s5], [sflag:$0x2] =	stream.indirect.gather @!p0 [hbm4b:s3+s0], $0x80, s2, s0, $0xb8;
	[tilespmem:$0x19E00] =	vst v63  }
0x181: {  	s2 =	simm.s32 $0x0;
	s0 =	simm.s32 $0x8200;
	[smem:$0x7FC] =	sst s6  }
.LBB2_39:
0x182: {  	[tilespmem:s18], [sflag:$0x1] =	stream.indirect.gather [hbm4b:s3+s17], $0x80, s10, s17, $0xb8;
	[tilespmem:$0x19E00] =	vst v63  }
0x183: {  	_ =	swait.ge [sflag:s19], $0x4000  }
0x184: {  	[sflag:s19] =	ssyncset.done $0x0  }
0x185: {  	[sflag:s19] =	ssyncadd.s32 $0xFFFFC000  }
0x186: {  	[hbm4b:s4+s17] =	stream.indirect.scatter [tilespmem:s20], [sflag:$0x7], $0x80, s0, s17, $0xb8;
	[tilespmem:$0x19E00] =	vst v63  }
.LBB2_63:
0x187: {  	s2 =	sadd.s32 $0x1, s2  }
0x188: {  	p0 =	sne.s32 s30, s2  }
.Ltmp32:
0x189: {  	_ = 	snop;
	(pc) =	sbr.rel @!p0 .LBB2_64-.Ltmp32, $2  }
0x18a: {  	_ =	sdelay $0x2  }
0x18b: {  	s0 =	sadd.s32 $0x80, s0;
	s10 =	sadd.s32 $0x80, s10  }
.LBB2_38:
0x18c: {  	s5 =	sand.u32 $0x3, s2;
	s6 =	sadd.s32 $0x2, s2  }
0x18d: {  	p4 =	slt.s32 s6, s30;
	p2 =	seq.s32 s5, $0x2  }
0x18e: {  	p1 =	por !p4, !p2  }
0x18f: {  	p5 =	slt.u32 s2, $0x2;
	p1 =	por !p1, !p1  }
.Ltmp33:
0x190: {  	p3 =	por !p1, p5;
	(pc) =	sbr.rel @p1 .LBB2_39-.Ltmp33, $4  }
0x191: {  	s6 =	simm.s32 @!p3 $0x5  }
0x192: {  	_ =	swait.ge @!p3 [sflag:s6], $0x4000  }
0x193: {  	[sflag:s6] =	ssyncset.done @!p3 $0x0  }
0x194: {  	[sflag:s6] =	ssyncadd.s32 @!p3 $0xFFFFC000  }
0x195: {  	p1 =	seq.s32 s5, $0x3  }
0x196: {  	p3 =	por !p4, !p1  }
0x197: {  	p3 =	por !p3, !p3  }
0x198: {  	p6 =	por p5, !p3  }
.Ltmp34:
0x199: {  	_ = 	snop;
	(pc) =	sbr.rel @p6 .LBB2_42-.Ltmp34, $1  }
0x19a: {  	_ =	sdelay $0x3  }
0x19b: {  	_ =	swait.ge [sflag:s22], $0x4000  }
0x19c: {  	[sflag:s22] =	ssyncset.done $0x0  }
0x19d: {  	[sflag:s22] =	ssyncadd.s32 $0xFFFFC000  }
0x19e: {  	[tilespmem:s23], [sflag:$0x2] =	stream.indirect.gather [hbm4b:s3+s17], $0x80, s10, s17, $0xb8;
	[tilespmem:$0x19E00] =	vst v63  }
.LBB2_62:
.Ltmp35:
0x19f: {  	(pc) =	sbr.rel .LBB2_63-.Ltmp35, $4  }
0x1a0: {  	_ =	swait.ge [sflag:s24], $0x4000  }
0x1a1: {  	[sflag:s24] =	ssyncset.done $0x0  }
0x1a2: {  	[sflag:s24] =	ssyncadd.s32 $0xFFFFC000  }
0x1a3: {  	[hbm4b:s4+s17] =	stream.indirect.scatter [tilespmem:s25], [sflag:$0x8], $0x80, s0, s17, $0xb8;
	[tilespmem:$0x19E00] =	vst v63  }
.LBB2_42:
.Ltmp36:
0x1a4: {  	(pc) =	sbr.rel @!p3 .LBB2_44-.Ltmp36, $1  }
0x1a5: {  	_ =	sdelay $0x3  }
.Ltmp37:
0x1a6: {  	(pc) =	sbr.rel .LBB2_62-.Ltmp37, $2  }
0x1a7: {  	_ =	sdelay $0x2  }
0x1a8: {  	[tilespmem:s23], [sflag:$0x2] =	stream.indirect.gather [hbm4b:s3+s17], $0x80, s10, s17, $0xb8;
	[tilespmem:$0x19E00] =	vst v63  }
.LBB2_44:
0x1a9: {  	p3 =	seq.s32 s5, $0x0  }
0x1aa: {  	p6 =	por !p4, !p3  }
0x1ab: {  	p6 =	por !p6, !p6  }
0x1ac: {  	p0 =	por p5, !p6  }
.Ltmp38:
0x1ad: {  	_ = 	snop;
	(pc) =	sbr.rel @p0 .LBB2_46-.Ltmp38, $1  }
0x1ae: {  	_ =	sdelay $0x3  }
0x1af: {  	_ =	swait.ge [sflag:s26], $0x4000  }
0x1b0: {  	[sflag:s26] =	ssyncset.done $0x0  }
0x1b1: {  	[sflag:s26] =	ssyncadd.s32 $0xFFFFC000  }
.LBB2_47:
0x1b2: {  	[tilespmem:s20], [sflag:$0x3] =	stream.indirect.gather [hbm4b:s3+s17], $0x80, s10, s17, $0xb8;
	[tilespmem:$0x19E00] =	vst v63  }
.LBB2_48:
0x1b3: {  	p0 =	seq.s32 s5, $0x1  }
0x1b4: {  	p0 =	por !p4, !p0  }
0x1b5: {  	p4 =	por !p0, !p0  }
0x1b6: {  	p0 =	por p5, !p4  }
.Ltmp39:
0x1b7: {  	_ = 	snop;
	(pc) =	sbr.rel @p0 .LBB2_53-.Ltmp39, $1  }
0x1b8: {  	_ =	sdelay $0x3  }
0x1b9: {  	_ =	swait.ge [sflag:s28], $0x4000  }
0x1ba: {  	[sflag:s28] =	ssyncset.done $0x0  }
0x1bb: {  	[sflag:s28] =	ssyncadd.s32 $0xFFFFC000  }
.LBB2_50:
0x1bc: {  	p0 =	sgt.s32 s5, $0x1  }
.Ltmp40:
0x1bd: {  	_ = 	snop;
	(pc) =	sbr.rel @p0 .LBB2_59-.Ltmp40, $2  }
0x1be: {  	_ =	sdelay $0x2  }
0x1bf: {  	[tilespmem:s25], [sflag:$0x4] =	stream.indirect.gather [hbm4b:s3+s17], $0x80, s10, s17, $0xb8;
	[tilespmem:$0x19E00] =	vst v63  }
.Ltmp41:
0x1c0: {  	(pc) =	sbr.rel @p3 .LBB2_63-.Ltmp41, $1  }
0x1c1: {  	_ =	sdelay $0x3  }
.LBB2_52:
0x1c2: {  	_ =	swait.ge [sflag:s12], $0x4000  }
0x1c3: {  	[sflag:s12] =	ssyncset.done $0x0  }
0x1c4: {  	[sflag:s12] =	ssyncadd.s32 $0xFFFFC000  }
0x1c5: {  	[hbm4b:s4+s17] =	stream.indirect.scatter [tilespmem:s23], [sflag:$0x6], $0x80, s0, s17, $0xb8;
	[tilespmem:$0x19E00] =	vst v63  }
.LBB2_57:
.Ltmp42:
0x1c6: {  	(pc) =	sbr.rel @p1 .LBB2_62-.Ltmp42, $1  }
0x1c7: {  	_ =	sdelay $0x3  }
0x1c8: {  	p0 =	sne.s32 s5, $0x2  }
.Ltmp43:
0x1c9: {  	_ = 	snop;
	(pc) =	sbr.rel @!p0 .LBB2_60-.Ltmp43, $4  }
.Ltmp44:
0x1ca: {  	_ = 	snop;
	(pc) =	sbr.rel @p0 .LBB2_63-.Ltmp44, $4  }
0x1cb: {  	_ = 	snop  }
0x1cc: {  	_ = 	snop  }
0x1cd: {  	_ = 	snop  }
0x1ce: {  	_ = 	snop  }
.LBB2_59:
.Ltmp45:
0x1cf: {  	(pc) =	sbr.rel @!p2 .LBB2_62-.Ltmp45, $1  }
0x1d0: {  	_ =	sdelay $0x3  }
.LBB2_60:
.Ltmp46:
0x1d1: {  	(pc) =	sbr.rel .LBB2_63-.Ltmp46, $4  }
0x1d2: {  	_ =	swait.ge [sflag:s19], $0x4000  }
0x1d3: {  	[sflag:s19] =	ssyncset.done $0x0  }
0x1d4: {  	[sflag:s19] =	ssyncadd.s32 $0xFFFFC000  }
0x1d5: {  	[hbm4b:s4+s17] =	stream.indirect.scatter [tilespmem:s20], [sflag:$0x7], $0x80, s0, s17, $0xb8;
	[tilespmem:$0x19E00] =	vst v63  }
.LBB2_46:
.Ltmp47:
0x1d6: {  	(pc) =	sbr.rel @!p6 .LBB2_48-.Ltmp47, $4  }
.Ltmp48:
0x1d7: {  	(pc) =	sbr.rel @p6 .LBB2_47-.Ltmp48, $4  }
0x1d8: {  	_ = 	snop  }
0x1d9: {  	_ = 	snop  }
0x1da: {  	_ = 	snop  }
0x1db: {  	_ = 	snop  }
.LBB2_53:
.Ltmp49:
0x1dc: {  	(pc) =	sbr.rel @p4 .LBB2_50-.Ltmp49, $1  }
0x1dd: {  	_ =	sdelay $0x3  }
0x1de: {  	p0 =	sgt.s32 s5, $0x1  }
.Ltmp50:
0x1df: {  	_ = 	snop;
	(pc) =	sbr.rel @p0 .LBB2_61-.Ltmp50, $1  }
0x1e0: {  	_ =	sdelay $0x3  }
.Ltmp51:
0x1e1: {  	(pc) =	sbr.rel @!p3 .LBB2_52-.Ltmp51, $1  }
0x1e2: {  	_ =	sdelay $0x3  }
.Ltmp52:
0x1e3: {  	(pc) =	sbr.rel .LBB2_57-.Ltmp52, $4  }
0x1e4: {  	_ =	swait.ge [sflag:s11], $0x4000  }
0x1e5: {  	[sflag:s11] =	ssyncset.done $0x0  }
0x1e6: {  	[sflag:s11] =	ssyncadd.s32 $0xFFFFC000  }
0x1e7: {  	[hbm4b:s4+s17] =	stream.indirect.scatter [tilespmem:s18], [sflag:$0x5], $0x80, s0, s17, $0xb8;
	[tilespmem:$0x19E00] =	vst v63  }
.LBB2_61:
.Ltmp53:
0x1e8: {  	(pc) =	sbr.rel @p2 .LBB2_60-.Ltmp53, $4  }
.Ltmp54:
0x1e9: {  	(pc) =	sbr.rel @!p2 .LBB2_62-.Ltmp54, $4  }
0x1ea: {  	_ = 	snop  }
0x1eb: {  	_ = 	snop  }
0x1ec: {  	_ = 	snop  }
0x1ed: {  	_ = 	snop  }
.LBB2_66:
0x1ee: {  	_ =	sfence.sel $0x180000  }
0x1ef: {  	[bflag:$0x0] =	sbarrier.arrive $0xFFFF  }
0x1f0: {  	_ =	strace $0x90000047  }
0x1f1: {  	s0 =	stileid.u32;
	[bflag:$0x2] =	sbarrier.arrive $0xFFFF  }
0x1f2: {  	p0 =	sne.s32 s0, $0x0;
	s0 =	rddreg [dreg:$0x5]  }
0x1f3: {  	s0 =	sadd.s32 @!p0 $0x100000, s0  }
0x1f4: {  	[sflag:s0] =	ssyncadd.tile.s32 @!p0 $0x1;
	_ =	shalt  }
.Lfunc_end2:
_tile_overlayer_lowered:
.L_overlay_start_2:
0x1f5: {  	(tag) =	ssettag $0x2  }
0x1f6: {  	s0 =	rddreg [dreg:$0x0];
	s2 =	stileid.u32  }
0x1f7: {  	s1 =	rddreg [dreg:$0x1];
	p0 =	sne.s32 s2, $0x0  }
0x1f8: {  	s3 =	rddreg [dreg:$0x2];
	[bflag:$0x3] =	sbarrier.arrive $0xFFFF;
	s2 =	simm.s32 @!p0 $0x1C09  }
0x1f9: {  	[timem:s3], [sflag:s2] =	dma.local @!p0 [hbm:s0], s1  }
0x1fa: {  	s0 =	simm.s32 @!p0 $0x9  }
0x1fb: {  	_ =	swait.ge @!p0 [sflag:s0], s1  }
0x1fc: {  	s1 =	ssub.s32 @!p0 $0x0, s1;
	[sflag:s0] =	ssyncset.done @!p0 $0x0  }
0x1fd: {  	[sflag:s0] =	ssyncadd.s32 @!p0 s1  }
0x1fe: {  	[bflag:$0x3] =	sbarrier.arrive $0xFFFF  }
0x1ff: {  	_ =	shalt  }

</sc_bundles>
